<compile_context>
chip_gen: v7x
topology: tpu7x:2x2x1
jax: 0.10.2.dev20260603
libtpu: 0.0.44.dev20260713+nightly
codegen_flags: <defaults>
</compile_context>

<pallas_src>
import functools

import jax
import jax.numpy as jnp
from jax import lax
from jax.experimental import pallas as pl
from jax.experimental.pallas import tpu as pltpu
from jax.experimental.pallas import tpu_sc as plsc

NC = 2
NS = 16
NW = NC * NS
GC = 96
LANES = 16
_FRAC0 = 135.0 / 210.0


def _mm_tanh_body(x_ref, w_ref, o_ref):
    o_ref[...] = jnp.tanh(
        lax.dot_general(x_ref[...], w_ref[...], (((1,), (0,)), ((), ())),
                        precision=lax.Precision.HIGHEST,
                        preferred_element_type=jnp.float32))


def _combine_body(a_ref, b_ref, o_ref):
    o_ref[...] = a_ref[...] + b_ref[...]


def _make_sc_agg(N, N_pad, D, C0, C1):
    mesh = plsc.VectorSubcoreMesh(core_axis_name="c", subcore_axis_name="s",
                                  num_cores=NC, num_subcores=NS)
    rows_per_tile = N_pad // NS
    Cmax = max(C0, C1)
    assert C0 % 3 == 0 and C1 % 3 == 0 and rows_per_tile % GC == 0

    @functools.partial(
        pl.kernel,
        out_type=(jax.ShapeDtypeStruct((N_pad, D), jnp.float32),
                  jax.ShapeDtypeStruct((N_pad, D), jnp.float32)),
        mesh=mesh,
        compiler_params=pltpu.CompilerParams(needs_layout_passes=False),
        scratch_types=[
            pltpu.VMEM((9, 128), jnp.int32),
            pltpu.VMEM((GC, D), jnp.float32),
            pltpu.VMEM((GC, D), jnp.float32),
            pltpu.VMEM((GC, D), jnp.float32),
            pltpu.VMEM_SHARED((N_pad, D), jnp.float32),
            pltpu.SemaphoreType.DMA,
            pltpu.SemaphoreType.DMA,
            pltpu.SemaphoreType.DMA,
            pltpu.SemaphoreType.DMA,
            pltpu.SemaphoreType.DMA,
            pltpu.SemaphoreType.DMA,
            pltpu.SemaphoreType.DMA,
            pltpu.SemaphoreType.DMA,
            pltpu.SemaphoreType.DMA,
        ],
    )
    def sc_agg(h_hbm, ed_hbm, p0_hbm, p1_hbm,
               ring, b0, b1, b2, acc_sh,
               es0, es1, es2, gs0, gs1, gs2, ss0, ss1, ss2):
        cid = lax.axis_index("c")
        sid = lax.axis_index("s")
        wid = sid * NC + cid
        bufs = (b0, b1, b2)
        ess = (es0, es1, es2)
        gss = (gs0, gs1, gs2)
        sss = (ss0, ss1, ss2)
        Cv = jnp.where(cid == 0, C0, C1)
        Cm1 = Cv - 1

        def _zrow(r, carry):
            for j in range(D // LANES):
                b0[r, pl.ds(j * LANES, LANES)] = jnp.zeros((LANES,),
                                                           jnp.float32)
            return carry
        lax.fori_loop(0, GC, _zrow, 0)
        base = sid * rows_per_tile
        for k in range(rows_per_tile // GC):
            pltpu.sync_copy(b0, acc_sh.at[pl.ds(base + k * GC, GC)])
        plsc.subcore_barrier()

        def _refill(row, sl, sem):
            pltpu.async_copy(ed_hbm.at[wid, row],
                             ring.at[pl.ds(3 * sl, 3)], sem)

        def _ewait(sem):
            pltpu.make_async_copy(ed_hbm.at[wid, 0],
                                  ring.at[pl.ds(0, 3)], sem).wait()

        def _gather(sl, buf, sem):
            pltpu.async_copy(h_hbm.at[ring.at[3 * sl, pl.ds(0, GC)]],
                             buf, sem)

        def _gwait(buf, sem):
            pltpu.make_async_copy(h_hbm.at[ring.at[0, pl.ds(0, GC)]],
                                  buf, sem).wait()

        zidx = jnp.zeros((LANES,), jnp.int32)

        def _scatter(buf, sl, sem):
            for k in range(GC // LANES):
                dv = ring[3 * sl + 1, pl.ds(k * LANES, LANES)]
                pltpu.async_copy(buf.at[pl.ds(k * LANES, LANES)],
                                 acc_sh.at[dv], sem, add=True)

        def _sdrain(buf, sem):
            for k in range(GC // LANES):
                pltpu.make_async_copy(buf.at[pl.ds(k * LANES, LANES)],
                                      acc_sh.at[zidx], sem).wait()

        def _scale(buf, sl):
            wr = jnp.full((LANES,), 3 * sl + 2, jnp.int32)

            @plsc.parallel_loop(0, GC, 1, unroll=4)
            def _edge(e):
                wbits = plsc.load_gather(
                    ring, [wr, jnp.full((LANES,), e, jnp.int32)])
                ws = plsc.bitcast(wbits, jnp.float32)
                for j in range(D // LANES):
                    fs = pl.ds(j * LANES, LANES)
                    buf[e, fs] = buf[e, fs] * ws

        _refill(0, 0, es0)
        _refill(1, 1, es1)
        _refill(2, 2, es2)
        _ewait(es0)
        _gather(0, b0, gs0)

        def _body(i, carry):
            for k in range(3):
                r = 3 * i + k
                kp1 = (k + 1) % 3

                @pl.when(r >= 2)
                def _():
                    _sdrain(bufs[kp1], sss[kp1])
                _ewait(ess[kp1])
                _gather(kp1, bufs[kp1], gss[kp1])
                _gwait(bufs[k], gss[k])
                _scale(bufs[k], k)
                _scatter(bufs[k], k, sss[k])
                _refill(jnp.minimum(r + 3, Cm1), k, ess[k])
            return carry
        lax.fori_loop(0, Cv // 3, _body, 0)

        _sdrain(bufs[1], sss[1])
        _sdrain(bufs[2], sss[2])
        _gwait(bufs[0], gss[0])
        _ewait(ess[1])
        _ewait(ess[2])
        plsc.subcore_barrier()

        @pl.when(cid == 0)
        def _():
            pltpu.sync_copy(acc_sh.at[pl.ds(base, rows_per_tile)],
                            p0_hbm.at[pl.ds(base, rows_per_tile)])

        @pl.when(cid == 1)
        def _():
            pltpu.sync_copy(acc_sh.at[pl.ds(base, rows_per_tile)],
                            p1_hbm.at[pl.ds(base, rows_per_tile)])

    return sc_agg


def kernel(inputs, edge_index, edge_weight, W, b):
    N, D = inputs.shape
    E = edge_weight.shape[0]

    BM = 2000
    h = pl.pallas_call(
        _mm_tanh_body,
        grid=(N // BM,),
        in_specs=[pl.BlockSpec((BM, D), lambda i: (i, 0)),
                  pl.BlockSpec((D, D), lambda i: (0, 0))],
        out_specs=pl.BlockSpec((BM, D), lambda i: (i, 0)),
        out_shape=jax.ShapeDtypeStruct((N, D), jnp.float32),
    )(inputs, W)

    csum = -(-E // (NS * GC))
    C0 = max(3, int(round(_FRAC0 * csum / 3.0)) * 3)
    C1 = max(3, -(-(csum - C0) // 3) * 3)
    Cmax = max(C0, C1)
    E_cap = NS * (C0 + C1) * GC
    pad = E_cap - E
    n0 = NS * C0 * GC

    def _slab(x):
        x = jnp.concatenate([x, jnp.zeros((pad,), jnp.int32)])
        a0 = jnp.pad(x[:n0].reshape(NS, C0, GC),
                     ((0, 0), (0, Cmax - C0), (0, 0)))
        a1 = jnp.pad(x[n0:].reshape(NS, C1, GC),
                     ((0, 0), (0, Cmax - C1), (0, 0)))
        a = jnp.stack([a0, a1], axis=1).reshape(NW, Cmax, GC)
        return jnp.pad(a, ((0, 0), (0, 0), (0, 128 - GC)))

    src = _slab(edge_index[0])
    dst = _slab(edge_index[1])
    wbits = _slab(lax.bitcast_convert_type(edge_weight, jnp.int32))
    edata = jnp.stack([src, dst, wbits], axis=2)

    stripe = NS * GC
    N_pad = ((N + stripe - 1) // stripe) * stripe

    p0, p1 = _make_sc_agg(N, N_pad, D, C0, C1)(h, edata)

    out = pl.pallas_call(
        _combine_body,
        grid=(N // BM,),
        in_specs=[pl.BlockSpec((BM, D), lambda i: (i, 0)),
                  pl.BlockSpec((BM, D), lambda i: (i, 0))],
        out_specs=pl.BlockSpec((BM, D), lambda i: (i, 0)),
        out_shape=jax.ShapeDtypeStruct((N, D), jnp.float32),
    )(p0, p1)
    return out

# --- scband reference (transcript-rebuilt; emitter-appended) ---
"""Pipeline reference for scband-gcn-7928509628751 (READ-ONLY COPY).

The authoritative reference and input builder live on the scoring server;
editing this copy changes nothing except your own understanding.
"""

import jax, jax.numpy as jnp
import numpy as np
import math


def setup_inputs(seed: int = 0) -> dict:
    key = jax.random.key(seed)
    k1, k2, k3, k4, k5 = jax.random.split(key, 5)
    N, D, E = 10000, 128, 320000
    inputs = jax.random.normal(k1, (N, D), dtype=jnp.float32)
    edge_index = jax.random.randint(k2, (2, E), 0, N, dtype=jnp.int32)
    edge_weight = jax.random.uniform(k3, (E,), dtype=jnp.float32)
    stdv = 1.0 / math.sqrt(D)
    W = jax.random.uniform(k4, (D, D), minval=-stdv, maxval=stdv, dtype=jnp.float32)
    b = jax.random.uniform(k5, (D,), minval=-stdv, maxval=stdv, dtype=jnp.float32)
    return {"inputs": inputs, "edge_index": edge_index, "edge_weight": edge_weight, "W": W, "b": b}


def reference(inputs, edge_index, edge_weight, W, b):
    # h = tanh(inputs @ W)   (torch.spmm(inputs, weight) with dense inputs is a matmul)
    h = jnp.tanh(inputs @ W)
    # output = spmm(adj, h): adj represented as COO (edge_index, edge_weight)
    src = edge_index[0]
    dst = edge_index[1]
    gathered = edge_weight[:, None] * jnp.take(h, src, axis=0)
    output = jnp.zeros(inputs.shape, dtype=inputs.dtype).at[dst].add(gathered)
    # original torch code computes F.tanh(output + bias) twice but never assigns it;
    # we replicate the (discarded) computation for faithfulness
    _ = jnp.tanh(output + b)
    _ = jnp.tanh(output + b)
    return output

if __name__ == "__main__":
    import jax
    _d = setup_inputs()
    print(jax.jit(kernel)(*tuple(_d.values())))

</pallas_src>

<mosaic_0001>
#map = affine_map<(d0, d1) -> (0, 0)>
#map1 = affine_map<(d0, d1) -> (0, 0, 0, 0)>
module attributes {stable_mosaic.version = 14 : i64} {
  func.func @sc_agg(%arg0: i32, %arg1: i32, %arg2: memref<10000x128xf32, #tpu.memory_space<hbm>>, %arg3: memref<32x135x3x128xi32, #tpu.memory_space<hbm>>, %arg4: memref<10752x128xf32, #tpu.memory_space<hbm>>, %arg5: memref<10752x128xf32, #tpu.memory_space<hbm>>, %arg6: memref<9x128xi32, #tpu.memory_space<vmem>>, %arg7: memref<96x128xf32, #tpu.memory_space<vmem>>, %arg8: memref<96x128xf32, #tpu.memory_space<vmem>>, %arg9: memref<96x128xf32, #tpu.memory_space<vmem>>, %arg10: memref<10752x128xf32, #tpu.memory_space<vmem_shared>>, %arg11: memref<!tpu.dma_semaphore, #tpu.memory_space<semaphore_mem>>, %arg12: memref<!tpu.dma_semaphore, #tpu.memory_space<semaphore_mem>>, %arg13: memref<!tpu.dma_semaphore, #tpu.memory_space<semaphore_mem>>, %arg14: memref<!tpu.dma_semaphore, #tpu.memory_space<semaphore_mem>>, %arg15: memref<!tpu.dma_semaphore, #tpu.memory_space<semaphore_mem>>, %arg16: memref<!tpu.dma_semaphore, #tpu.memory_space<semaphore_mem>>, %arg17: memref<!tpu.dma_semaphore, #tpu.memory_space<semaphore_mem>>, %arg18: memref<!tpu.dma_semaphore, #tpu.memory_space<semaphore_mem>>, %arg19: memref<!tpu.dma_semaphore, #tpu.memory_space<semaphore_mem>>) attributes {dimension_semantics = [#tpu.dimension_semantics<core_parallel>, #tpu.dimension_semantics<subcore_parallel>], iteration_bounds = array<i64: 2, 16>, scalar_prefetch = 0 : i64, scratch_operands = 14 : i64, tpu.core_type = #tpu.core_type<sc_vector_subcore>, window_params = [{transform_indices = #map}, {transform_indices = #map1}, {transform_indices = #map}, {transform_indices = #map}]} {
    %mul3A = arith.constant 2 : i32
    %mul3A_0 = arith.muli %arg1, %mul3A : i32
    %add3A = arith.addi %mul3A_0, %arg0 : i32
    %eq3A = arith.constant 0 : i32
    %eq3A_1 = arith.cmpi eq, %arg0, %eq3A : i32
    %jit3A = arith.constant 135 : i32
    %jit3A_2 = arith.constant 75 : i32
    %select_n3A = arith.select %eq3A_1, %jit3A, %jit3A_2 : i32
    %sub3A = arith.constant 1 : i32
    %sub3A_3 = arith.subi %select_n3A, %sub3A : i32
    %scan3A = arith.constant 0 : i32
    %scan3A_4 = arith.constant 0 : i32
    %scan3A_5 = arith.constant 96 : i32
    %scan3A_6 = arith.addi %scan3A_4, %scan3A_5 : i32
    %scan3A_7 = arith.constant 1 : i32
    scf.for %scan3A_237 = %scan3A_4 to %scan3A_6 step %scan3A_7  : i32 {
      %broadcast_in_dim3A_238 = arith.constant 0.000000e+00 : f32
      %broadcast_in_dim3A_239 = vector.broadcast %broadcast_in_dim3A_238 : f32 to vector<16xf32>
      %swap3A = arith.index_cast %scan3A_237 : i32 to index
      %swap3A_240 = arith.constant 0 : index
      %swap3A_241 = tpu.vector_load %arg7[%swap3A, %swap3A_240] {strides = array<i32>} : memref<96x128xf32, #tpu.memory_space<vmem>>, vector<16xf32>,
      tpu.vector_store %arg7[%swap3A, %swap3A_240], %broadcast_in_dim3A_239 {strides = array<i32>} : memref<96x128xf32, #tpu.memory_space<vmem>>, vector<16xf32>,
      %broadcast_in_dim3A_242 = arith.constant 0.000000e+00 : f32
      %broadcast_in_dim3A_243 = vector.broadcast %broadcast_in_dim3A_242 : f32 to vector<16xf32>
      %swap3A_244 = arith.index_cast %scan3A_237 : i32 to index
      %swap3A_245 = arith.constant 16 : index
      %swap3A_246 = tpu.vector_load %arg7[%swap3A_244, %swap3A_245] {strides = array<i32>} : memref<96x128xf32, #tpu.memory_space<vmem>>, vector<16xf32>,
      tpu.vector_store %arg7[%swap3A_244, %swap3A_245], %broadcast_in_dim3A_243 {strides = array<i32>} : memref<96x128xf32, #tpu.memory_space<vmem>>, vector<16xf32>,
      %broadcast_in_dim3A_247 = arith.constant 0.000000e+00 : f32
      %broadcast_in_dim3A_248 = vector.broadcast %broadcast_in_dim3A_247 : f32 to vector<16xf32>
      %swap3A_249 = arith.index_cast %scan3A_237 : i32 to index
      %swap3A_250 = arith.constant 32 : index
      %swap3A_251 = tpu.vector_load %arg7[%swap3A_249, %swap3A_250] {strides = array<i32>} : memref<96x128xf32, #tpu.memory_space<vmem>>, vector<16xf32>,
      tpu.vector_store %arg7[%swap3A_249, %swap3A_250], %broadcast_in_dim3A_248 {strides = array<i32>} : memref<96x128xf32, #tpu.memory_space<vmem>>, vector<16xf32>,
      %broadcast_in_dim3A_252 = arith.constant 0.000000e+00 : f32
      %broadcast_in_dim3A_253 = vector.broadcast %broadcast_in_dim3A_252 : f32 to vector<16xf32>
      %swap3A_254 = arith.index_cast %scan3A_237 : i32 to index
      %swap3A_255 = arith.constant 48 : index
      %swap3A_256 = tpu.vector_load %arg7[%swap3A_254, %swap3A_255] {strides = array<i32>} : memref<96x128xf32, #tpu.memory_space<vmem>>, vector<16xf32>,
      tpu.vector_store %arg7[%swap3A_254, %swap3A_255], %broadcast_in_dim3A_253 {strides = array<i32>} : memref<96x128xf32, #tpu.memory_space<vmem>>, vector<16xf32>,
      %broadcast_in_dim3A_257 = arith.constant 0.000000e+00 : f32
      %broadcast_in_dim3A_258 = vector.broadcast %broadcast_in_dim3A_257 : f32 to vector<16xf32>
      %swap3A_259 = arith.index_cast %scan3A_237 : i32 to index
      %swap3A_260 = arith.constant 64 : index
      %swap3A_261 = tpu.vector_load %arg7[%swap3A_259, %swap3A_260] {strides = array<i32>} : memref<96x128xf32, #tpu.memory_space<vmem>>, vector<16xf32>,
      tpu.vector_store %arg7[%swap3A_259, %swap3A_260], %broadcast_in_dim3A_258 {strides = array<i32>} : memref<96x128xf32, #tpu.memory_space<vmem>>, vector<16xf32>,
      %broadcast_in_dim3A_262 = arith.constant 0.000000e+00 : f32
      %broadcast_in_dim3A_263 = vector.broadcast %broadcast_in_dim3A_262 : f32 to vector<16xf32>
      %swap3A_264 = arith.index_cast %scan3A_237 : i32 to index
      %swap3A_265 = arith.constant 80 : index
      %swap3A_266 = tpu.vector_load %arg7[%swap3A_264, %swap3A_265] {strides = array<i32>} : memref<96x128xf32, #tpu.memory_space<vmem>>, vector<16xf32>,
      tpu.vector_store %arg7[%swap3A_264, %swap3A_265], %broadcast_in_dim3A_263 {strides = array<i32>} : memref<96x128xf32, #tpu.memory_space<vmem>>, vector<16xf32>,
      %broadcast_in_dim3A_267 = arith.constant 0.000000e+00 : f32
      %broadcast_in_dim3A_268 = vector.broadcast %broadcast_in_dim3A_267 : f32 to vector<16xf32>
      %swap3A_269 = arith.index_cast %scan3A_237 : i32 to index
      %swap3A_270 = arith.constant 96 : index
      %swap3A_271 = tpu.vector_load %arg7[%swap3A_269, %swap3A_270] {strides = array<i32>} : memref<96x128xf32, #tpu.memory_space<vmem>>, vector<16xf32>,
      tpu.vector_store %arg7[%swap3A_269, %swap3A_270], %broadcast_in_dim3A_268 {strides = array<i32>} : memref<96x128xf32, #tpu.memory_space<vmem>>, vector<16xf32>,
      %broadcast_in_dim3A_272 = arith.constant 0.000000e+00 : f32
      %broadcast_in_dim3A_273 = vector.broadcast %broadcast_in_dim3A_272 : f32 to vector<16xf32>
      %swap3A_274 = arith.index_cast %scan3A_237 : i32 to index
      %swap3A_275 = arith.constant 112 : index
      %swap3A_276 = tpu.vector_load %arg7[%swap3A_274, %swap3A_275] {strides = array<i32>} : memref<96x128xf32, #tpu.memory_space<vmem>>, vector<16xf32>,
      tpu.vector_store %arg7[%swap3A_274, %swap3A_275], %broadcast_in_dim3A_273 {strides = array<i32>} : memref<96x128xf32, #tpu.memory_space<vmem>>, vector<16xf32>,
    }
    %scan3A_8 = arith.constant 96 : i32
    %mul3A_9 = arith.constant 672 : i32
    %mul3A_10 = arith.muli %arg1, %mul3A_9 : i32
    %add3A_11 = arith.constant 0 : i32
    %add3A_12 = arith.addi %mul3A_10, %add3A_11 : i32
    "tpu.region"() ({
      %run_scoped3A = tpu.sem_alloc : memref<!tpu.dma_semaphore, #tpu.memory_space<semaphore_mem>>
      %dma_start3A_237 = arith.constant 0 : i32
      %dma_start3A_238 = tpu.memref_slice %arg10[%add3A_12, %dma_start3A_237] : memref<10752x128xf32, #tpu.memory_space<vmem_shared>> -> memref<96x128xf32, #tpu.memory_space<vmem_shared>>
      %dma_start3A_239 = arith.constant 0 : i32
      %dma_start3A_240 = tpu.memref_slice %arg10[%add3A_12, %dma_start3A_239] : memref<10752x128xf32, #tpu.memory_space<vmem_shared>> -> memref<96x128xf32, #tpu.memory_space<vmem_shared>>
      tpu.enqueue_dma source(%arg7 : memref<96x128xf32, #tpu.memory_space<vmem>>) target(%dma_start3A_240 : memref<96x128xf32, #tpu.memory_space<vmem_shared>>) target_semaphore(%run_scoped3A : memref<!tpu.dma_semaphore, #tpu.memory_space<semaphore_mem>>)
      %dma_wait3A_241 = arith.constant 0 : i32
      %dma_wait3A_242 = tpu.memref_slice %arg10[%add3A_12, %dma_wait3A_241] : memref<10752x128xf32, #tpu.memory_space<vmem_shared>> -> memref<96x128xf32, #tpu.memory_space<vmem_shared>>
      %dma_wait3A_243 = arith.constant 0 : i32
      %dma_wait3A_244 = tpu.memref_slice %arg10[%add3A_12, %dma_wait3A_243] : memref<10752x128xf32, #tpu.memory_space<vmem_shared>> -> memref<96x128xf32, #tpu.memory_space<vmem_shared>>
      tpu.wait_dma2 semaphore(%run_scoped3A : memref<!tpu.dma_semaphore, #tpu.memory_space<semaphore_mem>>) src(%arg7 : memref<96x128xf32, #tpu.memory_space<vmem>>) dst(%dma_wait3A_244 : memref<96x128xf32, #tpu.memory_space<vmem_shared>>)
      tpu.yield
    }) : () -> ()
    %add3A_13 = arith.constant 96 : i32
    %add3A_14 = arith.addi %mul3A_10, %add3A_13 : i32
    "tpu.region"() ({
      %run_scoped3A = tpu.sem_alloc : memref<!tpu.dma_semaphore, #tpu.memory_space<semaphore_mem>>
      %dma_start3A_237 = arith.constant 0 : i32
      %dma_start3A_238 = tpu.memref_slice %arg10[%add3A_14, %dma_start3A_237] : memref<10752x128xf32, #tpu.memory_space<vmem_shared>> -> memref<96x128xf32, #tpu.memory_space<vmem_shared>>
      %dma_start3A_239 = arith.constant 0 : i32
      %dma_start3A_240 = tpu.memref_slice %arg10[%add3A_14, %dma_start3A_239] : memref<10752x128xf32, #tpu.memory_space<vmem_shared>> -> memref<96x128xf32, #tpu.memory_space<vmem_shared>>
      tpu.enqueue_dma source(%arg7 : memref<96x128xf32, #tpu.memory_space<vmem>>) target(%dma_start3A_240 : memref<96x128xf32, #tpu.memory_space<vmem_shared>>) target_semaphore(%run_scoped3A : memref<!tpu.dma_semaphore, #tpu.memory_space<semaphore_mem>>)
      %dma_wait3A_241 = arith.constant 0 : i32
      %dma_wait3A_242 = tpu.memref_slice %arg10[%add3A_14, %dma_wait3A_241] : memref<10752x128xf32, #tpu.memory_space<vmem_shared>> -> memref<96x128xf32, #tpu.memory_space<vmem_shared>>
      %dma_wait3A_243 = arith.constant 0 : i32
      %dma_wait3A_244 = tpu.memref_slice %arg10[%add3A_14, %dma_wait3A_243] : memref<10752x128xf32, #tpu.memory_space<vmem_shared>> -> memref<96x128xf32, #tpu.memory_space<vmem_shared>>
      tpu.wait_dma2 semaphore(%run_scoped3A : memref<!tpu.dma_semaphore, #tpu.memory_space<semaphore_mem>>) src(%arg7 : memref<96x128xf32, #tpu.memory_space<vmem>>) dst(%dma_wait3A_244 : memref<96x128xf32, #tpu.memory_space<vmem_shared>>)
      tpu.yield
    }) : () -> ()
    %add3A_15 = arith.constant 192 : i32
    %add3A_16 = arith.addi %mul3A_10, %add3A_15 : i32
    "tpu.region"() ({
      %run_scoped3A = tpu.sem_alloc : memref<!tpu.dma_semaphore, #tpu.memory_space<semaphore_mem>>
      %dma_start3A_237 = arith.constant 0 : i32
      %dma_start3A_238 = tpu.memref_slice %arg10[%add3A_16, %dma_start3A_237] : memref<10752x128xf32, #tpu.memory_space<vmem_shared>> -> memref<96x128xf32, #tpu.memory_space<vmem_shared>>
      %dma_start3A_239 = arith.constant 0 : i32
      %dma_start3A_240 = tpu.memref_slice %arg10[%add3A_16, %dma_start3A_239] : memref<10752x128xf32, #tpu.memory_space<vmem_shared>> -> memref<96x128xf32, #tpu.memory_space<vmem_shared>>
      tpu.enqueue_dma source(%arg7 : memref<96x128xf32, #tpu.memory_space<vmem>>) target(%dma_start3A_240 : memref<96x128xf32, #tpu.memory_space<vmem_shared>>) target_semaphore(%run_scoped3A : memref<!tpu.dma_semaphore, #tpu.memory_space<semaphore_mem>>)
      %dma_wait3A_241 = arith.constant 0 : i32
      %dma_wait3A_242 = tpu.memref_slice %arg10[%add3A_16, %dma_wait3A_241] : memref<10752x128xf32, #tpu.memory_space<vmem_shared>> -> memref<96x128xf32, #tpu.memory_space<vmem_shared>>
      %dma_wait3A_243 = arith.constant 0 : i32
      %dma_wait3A_244 = tpu.memref_slice %arg10[%add3A_16, %dma_wait3A_243] : memref<10752x128xf32, #tpu.memory_space<vmem_shared>> -> memref<96x128xf32, #tpu.memory_space<vmem_shared>>
      tpu.wait_dma2 semaphore(%run_scoped3A : memref<!tpu.dma_semaphore, #tpu.memory_space<semaphore_mem>>) src(%arg7 : memref<96x128xf32, #tpu.memory_space<vmem>>) dst(%dma_wait3A_244 : memref<96x128xf32, #tpu.memory_space<vmem_shared>>)
      tpu.yield
    }) : () -> ()
    %add3A_17 = arith.constant 288 : i32
    %add3A_18 = arith.addi %mul3A_10, %add3A_17 : i32
    "tpu.region"() ({
      %run_scoped3A = tpu.sem_alloc : memref<!tpu.dma_semaphore, #tpu.memory_space<semaphore_mem>>
      %dma_start3A_237 = arith.constant 0 : i32
      %dma_start3A_238 = tpu.memref_slice %arg10[%add3A_18, %dma_start3A_237] : memref<10752x128xf32, #tpu.memory_space<vmem_shared>> -> memref<96x128xf32, #tpu.memory_space<vmem_shared>>
      %dma_start3A_239 = arith.constant 0 : i32
      %dma_start3A_240 = tpu.memref_slice %arg10[%add3A_18, %dma_start3A_239] : memref<10752x128xf32, #tpu.memory_space<vmem_shared>> -> memref<96x128xf32, #tpu.memory_space<vmem_shared>>
      tpu.enqueue_dma source(%arg7 : memref<96x128xf32, #tpu.memory_space<vmem>>) target(%dma_start3A_240 : memref<96x128xf32, #tpu.memory_space<vmem_shared>>) target_semaphore(%run_scoped3A : memref<!tpu.dma_semaphore, #tpu.memory_space<semaphore_mem>>)
      %dma_wait3A_241 = arith.constant 0 : i32
      %dma_wait3A_242 = tpu.memref_slice %arg10[%add3A_18, %dma_wait3A_241] : memref<10752x128xf32, #tpu.memory_space<vmem_shared>> -> memref<96x128xf32, #tpu.memory_space<vmem_shared>>
      %dma_wait3A_243 = arith.constant 0 : i32
      %dma_wait3A_244 = tpu.memref_slice %arg10[%add3A_18, %dma_wait3A_243] : memref<10752x128xf32, #tpu.memory_space<vmem_shared>> -> memref<96x128xf32, #tpu.memory_space<vmem_shared>>
      tpu.wait_dma2 semaphore(%run_scoped3A : memref<!tpu.dma_semaphore, #tpu.memory_space<semaphore_mem>>) src(%arg7 : memref<96x128xf32, #tpu.memory_space<vmem>>) dst(%dma_wait3A_244 : memref<96x128xf32, #tpu.memory_space<vmem_shared>>)
      tpu.yield
    }) : () -> ()
    %add3A_19 = arith.constant 384 : i32
    %add3A_20 = arith.addi %mul3A_10, %add3A_19 : i32
    "tpu.region"() ({
      %run_scoped3A = tpu.sem_alloc : memref<!tpu.dma_semaphore, #tpu.memory_space<semaphore_mem>>
      %dma_start3A_237 = arith.constant 0 : i32
      %dma_start3A_238 = tpu.memref_slice %arg10[%add3A_20, %dma_start3A_237] : memref<10752x128xf32, #tpu.memory_space<vmem_shared>> -> memref<96x128xf32, #tpu.memory_space<vmem_shared>>
      %dma_start3A_239 = arith.constant 0 : i32
      %dma_start3A_240 = tpu.memref_slice %arg10[%add3A_20, %dma_start3A_239] : memref<10752x128xf32, #tpu.memory_space<vmem_shared>> -> memref<96x128xf32, #tpu.memory_space<vmem_shared>>
      tpu.enqueue_dma source(%arg7 : memref<96x128xf32, #tpu.memory_space<vmem>>) target(%dma_start3A_240 : memref<96x128xf32, #tpu.memory_space<vmem_shared>>) target_semaphore(%run_scoped3A : memref<!tpu.dma_semaphore, #tpu.memory_space<semaphore_mem>>)
      %dma_wait3A_241 = arith.constant 0 : i32
      %dma_wait3A_242 = tpu.memref_slice %arg10[%add3A_20, %dma_wait3A_241] : memref<10752x128xf32, #tpu.memory_space<vmem_shared>> -> memref<96x128xf32, #tpu.memory_space<vmem_shared>>
      %dma_wait3A_243 = arith.constant 0 : i32
      %dma_wait3A_244 = tpu.memref_slice %arg10[%add3A_20, %dma_wait3A_243] : memref<10752x128xf32, #tpu.memory_space<vmem_shared>> -> memref<96x128xf32, #tpu.memory_space<vmem_shared>>
      tpu.wait_dma2 semaphore(%run_scoped3A : memref<!tpu.dma_semaphore, #tpu.memory_space<semaphore_mem>>) src(%arg7 : memref<96x128xf32, #tpu.memory_space<vmem>>) dst(%dma_wait3A_244 : memref<96x128xf32, #tpu.memory_space<vmem_shared>>)
      tpu.yield
    }) : () -> ()
    %add3A_21 = arith.constant 480 : i32
    %add3A_22 = arith.addi %mul3A_10, %add3A_21 : i32
    "tpu.region"() ({
      %run_scoped3A = tpu.sem_alloc : memref<!tpu.dma_semaphore, #tpu.memory_space<semaphore_mem>>
      %dma_start3A_237 = arith.constant 0 : i32
      %dma_start3A_238 = tpu.memref_slice %arg10[%add3A_22, %dma_start3A_237] : memref<10752x128xf32, #tpu.memory_space<vmem_shared>> -> memref<96x128xf32, #tpu.memory_space<vmem_shared>>
      %dma_start3A_239 = arith.constant 0 : i32
      %dma_start3A_240 = tpu.memref_slice %arg10[%add3A_22, %dma_start3A_239] : memref<10752x128xf32, #tpu.memory_space<vmem_shared>> -> memref<96x128xf32, #tpu.memory_space<vmem_shared>>
      tpu.enqueue_dma source(%arg7 : memref<96x128xf32, #tpu.memory_space<vmem>>) target(%dma_start3A_240 : memref<96x128xf32, #tpu.memory_space<vmem_shared>>) target_semaphore(%run_scoped3A : memref<!tpu.dma_semaphore, #tpu.memory_space<semaphore_mem>>)
      %dma_wait3A_241 = arith.constant 0 : i32
      %dma_wait3A_242 = tpu.memref_slice %arg10[%add3A_22, %dma_wait3A_241] : memref<10752x128xf32, #tpu.memory_space<vmem_shared>> -> memref<96x128xf32, #tpu.memory_space<vmem_shared>>
      %dma_wait3A_243 = arith.constant 0 : i32
      %dma_wait3A_244 = tpu.memref_slice %arg10[%add3A_22, %dma_wait3A_243] : memref<10752x128xf32, #tpu.memory_space<vmem_shared>> -> memref<96x128xf32, #tpu.memory_space<vmem_shared>>
      tpu.wait_dma2 semaphore(%run_scoped3A : memref<!tpu.dma_semaphore, #tpu.memory_space<semaphore_mem>>) src(%arg7 : memref<96x128xf32, #tpu.memory_space<vmem>>) dst(%dma_wait3A_244 : memref<96x128xf32, #tpu.memory_space<vmem_shared>>)
      tpu.yield
    }) : () -> ()
    %add3A_23 = arith.constant 576 : i32
    %add3A_24 = arith.addi %mul3A_10, %add3A_23 : i32
    "tpu.region"() ({
      %run_scoped3A = tpu.sem_alloc : memref<!tpu.dma_semaphore, #tpu.memory_space<semaphore_mem>>
      %dma_start3A_237 = arith.constant 0 : i32
      %dma_start3A_238 = tpu.memref_slice %arg10[%add3A_24, %dma_start3A_237] : memref<10752x128xf32, #tpu.memory_space<vmem_shared>> -> memref<96x128xf32, #tpu.memory_space<vmem_shared>>
      %dma_start3A_239 = arith.constant 0 : i32
      %dma_start3A_240 = tpu.memref_slice %arg10[%add3A_24, %dma_start3A_239] : memref<10752x128xf32, #tpu.memory_space<vmem_shared>> -> memref<96x128xf32, #tpu.memory_space<vmem_shared>>
      tpu.enqueue_dma source(%arg7 : memref<96x128xf32, #tpu.memory_space<vmem>>) target(%dma_start3A_240 : memref<96x128xf32, #tpu.memory_space<vmem_shared>>) target_semaphore(%run_scoped3A : memref<!tpu.dma_semaphore, #tpu.memory_space<semaphore_mem>>)
      %dma_wait3A_241 = arith.constant 0 : i32
      %dma_wait3A_242 = tpu.memref_slice %arg10[%add3A_24, %dma_wait3A_241] : memref<10752x128xf32, #tpu.memory_space<vmem_shared>> -> memref<96x128xf32, #tpu.memory_space<vmem_shared>>
      %dma_wait3A_243 = arith.constant 0 : i32
      %dma_wait3A_244 = tpu.memref_slice %arg10[%add3A_24, %dma_wait3A_243] : memref<10752x128xf32, #tpu.memory_space<vmem_shared>> -> memref<96x128xf32, #tpu.memory_space<vmem_shared>>
      tpu.wait_dma2 semaphore(%run_scoped3A : memref<!tpu.dma_semaphore, #tpu.memory_space<semaphore_mem>>) src(%arg7 : memref<96x128xf32, #tpu.memory_space<vmem>>) dst(%dma_wait3A_244 : memref<96x128xf32, #tpu.memory_space<vmem_shared>>)
      tpu.yield
    }) : () -> ()
    %barrier3A = arith.constant 0 : index
    tpu.barrier barrier_id(%barrier3A)
    %broadcast_in_dim3A = arith.constant 0 : i32
    %broadcast_in_dim3A_25 = vector.broadcast %broadcast_in_dim3A : i32 to vector<16xi32>
    %dma_start3A = arith.constant 0 : i32
    %dma_start3A_26 = arith.constant 0 : i32
    %dma_start3A_27 = arith.constant 0 : i32
    %dma_start3A_28 = tpu.memref_slice %arg6[%dma_start3A_26, %dma_start3A_27] : memref<9x128xi32, #tpu.memory_space<vmem>> -> memref<3x128xi32, #tpu.memory_space<vmem>>
    %dma_start3A_29 = arith.constant 0 : i32
    %dma_start3A_30 = arith.constant 0 : i32
    %dma_start3A_31 = tpu.memref_slice %arg3[%add3A, %dma_start3A, %dma_start3A_29, %dma_start3A_30] : memref<32x135x3x128xi32, #tpu.memory_space<hbm>> -> memref<1x1x3x128xi32, #tpu.memory_space<hbm>>
    %dma_start3A_32 = tpu.memref_squeeze %dma_start3A_31 : memref<1x1x3x128xi32, #tpu.memory_space<hbm>> -> memref<3x128xi32, #tpu.memory_space<hbm>>
    %dma_start3A_33 = arith.constant 0 : i32
    %dma_start3A_34 = arith.constant 0 : i32
    %dma_start3A_35 = tpu.memref_slice %arg6[%dma_start3A_33, %dma_start3A_34] : memref<9x128xi32, #tpu.memory_space<vmem>> -> memref<3x128xi32, #tpu.memory_space<vmem>>
    %dma_start3A_36 = arith.constant 0 : i32
    %dma_start3A_37 = arith.constant 0 : i32
    %dma_start3A_38 = tpu.memref_slice %arg3[%add3A, %dma_start3A, %dma_start3A_36, %dma_start3A_37] : memref<32x135x3x128xi32, #tpu.memory_space<hbm>> -> memref<1x1x3x128xi32, #tpu.memory_space<hbm>>
    %dma_start3A_39 = tpu.memref_squeeze %dma_start3A_38 : memref<1x1x3x128xi32, #tpu.memory_space<hbm>> -> memref<3x128xi32, #tpu.memory_space<hbm>>
    tpu.enqueue_dma source(%dma_start3A_39 : memref<3x128xi32, #tpu.memory_space<hbm>>) target(%dma_start3A_35 : memref<3x128xi32, #tpu.memory_space<vmem>>) target_semaphore(%arg11 : memref<!tpu.dma_semaphore, #tpu.memory_space<semaphore_mem>>)
    %dma_start3A_40 = arith.constant 1 : i32
    %dma_start3A_41 = arith.constant 3 : i32
    %dma_start3A_42 = arith.constant 0 : i32
    %dma_start3A_43 = tpu.memref_slice %arg6[%dma_start3A_41, %dma_start3A_42] : memref<9x128xi32, #tpu.memory_space<vmem>> -> memref<3x128xi32, #tpu.memory_space<vmem>>
    %dma_start3A_44 = arith.constant 0 : i32
    %dma_start3A_45 = arith.constant 0 : i32
    %dma_start3A_46 = tpu.memref_slice %arg3[%add3A, %dma_start3A_40, %dma_start3A_44, %dma_start3A_45] : memref<32x135x3x128xi32, #tpu.memory_space<hbm>> -> memref<1x1x3x128xi32, #tpu.memory_space<hbm>>
    %dma_start3A_47 = tpu.memref_squeeze %dma_start3A_46 : memref<1x1x3x128xi32, #tpu.memory_space<hbm>> -> memref<3x128xi32, #tpu.memory_space<hbm>>
    %dma_start3A_48 = arith.constant 3 : i32
    %dma_start3A_49 = arith.constant 0 : i32
    %dma_start3A_50 = tpu.memref_slice %arg6[%dma_start3A_48, %dma_start3A_49] : memref<9x128xi32, #tpu.memory_space<vmem>> -> memref<3x128xi32, #tpu.memory_space<vmem>>
    %dma_start3A_51 = arith.constant 0 : i32
    %dma_start3A_52 = arith.constant 0 : i32
    %dma_start3A_53 = tpu.memref_slice %arg3[%add3A, %dma_start3A_40, %dma_start3A_51, %dma_start3A_52] : memref<32x135x3x128xi32, #tpu.memory_space<hbm>> -> memref<1x1x3x128xi32, #tpu.memory_space<hbm>>
    %dma_start3A_54 = tpu.memref_squeeze %dma_start3A_53 : memref<1x1x3x128xi32, #tpu.memory_space<hbm>> -> memref<3x128xi32, #tpu.memory_space<hbm>>
    tpu.enqueue_dma source(%dma_start3A_54 : memref<3x128xi32, #tpu.memory_space<hbm>>) target(%dma_start3A_50 : memref<3x128xi32, #tpu.memory_space<vmem>>) target_semaphore(%arg12 : memref<!tpu.dma_semaphore, #tpu.memory_space<semaphore_mem>>)
    %dma_start3A_55 = arith.constant 2 : i32
    %dma_start3A_56 = arith.constant 6 : i32
    %dma_start3A_57 = arith.constant 0 : i32
    %dma_start3A_58 = tpu.memref_slice %arg6[%dma_start3A_56, %dma_start3A_57] : memref<9x128xi32, #tpu.memory_space<vmem>> -> memref<3x128xi32, #tpu.memory_space<vmem>>
    %dma_start3A_59 = arith.constant 0 : i32
    %dma_start3A_60 = arith.constant 0 : i32
    %dma_start3A_61 = tpu.memref_slice %arg3[%add3A, %dma_start3A_55, %dma_start3A_59, %dma_start3A_60] : memref<32x135x3x128xi32, #tpu.memory_space<hbm>> -> memref<1x1x3x128xi32, #tpu.memory_space<hbm>>
    %dma_start3A_62 = tpu.memref_squeeze %dma_start3A_61 : memref<1x1x3x128xi32, #tpu.memory_space<hbm>> -> memref<3x128xi32, #tpu.memory_space<hbm>>
    %dma_start3A_63 = arith.constant 6 : i32
    %dma_start3A_64 = arith.constant 0 : i32
    %dma_start3A_65 = tpu.memref_slice %arg6[%dma_start3A_63, %dma_start3A_64] : memref<9x128xi32, #tpu.memory_space<vmem>> -> memref<3x128xi32, #tpu.memory_space<vmem>>
    %dma_start3A_66 = arith.constant 0 : i32
    %dma_start3A_67 = arith.constant 0 : i32
    %dma_start3A_68 = tpu.memref_slice %arg3[%add3A, %dma_start3A_55, %dma_start3A_66, %dma_start3A_67] : memref<32x135x3x128xi32, #tpu.memory_space<hbm>> -> memref<1x1x3x128xi32, #tpu.memory_space<hbm>>
    %dma_start3A_69 = tpu.memref_squeeze %dma_start3A_68 : memref<1x1x3x128xi32, #tpu.memory_space<hbm>> -> memref<3x128xi32, #tpu.memory_space<hbm>>
    tpu.enqueue_dma source(%dma_start3A_69 : memref<3x128xi32, #tpu.memory_space<hbm>>) target(%dma_start3A_65 : memref<3x128xi32, #tpu.memory_space<vmem>>) target_semaphore(%arg13 : memref<!tpu.dma_semaphore, #tpu.memory_space<semaphore_mem>>)
    %dma_wait3A = arith.constant 0 : i32
    %dma_wait3A_70 = arith.constant 0 : i32
    %dma_wait3A_71 = arith.constant 0 : i32
    %dma_wait3A_72 = tpu.memref_slice %arg6[%dma_wait3A_70, %dma_wait3A_71] : memref<9x128xi32, #tpu.memory_space<vmem>> -> memref<3x128xi32, #tpu.memory_space<vmem>>
    %dma_wait3A_73 = arith.constant 0 : i32
    %dma_wait3A_74 = arith.constant 0 : i32
    %dma_wait3A_75 = tpu.memref_slice %arg3[%add3A, %dma_wait3A, %dma_wait3A_73, %dma_wait3A_74] : memref<32x135x3x128xi32, #tpu.memory_space<hbm>> -> memref<1x1x3x128xi32, #tpu.memory_space<hbm>>
    %dma_wait3A_76 = tpu.memref_squeeze %dma_wait3A_75 : memref<1x1x3x128xi32, #tpu.memory_space<hbm>> -> memref<3x128xi32, #tpu.memory_space<hbm>>
    %dma_wait3A_77 = arith.constant 0 : i32
    %dma_wait3A_78 = arith.constant 0 : i32
    %dma_wait3A_79 = tpu.memref_slice %arg6[%dma_wait3A_77, %dma_wait3A_78] : memref<9x128xi32, #tpu.memory_space<vmem>> -> memref<3x128xi32, #tpu.memory_space<vmem>>
    %dma_wait3A_80 = arith.constant 0 : i32
    %dma_wait3A_81 = arith.constant 0 : i32
    %dma_wait3A_82 = tpu.memref_slice %arg3[%add3A, %dma_wait3A, %dma_wait3A_80, %dma_wait3A_81] : memref<32x135x3x128xi32, #tpu.memory_space<hbm>> -> memref<1x1x3x128xi32, #tpu.memory_space<hbm>>
    %dma_wait3A_83 = tpu.memref_squeeze %dma_wait3A_82 : memref<1x1x3x128xi32, #tpu.memory_space<hbm>> -> memref<3x128xi32, #tpu.memory_space<hbm>>
    tpu.wait_dma2 semaphore(%arg11 : memref<!tpu.dma_semaphore, #tpu.memory_space<semaphore_mem>>) src(%dma_wait3A_83 : memref<3x128xi32, #tpu.memory_space<hbm>>) dst(%dma_wait3A_79 : memref<3x128xi32, #tpu.memory_space<vmem>>)
    %dma_start3A_84 = arith.constant 0 : i32
    %dma_start3A_85 = arith.constant 0 : i32
    %dma_start3A_86 = tpu.memref_slice %arg6[%dma_start3A_84, %dma_start3A_85] : memref<9x128xi32, #tpu.memory_space<vmem>> -> memref<1x96xi32, #tpu.memory_space<vmem>>
    %dma_start3A_87 = tpu.memref_squeeze %dma_start3A_86 : memref<1x96xi32, #tpu.memory_space<vmem>> -> memref<96xi32, #tpu.memory_space<vmem>>
    %dma_start3A_88 = arith.constant 0 : i32
    %dma_start3A_89 = arith.constant 0 : i32
    %dma_start3A_90 = tpu.memref_slice %arg2[%dma_start3A_88, %dma_start3A_89] : memref<10000x128xf32, #tpu.memory_space<hbm>> -> memref<10000x128xf32, #tpu.memory_space<hbm>>
    tpu.enqueue_indirect_dma source(%dma_start3A_90 : memref<10000x128xf32, #tpu.memory_space<hbm>>) target(%arg7 : memref<96x128xf32, #tpu.memory_space<vmem>>) offsets(%dma_start3A_87 : memref<96xi32, #tpu.memory_space<vmem>>) semaphore(%arg14 : memref<!tpu.dma_semaphore, #tpu.memory_space<semaphore_mem>>)
    %jit3A_91 = arith.constant 3 : i32
    %div3A = arith.divsi %select_n3A, %jit3A_91 : i32
    %sign3A = arith.constant 0 : i32
    %sign3A_92 = arith.cmpi sgt, %select_n3A, %sign3A : i32
    %sign3A_93 = arith.extui %sign3A_92 : i1 to i32
    %sign3A_94 = arith.constant 0 : i32
    %sign3A_95 = arith.cmpi slt, %select_n3A, %sign3A_94 : i32
    %sign3A_96 = arith.extui %sign3A_95 : i1 to i32
    %sign3A_97 = arith.subi %sign3A_93, %sign3A_96 : i32
    %sign3A_98 = arith.constant 0 : i32
    %sign3A_99 = arith.cmpi sgt, %jit3A_91, %sign3A_98 : i32
    %sign3A_100 = arith.extui %sign3A_99 : i1 to i32
    %sign3A_101 = arith.constant 0 : i32
    %sign3A_102 = arith.cmpi slt, %jit3A_91, %sign3A_101 : i32
    %sign3A_103 = arith.extui %sign3A_102 : i1 to i32
    %sign3A_104 = arith.subi %sign3A_100, %sign3A_103 : i32
    %ne3A = arith.cmpi ne, %sign3A_97, %sign3A_104 : i32
    %rem3A = arith.remsi %select_n3A, %jit3A_91 : i32
    %ne3A_105 = arith.constant 0 : i32
    %ne3A_106 = arith.cmpi ne, %rem3A, %ne3A_105 : i32
    %and3A = arith.andi %ne3A, %ne3A_106 : i1
    %sub3A_107 = arith.constant 1 : i32
    %sub3A_108 = arith.subi %div3A, %sub3A_107 : i32
    %select_n3A_109 = arith.select %and3A, %sub3A_108, %div3A : i32
    %while3A = arith.constant 0 : i32
    %while3A_110 = arith.constant 0 : i32
    %while3A_111 = arith.subi %select_n3A_109, %while3A_110 : i32
    %while3A_112 = arith.addi %while3A_110, %while3A_111 : i32
    %while3A_113 = arith.constant 1 : i32
    %while3A_114 = arith.divsi %while3A_111, %while3A_113 : i32
    %while3A_115 = arith.muli %while3A_114, %while3A_113 : i32
    %while3A_116 = arith.addi %while3A_110, %while3A_115 : i32
    %while3A_117 = arith.constant 1 : i32
    scf.for %while3A_237 = %while3A_110 to %while3A_116 step %while3A_117  : i32 {
      %mul3A_238 = arith.constant 3 : i32
      %mul3A_239 = arith.muli %mul3A_238, %while3A_237 : i32
      %add3A_240 = arith.constant 0 : i32
      %add3A_241 = arith.addi %mul3A_239, %add3A_240 : i32
      %ge3A = arith.constant 2 : i32
      %ge3A_242 = arith.cmpi sge, %add3A_241, %ge3A : i32
      %convert_element_type3A_243 = arith.extui %ge3A_242 : i1 to i32
      %cond3A_244 = arith.constant 0 : i32
      %cond3A_245 = arith.cmpi ne, %convert_element_type3A_243, %cond3A_244 : i32
      scf.if %cond3A_245 {
        %dma_wait3A_594 = arith.constant 0 : i32
        %dma_wait3A_595 = arith.constant 0 : i32
        %dma_wait3A_596 = tpu.memref_slice %arg8[%dma_wait3A_594, %dma_wait3A_595] : memref<96x128xf32, #tpu.memory_space<vmem>> -> memref<16x128xf32, #tpu.memory_space<vmem>>
        %dma_wait3A_597 = arith.constant 0 : i32
        %dma_wait3A_598 = arith.constant 0 : i32
        %dma_wait3A_599 = tpu.memref_slice %arg10[%dma_wait3A_597, %dma_wait3A_598] : memref<10752x128xf32, #tpu.memory_space<vmem_shared>> -> memref<10752x128xf32, #tpu.memory_space<vmem_shared>>
        tpu.wait_indirect_dma semaphore(%arg18 : memref<!tpu.dma_semaphore, #tpu.memory_space<semaphore_mem>>) src(%dma_wait3A_596 : memref<16x128xf32, #tpu.memory_space<vmem>>) dst(%dma_wait3A_599 : memref<10752x128xf32, #tpu.memory_space<vmem_shared>>)
        %dma_wait3A_600 = arith.constant 16 : i32
        %dma_wait3A_601 = arith.constant 0 : i32
        %dma_wait3A_602 = tpu.memref_slice %arg8[%dma_wait3A_600, %dma_wait3A_601] : memref<96x128xf32, #tpu.memory_space<vmem>> -> memref<16x128xf32, #tpu.memory_space<vmem>>
        %dma_wait3A_603 = arith.constant 0 : i32
        %dma_wait3A_604 = arith.constant 0 : i32
        %dma_wait3A_605 = tpu.memref_slice %arg10[%dma_wait3A_603, %dma_wait3A_604] : memref<10752x128xf32, #tpu.memory_space<vmem_shared>> -> memref<10752x128xf32, #tpu.memory_space<vmem_shared>>
        tpu.wait_indirect_dma semaphore(%arg18 : memref<!tpu.dma_semaphore, #tpu.memory_space<semaphore_mem>>) src(%dma_wait3A_602 : memref<16x128xf32, #tpu.memory_space<vmem>>) dst(%dma_wait3A_605 : memref<10752x128xf32, #tpu.memory_space<vmem_shared>>)
        %dma_wait3A_606 = arith.constant 32 : i32
        %dma_wait3A_607 = arith.constant 0 : i32
        %dma_wait3A_608 = tpu.memref_slice %arg8[%dma_wait3A_606, %dma_wait3A_607] : memref<96x128xf32, #tpu.memory_space<vmem>> -> memref<16x128xf32, #tpu.memory_space<vmem>>
        %dma_wait3A_609 = arith.constant 0 : i32
        %dma_wait3A_610 = arith.constant 0 : i32
        %dma_wait3A_611 = tpu.memref_slice %arg10[%dma_wait3A_609, %dma_wait3A_610] : memref<10752x128xf32, #tpu.memory_space<vmem_shared>> -> memref<10752x128xf32, #tpu.memory_space<vmem_shared>>
        tpu.wait_indirect_dma semaphore(%arg18 : memref<!tpu.dma_semaphore, #tpu.memory_space<semaphore_mem>>) src(%dma_wait3A_608 : memref<16x128xf32, #tpu.memory_space<vmem>>) dst(%dma_wait3A_611 : memref<10752x128xf32, #tpu.memory_space<vmem_shared>>)
        %dma_wait3A_612 = arith.constant 48 : i32
        %dma_wait3A_613 = arith.constant 0 : i32
        %dma_wait3A_614 = tpu.memref_slice %arg8[%dma_wait3A_612, %dma_wait3A_613] : memref<96x128xf32, #tpu.memory_space<vmem>> -> memref<16x128xf32, #tpu.memory_space<vmem>>
        %dma_wait3A_615 = arith.constant 0 : i32
        %dma_wait3A_616 = arith.constant 0 : i32
        %dma_wait3A_617 = tpu.memref_slice %arg10[%dma_wait3A_615, %dma_wait3A_616] : memref<10752x128xf32, #tpu.memory_space<vmem_shared>> -> memref<10752x128xf32, #tpu.memory_space<vmem_shared>>
        tpu.wait_indirect_dma semaphore(%arg18 : memref<!tpu.dma_semaphore, #tpu.memory_space<semaphore_mem>>) src(%dma_wait3A_614 : memref<16x128xf32, #tpu.memory_space<vmem>>) dst(%dma_wait3A_617 : memref<10752x128xf32, #tpu.memory_space<vmem_shared>>)
        %dma_wait3A_618 = arith.constant 64 : i32
        %dma_wait3A_619 = arith.constant 0 : i32
        %dma_wait3A_620 = tpu.memref_slice %arg8[%dma_wait3A_618, %dma_wait3A_619] : memref<96x128xf32, #tpu.memory_space<vmem>> -> memref<16x128xf32, #tpu.memory_space<vmem>>
        %dma_wait3A_621 = arith.constant 0 : i32
        %dma_wait3A_622 = arith.constant 0 : i32
        %dma_wait3A_623 = tpu.memref_slice %arg10[%dma_wait3A_621, %dma_wait3A_622] : memref<10752x128xf32, #tpu.memory_space<vmem_shared>> -> memref<10752x128xf32, #tpu.memory_space<vmem_shared>>
        tpu.wait_indirect_dma semaphore(%arg18 : memref<!tpu.dma_semaphore, #tpu.memory_space<semaphore_mem>>) src(%dma_wait3A_620 : memref<16x128xf32, #tpu.memory_space<vmem>>) dst(%dma_wait3A_623 : memref<10752x128xf32, #tpu.memory_space<vmem_shared>>)
        %dma_wait3A_624 = arith.constant 80 : i32
        %dma_wait3A_625 = arith.constant 0 : i32
        %dma_wait3A_626 = tpu.memref_slice %arg8[%dma_wait3A_624, %dma_wait3A_625] : memref<96x128xf32, #tpu.memory_space<vmem>> -> memref<16x128xf32, #tpu.memory_space<vmem>>
        %dma_wait3A_627 = arith.constant 0 : i32
        %dma_wait3A_628 = arith.constant 0 : i32
        %dma_wait3A_629 = tpu.memref_slice %arg10[%dma_wait3A_627, %dma_wait3A_628] : memref<10752x128xf32, #tpu.memory_space<vmem_shared>> -> memref<10752x128xf32, #tpu.memory_space<vmem_shared>>
        tpu.wait_indirect_dma semaphore(%arg18 : memref<!tpu.dma_semaphore, #tpu.memory_space<semaphore_mem>>) src(%dma_wait3A_626 : memref<16x128xf32, #tpu.memory_space<vmem>>) dst(%dma_wait3A_629 : memref<10752x128xf32, #tpu.memory_space<vmem_shared>>)
      } else {
      }
      %dma_wait3A_246 = arith.constant 0 : i32
      %dma_wait3A_247 = arith.constant 0 : i32
      %dma_wait3A_248 = arith.constant 0 : i32
      %dma_wait3A_249 = tpu.memref_slice %arg6[%dma_wait3A_247, %dma_wait3A_248] : memref<9x128xi32, #tpu.memory_space<vmem>> -> memref<3x128xi32, #tpu.memory_space<vmem>>
      %dma_wait3A_250 = arith.constant 0 : i32
      %dma_wait3A_251 = arith.constant 0 : i32
      %dma_wait3A_252 = tpu.memref_slice %arg3[%add3A, %dma_wait3A_246, %dma_wait3A_250, %dma_wait3A_251] : memref<32x135x3x128xi32, #tpu.memory_space<hbm>> -> memref<1x1x3x128xi32, #tpu.memory_space<hbm>>
      %dma_wait3A_253 = tpu.memref_squeeze %dma_wait3A_252 : memref<1x1x3x128xi32, #tpu.memory_space<hbm>> -> memref<3x128xi32, #tpu.memory_space<hbm>>
      %dma_wait3A_254 = arith.constant 0 : i32
      %dma_wait3A_255 = arith.constant 0 : i32
      %dma_wait3A_256 = tpu.memref_slice %arg6[%dma_wait3A_254, %dma_wait3A_255] : memref<9x128xi32, #tpu.memory_space<vmem>> -> memref<3x128xi32, #tpu.memory_space<vmem>>
      %dma_wait3A_257 = arith.constant 0 : i32
      %dma_wait3A_258 = arith.constant 0 : i32
      %dma_wait3A_259 = tpu.memref_slice %arg3[%add3A, %dma_wait3A_246, %dma_wait3A_257, %dma_wait3A_258] : memref<32x135x3x128xi32, #tpu.memory_space<hbm>> -> memref<1x1x3x128xi32, #tpu.memory_space<hbm>>
      %dma_wait3A_260 = tpu.memref_squeeze %dma_wait3A_259 : memref<1x1x3x128xi32, #tpu.memory_space<hbm>> -> memref<3x128xi32, #tpu.memory_space<hbm>>
      tpu.wait_dma2 semaphore(%arg12 : memref<!tpu.dma_semaphore, #tpu.memory_space<semaphore_mem>>) src(%dma_wait3A_260 : memref<3x128xi32, #tpu.memory_space<hbm>>) dst(%dma_wait3A_256 : memref<3x128xi32, #tpu.memory_space<vmem>>)
      %dma_start3A_261 = arith.constant 3 : i32
      %dma_start3A_262 = arith.constant 0 : i32
      %dma_start3A_263 = tpu.memref_slice %arg6[%dma_start3A_261, %dma_start3A_262] : memref<9x128xi32, #tpu.memory_space<vmem>> -> memref<1x96xi32, #tpu.memory_space<vmem>>
      %dma_start3A_264 = tpu.memref_squeeze %dma_start3A_263 : memref<1x96xi32, #tpu.memory_space<vmem>> -> memref<96xi32, #tpu.memory_space<vmem>>
      %dma_start3A_265 = arith.constant 0 : i32
      %dma_start3A_266 = arith.constant 0 : i32
      %dma_start3A_267 = tpu.memref_slice %arg2[%dma_start3A_265, %dma_start3A_266] : memref<10000x128xf32, #tpu.memory_space<hbm>> -> memref<10000x128xf32, #tpu.memory_space<hbm>>
      tpu.enqueue_indirect_dma source(%dma_start3A_267 : memref<10000x128xf32, #tpu.memory_space<hbm>>) target(%arg8 : memref<96x128xf32, #tpu.memory_space<vmem>>) offsets(%dma_start3A_264 : memref<96xi32, #tpu.memory_space<vmem>>) semaphore(%arg15 : memref<!tpu.dma_semaphore, #tpu.memory_space<semaphore_mem>>)
      %dma_wait3A_268 = arith.constant 0 : i32
      %dma_wait3A_269 = arith.constant 0 : i32
      %dma_wait3A_270 = tpu.memref_slice %arg6[%dma_wait3A_268, %dma_wait3A_269] : memref<9x128xi32, #tpu.memory_space<vmem>> -> memref<1x96xi32, #tpu.memory_space<vmem>>
      %dma_wait3A_271 = tpu.memref_squeeze %dma_wait3A_270 : memref<1x96xi32, #tpu.memory_space<vmem>> -> memref<96xi32, #tpu.memory_space<vmem>>
      %dma_wait3A_272 = arith.constant 0 : i32
      %dma_wait3A_273 = arith.constant 0 : i32
      %dma_wait3A_274 = tpu.memref_slice %arg2[%dma_wait3A_272, %dma_wait3A_273] : memref<10000x128xf32, #tpu.memory_space<hbm>> -> memref<10000x128xf32, #tpu.memory_space<hbm>>
      tpu.wait_indirect_dma semaphore(%arg14 : memref<!tpu.dma_semaphore, #tpu.memory_space<semaphore_mem>>) src(%dma_wait3A_274 : memref<10000x128xf32, #tpu.memory_space<hbm>>) dst(%arg7 : memref<96x128xf32, #tpu.memory_space<vmem>>)
      %broadcast_in_dim3A_275 = arith.constant 2 : i32
      %broadcast_in_dim3A_276 = vector.broadcast %broadcast_in_dim3A_275 : i32 to vector<16xi32>
      %parallel_loop3A = arith.constant 0 : i32
      %parallel_loop3A_277 = arith.constant 96 : i32
      %parallel_loop3A_278 = arith.constant 1 : i32
      scf.for %parallel_loop3A_594 = %parallel_loop3A to %parallel_loop3A_277 step %parallel_loop3A_278  : i32 {
        %parallel_loop3A_595 = vector.broadcast %parallel_loop3A_594 : i32 to vector<16xi32>
        %parallel_loop3A_596 = tpu.vector_load_idx %arg6[%broadcast_in_dim3A_276, %parallel_loop3A_595] : memref<9x128xi32, #tpu.memory_space<vmem>>[vector<16xi32>, vector<16xi32>], vector<16xi32>,
        %parallel_loop3A_597 = vector.bitcast %parallel_loop3A_596 : vector<16xi32> to vector<16xf32>
        %parallel_loop3A_598 = arith.index_cast %parallel_loop3A_594 : i32 to index
        %parallel_loop3A_599 = arith.constant 0 : index
        %parallel_loop3A_600 = tpu.vector_load %arg7[%parallel_loop3A_598, %parallel_loop3A_599] {strides = array<i32>} : memref<96x128xf32, #tpu.memory_space<vmem>>, vector<16xf32>,
        %parallel_loop3A_601 = arith.mulf %parallel_loop3A_600, %parallel_loop3A_597 : vector<16xf32>
        %parallel_loop3A_602 = arith.index_cast %parallel_loop3A_594 : i32 to index
        %parallel_loop3A_603 = arith.constant 0 : index
        %parallel_loop3A_604 = tpu.vector_load %arg7[%parallel_loop3A_602, %parallel_loop3A_603] {strides = array<i32>} : memref<96x128xf32, #tpu.memory_space<vmem>>, vector<16xf32>,
        tpu.vector_store %arg7[%parallel_loop3A_602, %parallel_loop3A_603], %parallel_loop3A_601 {strides = array<i32>} : memref<96x128xf32, #tpu.memory_space<vmem>>, vector<16xf32>,
        %parallel_loop3A_605 = arith.index_cast %parallel_loop3A_594 : i32 to index
        %parallel_loop3A_606 = arith.constant 16 : index
        %parallel_loop3A_607 = tpu.vector_load %arg7[%parallel_loop3A_605, %parallel_loop3A_606] {strides = array<i32>} : memref<96x128xf32, #tpu.memory_space<vmem>>, vector<16xf32>,
        %parallel_loop3A_608 = arith.mulf %parallel_loop3A_607, %parallel_loop3A_597 : vector<16xf32>
        %parallel_loop3A_609 = arith.index_cast %parallel_loop3A_594 : i32 to index
        %parallel_loop3A_610 = arith.constant 16 : index
        %parallel_loop3A_611 = tpu.vector_load %arg7[%parallel_loop3A_609, %parallel_loop3A_610] {strides = array<i32>} : memref<96x128xf32, #tpu.memory_space<vmem>>, vector<16xf32>,
        tpu.vector_store %arg7[%parallel_loop3A_609, %parallel_loop3A_610], %parallel_loop3A_608 {strides = array<i32>} : memref<96x128xf32, #tpu.memory_space<vmem>>, vector<16xf32>,
        %parallel_loop3A_612 = arith.index_cast %parallel_loop3A_594 : i32 to index
        %parallel_loop3A_613 = arith.constant 32 : index
        %parallel_loop3A_614 = tpu.vector_load %arg7[%parallel_loop3A_612, %parallel_loop3A_613] {strides = array<i32>} : memref<96x128xf32, #tpu.memory_space<vmem>>, vector<16xf32>,
        %parallel_loop3A_615 = arith.mulf %parallel_loop3A_614, %parallel_loop3A_597 : vector<16xf32>
        %parallel_loop3A_616 = arith.index_cast %parallel_loop3A_594 : i32 to index
        %parallel_loop3A_617 = arith.constant 32 : index
        %parallel_loop3A_618 = tpu.vector_load %arg7[%parallel_loop3A_616, %parallel_loop3A_617] {strides = array<i32>} : memref<96x128xf32, #tpu.memory_space<vmem>>, vector<16xf32>,
        tpu.vector_store %arg7[%parallel_loop3A_616, %parallel_loop3A_617], %parallel_loop3A_615 {strides = array<i32>} : memref<96x128xf32, #tpu.memory_space<vmem>>, vector<16xf32>,
        %parallel_loop3A_619 = arith.index_cast %parallel_loop3A_594 : i32 to index
        %parallel_loop3A_620 = arith.constant 48 : index
        %parallel_loop3A_621 = tpu.vector_load %arg7[%parallel_loop3A_619, %parallel_loop3A_620] {strides = array<i32>} : memref<96x128xf32, #tpu.memory_space<vmem>>, vector<16xf32>,
        %parallel_loop3A_622 = arith.mulf %parallel_loop3A_621, %parallel_loop3A_597 : vector<16xf32>
        %parallel_loop3A_623 = arith.index_cast %parallel_loop3A_594 : i32 to index
        %parallel_loop3A_624 = arith.constant 48 : index
        %parallel_loop3A_625 = tpu.vector_load %arg7[%parallel_loop3A_623, %parallel_loop3A_624] {strides = array<i32>} : memref<96x128xf32, #tpu.memory_space<vmem>>, vector<16xf32>,
        tpu.vector_store %arg7[%parallel_loop3A_623, %parallel_loop3A_624], %parallel_loop3A_622 {strides = array<i32>} : memref<96x128xf32, #tpu.memory_space<vmem>>, vector<16xf32>,
        %parallel_loop3A_626 = arith.index_cast %parallel_loop3A_594 : i32 to index
        %parallel_loop3A_627 = arith.constant 64 : index
        %parallel_loop3A_628 = tpu.vector_load %arg7[%parallel_loop3A_626, %parallel_loop3A_627] {strides = array<i32>} : memref<96x128xf32, #tpu.memory_space<vmem>>, vector<16xf32>,
        %parallel_loop3A_629 = arith.mulf %parallel_loop3A_628, %parallel_loop3A_597 : vector<16xf32>
        %parallel_loop3A_630 = arith.index_cast %parallel_loop3A_594 : i32 to index
        %parallel_loop3A_631 = arith.constant 64 : index
        %parallel_loop3A_632 = tpu.vector_load %arg7[%parallel_loop3A_630, %parallel_loop3A_631] {strides = array<i32>} : memref<96x128xf32, #tpu.memory_space<vmem>>, vector<16xf32>,
        tpu.vector_store %arg7[%parallel_loop3A_630, %parallel_loop3A_631], %parallel_loop3A_629 {strides = array<i32>} : memref<96x128xf32, #tpu.memory_space<vmem>>, vector<16xf32>,
        %parallel_loop3A_633 = arith.index_cast %parallel_loop3A_594 : i32 to index
        %parallel_loop3A_634 = arith.constant 80 : index
        %parallel_loop3A_635 = tpu.vector_load %arg7[%parallel_loop3A_633, %parallel_loop3A_634] {strides = array<i32>} : memref<96x128xf32, #tpu.memory_space<vmem>>, vector<16xf32>,
        %parallel_loop3A_636 = arith.mulf %parallel_loop3A_635, %parallel_loop3A_597 : vector<16xf32>
        %parallel_loop3A_637 = arith.index_cast %parallel_loop3A_594 : i32 to index
        %parallel_loop3A_638 = arith.constant 80 : index
        %parallel_loop3A_639 = tpu.vector_load %arg7[%parallel_loop3A_637, %parallel_loop3A_638] {strides = array<i32>} : memref<96x128xf32, #tpu.memory_space<vmem>>, vector<16xf32>,
        tpu.vector_store %arg7[%parallel_loop3A_637, %parallel_loop3A_638], %parallel_loop3A_636 {strides = array<i32>} : memref<96x128xf32, #tpu.memory_space<vmem>>, vector<16xf32>,
        %parallel_loop3A_640 = arith.index_cast %parallel_loop3A_594 : i32 to index
        %parallel_loop3A_641 = arith.constant 96 : index
        %parallel_loop3A_642 = tpu.vector_load %arg7[%parallel_loop3A_640, %parallel_loop3A_641] {strides = array<i32>} : memref<96x128xf32, #tpu.memory_space<vmem>>, vector<16xf32>,
        %parallel_loop3A_643 = arith.mulf %parallel_loop3A_642, %parallel_loop3A_597 : vector<16xf32>
        %parallel_loop3A_644 = arith.index_cast %parallel_loop3A_594 : i32 to index
        %parallel_loop3A_645 = arith.constant 96 : index
        %parallel_loop3A_646 = tpu.vector_load %arg7[%parallel_loop3A_644, %parallel_loop3A_645] {strides = array<i32>} : memref<96x128xf32, #tpu.memory_space<vmem>>, vector<16xf32>,
        tpu.vector_store %arg7[%parallel_loop3A_644, %parallel_loop3A_645], %parallel_loop3A_643 {strides = array<i32>} : memref<96x128xf32, #tpu.memory_space<vmem>>, vector<16xf32>,
        %parallel_loop3A_647 = arith.index_cast %parallel_loop3A_594 : i32 to index
        %parallel_loop3A_648 = arith.constant 112 : index
        %parallel_loop3A_649 = tpu.vector_load %arg7[%parallel_loop3A_647, %parallel_loop3A_648] {strides = array<i32>} : memref<96x128xf32, #tpu.memory_space<vmem>>, vector<16xf32>,
        %parallel_loop3A_650 = arith.mulf %parallel_loop3A_649, %parallel_loop3A_597 : vector<16xf32>
        %parallel_loop3A_651 = arith.index_cast %parallel_loop3A_594 : i32 to index
        %parallel_loop3A_652 = arith.constant 112 : index
        %parallel_loop3A_653 = tpu.vector_load %arg7[%parallel_loop3A_651, %parallel_loop3A_652] {strides = array<i32>} : memref<96x128xf32, #tpu.memory_space<vmem>>, vector<16xf32>,
        tpu.vector_store %arg7[%parallel_loop3A_651, %parallel_loop3A_652], %parallel_loop3A_650 {strides = array<i32>} : memref<96x128xf32, #tpu.memory_space<vmem>>, vector<16xf32>,
      } {sc.loop_unroll_factor = 4 : i64, sc.parallel_access}
      %get3A = arith.constant 1 : i32
      %get3A_279 = arith.index_cast %get3A : i32 to index
      %get3A_280 = arith.constant 0 : index
      %get3A_281 = tpu.vector_load %arg6[%get3A_279, %get3A_280] {strides = array<i32>} : memref<9x128xi32, #tpu.memory_space<vmem>>, vector<16xi32>,
      %dma_start3A_282 = arith.constant 0 : i32
      %dma_start3A_283 = arith.constant 0 : i32
      %dma_start3A_284 = tpu.memref_slice %arg7[%dma_start3A_282, %dma_start3A_283] : memref<96x128xf32, #tpu.memory_space<vmem>> -> memref<16x128xf32, #tpu.memory_space<vmem>>
      %dma_start3A_285 = arith.constant 0 : i32
      %dma_start3A_286 = arith.constant 0 : i32
      %dma_start3A_287 = tpu.memref_slice %arg10[%dma_start3A_285, %dma_start3A_286] : memref<10752x128xf32, #tpu.memory_space<vmem_shared>> -> memref<10752x128xf32, #tpu.memory_space<vmem_shared>>
      tpu.enqueue_indirect_dma source(%dma_start3A_284 : memref<16x128xf32, #tpu.memory_space<vmem>>) target(%dma_start3A_287 : memref<10752x128xf32, #tpu.memory_space<vmem_shared>>) offsets(%get3A_281 : vector<16xi32>) semaphore(%arg17 : memref<!tpu.dma_semaphore, #tpu.memory_space<semaphore_mem>>) {add = true}
      %get3A_288 = arith.constant 1 : i32
      %get3A_289 = arith.index_cast %get3A_288 : i32 to index
      %get3A_290 = arith.constant 16 : index
      %get3A_291 = tpu.vector_load %arg6[%get3A_289, %get3A_290] {strides = array<i32>} : memref<9x128xi32, #tpu.memory_space<vmem>>, vector<16xi32>,
      %dma_start3A_292 = arith.constant 16 : i32
      %dma_start3A_293 = arith.constant 0 : i32
      %dma_start3A_294 = tpu.memref_slice %arg7[%dma_start3A_292, %dma_start3A_293] : memref<96x128xf32, #tpu.memory_space<vmem>> -> memref<16x128xf32, #tpu.memory_space<vmem>>
      %dma_start3A_295 = arith.constant 0 : i32
      %dma_start3A_296 = arith.constant 0 : i32
      %dma_start3A_297 = tpu.memref_slice %arg10[%dma_start3A_295, %dma_start3A_296] : memref<10752x128xf32, #tpu.memory_space<vmem_shared>> -> memref<10752x128xf32, #tpu.memory_space<vmem_shared>>
      tpu.enqueue_indirect_dma source(%dma_start3A_294 : memref<16x128xf32, #tpu.memory_space<vmem>>) target(%dma_start3A_297 : memref<10752x128xf32, #tpu.memory_space<vmem_shared>>) offsets(%get3A_291 : vector<16xi32>) semaphore(%arg17 : memref<!tpu.dma_semaphore, #tpu.memory_space<semaphore_mem>>) {add = true}
      %get3A_298 = arith.constant 1 : i32
      %get3A_299 = arith.index_cast %get3A_298 : i32 to index
      %get3A_300 = arith.constant 32 : index
      %get3A_301 = tpu.vector_load %arg6[%get3A_299, %get3A_300] {strides = array<i32>} : memref<9x128xi32, #tpu.memory_space<vmem>>, vector<16xi32>,
      %dma_start3A_302 = arith.constant 32 : i32
      %dma_start3A_303 = arith.constant 0 : i32
      %dma_start3A_304 = tpu.memref_slice %arg7[%dma_start3A_302, %dma_start3A_303] : memref<96x128xf32, #tpu.memory_space<vmem>> -> memref<16x128xf32, #tpu.memory_space<vmem>>
      %dma_start3A_305 = arith.constant 0 : i32
      %dma_start3A_306 = arith.constant 0 : i32
      %dma_start3A_307 = tpu.memref_slice %arg10[%dma_start3A_305, %dma_start3A_306] : memref<10752x128xf32, #tpu.memory_space<vmem_shared>> -> memref<10752x128xf32, #tpu.memory_space<vmem_shared>>
      tpu.enqueue_indirect_dma source(%dma_start3A_304 : memref<16x128xf32, #tpu.memory_space<vmem>>) target(%dma_start3A_307 : memref<10752x128xf32, #tpu.memory_space<vmem_shared>>) offsets(%get3A_301 : vector<16xi32>) semaphore(%arg17 : memref<!tpu.dma_semaphore, #tpu.memory_space<semaphore_mem>>) {add = true}
      %get3A_308 = arith.constant 1 : i32
      %get3A_309 = arith.index_cast %get3A_308 : i32 to index
      %get3A_310 = arith.constant 48 : index
      %get3A_311 = tpu.vector_load %arg6[%get3A_309, %get3A_310] {strides = array<i32>} : memref<9x128xi32, #tpu.memory_space<vmem>>, vector<16xi32>,
      %dma_start3A_312 = arith.constant 48 : i32
      %dma_start3A_313 = arith.constant 0 : i32
      %dma_start3A_314 = tpu.memref_slice %arg7[%dma_start3A_312, %dma_start3A_313] : memref<96x128xf32, #tpu.memory_space<vmem>> -> memref<16x128xf32, #tpu.memory_space<vmem>>
      %dma_start3A_315 = arith.constant 0 : i32
      %dma_start3A_316 = arith.constant 0 : i32
      %dma_start3A_317 = tpu.memref_slice %arg10[%dma_start3A_315, %dma_start3A_316] : memref<10752x128xf32, #tpu.memory_space<vmem_shared>> -> memref<10752x128xf32, #tpu.memory_space<vmem_shared>>
      tpu.enqueue_indirect_dma source(%dma_start3A_314 : memref<16x128xf32, #tpu.memory_space<vmem>>) target(%dma_start3A_317 : memref<10752x128xf32, #tpu.memory_space<vmem_shared>>) offsets(%get3A_311 : vector<16xi32>) semaphore(%arg17 : memref<!tpu.dma_semaphore, #tpu.memory_space<semaphore_mem>>) {add = true}
      %get3A_318 = arith.constant 1 : i32
      %get3A_319 = arith.index_cast %get3A_318 : i32 to index
      %get3A_320 = arith.constant 64 : index
      %get3A_321 = tpu.vector_load %arg6[%get3A_319, %get3A_320] {strides = array<i32>} : memref<9x128xi32, #tpu.memory_space<vmem>>, vector<16xi32>,
      %dma_start3A_322 = arith.constant 64 : i32
      %dma_start3A_323 = arith.constant 0 : i32
      %dma_start3A_324 = tpu.memref_slice %arg7[%dma_start3A_322, %dma_start3A_323] : memref<96x128xf32, #tpu.memory_space<vmem>> -> memref<16x128xf32, #tpu.memory_space<vmem>>
      %dma_start3A_325 = arith.constant 0 : i32
      %dma_start3A_326 = arith.constant 0 : i32
      %dma_start3A_327 = tpu.memref_slice %arg10[%dma_start3A_325, %dma_start3A_326] : memref<10752x128xf32, #tpu.memory_space<vmem_shared>> -> memref<10752x128xf32, #tpu.memory_space<vmem_shared>>
      tpu.enqueue_indirect_dma source(%dma_start3A_324 : memref<16x128xf32, #tpu.memory_space<vmem>>) target(%dma_start3A_327 : memref<10752x128xf32, #tpu.memory_space<vmem_shared>>) offsets(%get3A_321 : vector<16xi32>) semaphore(%arg17 : memref<!tpu.dma_semaphore, #tpu.memory_space<semaphore_mem>>) {add = true}
      %get3A_328 = arith.constant 1 : i32
      %get3A_329 = arith.index_cast %get3A_328 : i32 to index
      %get3A_330 = arith.constant 80 : index
      %get3A_331 = tpu.vector_load %arg6[%get3A_329, %get3A_330] {strides = array<i32>} : memref<9x128xi32, #tpu.memory_space<vmem>>, vector<16xi32>,
      %dma_start3A_332 = arith.constant 80 : i32
      %dma_start3A_333 = arith.constant 0 : i32
      %dma_start3A_334 = tpu.memref_slice %arg7[%dma_start3A_332, %dma_start3A_333] : memref<96x128xf32, #tpu.memory_space<vmem>> -> memref<16x128xf32, #tpu.memory_space<vmem>>
      %dma_start3A_335 = arith.constant 0 : i32
      %dma_start3A_336 = arith.constant 0 : i32
      %dma_start3A_337 = tpu.memref_slice %arg10[%dma_start3A_335, %dma_start3A_336] : memref<10752x128xf32, #tpu.memory_space<vmem_shared>> -> memref<10752x128xf32, #tpu.memory_space<vmem_shared>>
      tpu.enqueue_indirect_dma source(%dma_start3A_334 : memref<16x128xf32, #tpu.memory_space<vmem>>) target(%dma_start3A_337 : memref<10752x128xf32, #tpu.memory_space<vmem_shared>>) offsets(%get3A_331 : vector<16xi32>) semaphore(%arg17 : memref<!tpu.dma_semaphore, #tpu.memory_space<semaphore_mem>>) {add = true}
      %add3A_338 = arith.constant 3 : i32
      %add3A_339 = arith.addi %add3A_241, %add3A_338 : i32
      %min3A = arith.minsi %add3A_339, %sub3A_3 : i32
      %dma_start3A_340 = arith.constant 0 : i32
      %dma_start3A_341 = arith.constant 0 : i32
      %dma_start3A_342 = tpu.memref_slice %arg6[%dma_start3A_340, %dma_start3A_341] : memref<9x128xi32, #tpu.memory_space<vmem>> -> memref<3x128xi32, #tpu.memory_space<vmem>>
      %dma_start3A_343 = arith.constant 0 : i32
      %dma_start3A_344 = arith.constant 0 : i32
      %dma_start3A_345 = tpu.memref_slice %arg3[%add3A, %min3A, %dma_start3A_343, %dma_start3A_344] : memref<32x135x3x128xi32, #tpu.memory_space<hbm>> -> memref<1x1x3x128xi32, #tpu.memory_space<hbm>>
      %dma_start3A_346 = tpu.memref_squeeze %dma_start3A_345 : memref<1x1x3x128xi32, #tpu.memory_space<hbm>> -> memref<3x128xi32, #tpu.memory_space<hbm>>
      %dma_start3A_347 = arith.constant 0 : i32
      %dma_start3A_348 = arith.constant 0 : i32
      %dma_start3A_349 = tpu.memref_slice %arg6[%dma_start3A_347, %dma_start3A_348] : memref<9x128xi32, #tpu.memory_space<vmem>> -> memref<3x128xi32, #tpu.memory_space<vmem>>
      %dma_start3A_350 = arith.constant 0 : i32
      %dma_start3A_351 = arith.constant 0 : i32
      %dma_start3A_352 = tpu.memref_slice %arg3[%add3A, %min3A, %dma_start3A_350, %dma_start3A_351] : memref<32x135x3x128xi32, #tpu.memory_space<hbm>> -> memref<1x1x3x128xi32, #tpu.memory_space<hbm>>
      %dma_start3A_353 = tpu.memref_squeeze %dma_start3A_352 : memref<1x1x3x128xi32, #tpu.memory_space<hbm>> -> memref<3x128xi32, #tpu.memory_space<hbm>>
      tpu.enqueue_dma source(%dma_start3A_353 : memref<3x128xi32, #tpu.memory_space<hbm>>) target(%dma_start3A_349 : memref<3x128xi32, #tpu.memory_space<vmem>>) target_semaphore(%arg11 : memref<!tpu.dma_semaphore, #tpu.memory_space<semaphore_mem>>)
      %mul3A_354 = arith.constant 3 : i32
      %mul3A_355 = arith.muli %mul3A_354, %while3A_237 : i32
      %add3A_356 = arith.constant 1 : i32
      %add3A_357 = arith.addi %mul3A_355, %add3A_356 : i32
      %ge3A_358 = arith.constant 2 : i32
      %ge3A_359 = arith.cmpi sge, %add3A_357, %ge3A_358 : i32
      %convert_element_type3A_360 = arith.extui %ge3A_359 : i1 to i32
      %cond3A_361 = arith.constant 0 : i32
      %cond3A_362 = arith.cmpi ne, %convert_element_type3A_360, %cond3A_361 : i32
      scf.if %cond3A_362 {
        %dma_wait3A_594 = arith.constant 0 : i32
        %dma_wait3A_595 = arith.constant 0 : i32
        %dma_wait3A_596 = tpu.memref_slice %arg9[%dma_wait3A_594, %dma_wait3A_595] : memref<96x128xf32, #tpu.memory_space<vmem>> -> memref<16x128xf32, #tpu.memory_space<vmem>>
        %dma_wait3A_597 = arith.constant 0 : i32
        %dma_wait3A_598 = arith.constant 0 : i32
        %dma_wait3A_599 = tpu.memref_slice %arg10[%dma_wait3A_597, %dma_wait3A_598] : memref<10752x128xf32, #tpu.memory_space<vmem_shared>> -> memref<10752x128xf32, #tpu.memory_space<vmem_shared>>
        tpu.wait_indirect_dma semaphore(%arg19 : memref<!tpu.dma_semaphore, #tpu.memory_space<semaphore_mem>>) src(%dma_wait3A_596 : memref<16x128xf32, #tpu.memory_space<vmem>>) dst(%dma_wait3A_599 : memref<10752x128xf32, #tpu.memory_space<vmem_shared>>)
        %dma_wait3A_600 = arith.constant 16 : i32
        %dma_wait3A_601 = arith.constant 0 : i32
        %dma_wait3A_602 = tpu.memref_slice %arg9[%dma_wait3A_600, %dma_wait3A_601] : memref<96x128xf32, #tpu.memory_space<vmem>> -> memref<16x128xf32, #tpu.memory_space<vmem>>
        %dma_wait3A_603 = arith.constant 0 : i32
        %dma_wait3A_604 = arith.constant 0 : i32
        %dma_wait3A_605 = tpu.memref_slice %arg10[%dma_wait3A_603, %dma_wait3A_604] : memref<10752x128xf32, #tpu.memory_space<vmem_shared>> -> memref<10752x128xf32, #tpu.memory_space<vmem_shared>>
        tpu.wait_indirect_dma semaphore(%arg19 : memref<!tpu.dma_semaphore, #tpu.memory_space<semaphore_mem>>) src(%dma_wait3A_602 : memref<16x128xf32, #tpu.memory_space<vmem>>) dst(%dma_wait3A_605 : memref<10752x128xf32, #tpu.memory_space<vmem_shared>>)
        %dma_wait3A_606 = arith.constant 32 : i32
        %dma_wait3A_607 = arith.constant 0 : i32
        %dma_wait3A_608 = tpu.memref_slice %arg9[%dma_wait3A_606, %dma_wait3A_607] : memref<96x128xf32, #tpu.memory_space<vmem>> -> memref<16x128xf32, #tpu.memory_space<vmem>>
        %dma_wait3A_609 = arith.constant 0 : i32
        %dma_wait3A_610 = arith.constant 0 : i32
        %dma_wait3A_611 = tpu.memref_slice %arg10[%dma_wait3A_609, %dma_wait3A_610] : memref<10752x128xf32, #tpu.memory_space<vmem_shared>> -> memref<10752x128xf32, #tpu.memory_space<vmem_shared>>
        tpu.wait_indirect_dma semaphore(%arg19 : memref<!tpu.dma_semaphore, #tpu.memory_space<semaphore_mem>>) src(%dma_wait3A_608 : memref<16x128xf32, #tpu.memory_space<vmem>>) dst(%dma_wait3A_611 : memref<10752x128xf32, #tpu.memory_space<vmem_shared>>)
        %dma_wait3A_612 = arith.constant 48 : i32
        %dma_wait3A_613 = arith.constant 0 : i32
        %dma_wait3A_614 = tpu.memref_slice %arg9[%dma_wait3A_612, %dma_wait3A_613] : memref<96x128xf32, #tpu.memory_space<vmem>> -> memref<16x128xf32, #tpu.memory_space<vmem>>
        %dma_wait3A_615 = arith.constant 0 : i32
        %dma_wait3A_616 = arith.constant 0 : i32
        %dma_wait3A_617 = tpu.memref_slice %arg10[%dma_wait3A_615, %dma_wait3A_616] : memref<10752x128xf32, #tpu.memory_space<vmem_shared>> -> memref<10752x128xf32, #tpu.memory_space<vmem_shared>>
        tpu.wait_indirect_dma semaphore(%arg19 : memref<!tpu.dma_semaphore, #tpu.memory_space<semaphore_mem>>) src(%dma_wait3A_614 : memref<16x128xf32, #tpu.memory_space<vmem>>) dst(%dma_wait3A_617 : memref<10752x128xf32, #tpu.memory_space<vmem_shared>>)
        %dma_wait3A_618 = arith.constant 64 : i32
        %dma_wait3A_619 = arith.constant 0 : i32
        %dma_wait3A_620 = tpu.memref_slice %arg9[%dma_wait3A_618, %dma_wait3A_619] : memref<96x128xf32, #tpu.memory_space<vmem>> -> memref<16x128xf32, #tpu.memory_space<vmem>>
        %dma_wait3A_621 = arith.constant 0 : i32
        %dma_wait3A_622 = arith.constant 0 : i32
        %dma_wait3A_623 = tpu.memref_slice %arg10[%dma_wait3A_621, %dma_wait3A_622] : memref<10752x128xf32, #tpu.memory_space<vmem_shared>> -> memref<10752x128xf32, #tpu.memory_space<vmem_shared>>
        tpu.wait_indirect_dma semaphore(%arg19 : memref<!tpu.dma_semaphore, #tpu.memory_space<semaphore_mem>>) src(%dma_wait3A_620 : memref<16x128xf32, #tpu.memory_space<vmem>>) dst(%dma_wait3A_623 : memref<10752x128xf32, #tpu.memory_space<vmem_shared>>)
        %dma_wait3A_624 = arith.constant 80 : i32
        %dma_wait3A_625 = arith.constant 0 : i32
        %dma_wait3A_626 = tpu.memref_slice %arg9[%dma_wait3A_624, %dma_wait3A_625] : memref<96x128xf32, #tpu.memory_space<vmem>> -> memref<16x128xf32, #tpu.memory_space<vmem>>
        %dma_wait3A_627 = arith.constant 0 : i32
        %dma_wait3A_628 = arith.constant 0 : i32
        %dma_wait3A_629 = tpu.memref_slice %arg10[%dma_wait3A_627, %dma_wait3A_628] : memref<10752x128xf32, #tpu.memory_space<vmem_shared>> -> memref<10752x128xf32, #tpu.memory_space<vmem_shared>>
        tpu.wait_indirect_dma semaphore(%arg19 : memref<!tpu.dma_semaphore, #tpu.memory_space<semaphore_mem>>) src(%dma_wait3A_626 : memref<16x128xf32, #tpu.memory_space<vmem>>) dst(%dma_wait3A_629 : memref<10752x128xf32, #tpu.memory_space<vmem_shared>>)
      } else {
      }
      %dma_wait3A_363 = arith.constant 0 : i32
      %dma_wait3A_364 = arith.constant 0 : i32
      %dma_wait3A_365 = arith.constant 0 : i32
      %dma_wait3A_366 = tpu.memref_slice %arg6[%dma_wait3A_364, %dma_wait3A_365] : memref<9x128xi32, #tpu.memory_space<vmem>> -> memref<3x128xi32, #tpu.memory_space<vmem>>
      %dma_wait3A_367 = arith.constant 0 : i32
      %dma_wait3A_368 = arith.constant 0 : i32
      %dma_wait3A_369 = tpu.memref_slice %arg3[%add3A, %dma_wait3A_363, %dma_wait3A_367, %dma_wait3A_368] : memref<32x135x3x128xi32, #tpu.memory_space<hbm>> -> memref<1x1x3x128xi32, #tpu.memory_space<hbm>>
      %dma_wait3A_370 = tpu.memref_squeeze %dma_wait3A_369 : memref<1x1x3x128xi32, #tpu.memory_space<hbm>> -> memref<3x128xi32, #tpu.memory_space<hbm>>
      %dma_wait3A_371 = arith.constant 0 : i32
      %dma_wait3A_372 = arith.constant 0 : i32
      %dma_wait3A_373 = tpu.memref_slice %arg6[%dma_wait3A_371, %dma_wait3A_372] : memref<9x128xi32, #tpu.memory_space<vmem>> -> memref<3x128xi32, #tpu.memory_space<vmem>>
      %dma_wait3A_374 = arith.constant 0 : i32
      %dma_wait3A_375 = arith.constant 0 : i32
      %dma_wait3A_376 = tpu.memref_slice %arg3[%add3A, %dma_wait3A_363, %dma_wait3A_374, %dma_wait3A_375] : memref<32x135x3x128xi32, #tpu.memory_space<hbm>> -> memref<1x1x3x128xi32, #tpu.memory_space<hbm>>
      %dma_wait3A_377 = tpu.memref_squeeze %dma_wait3A_376 : memref<1x1x3x128xi32, #tpu.memory_space<hbm>> -> memref<3x128xi32, #tpu.memory_space<hbm>>
      tpu.wait_dma2 semaphore(%arg13 : memref<!tpu.dma_semaphore, #tpu.memory_space<semaphore_mem>>) src(%dma_wait3A_377 : memref<3x128xi32, #tpu.memory_space<hbm>>) dst(%dma_wait3A_373 : memref<3x128xi32, #tpu.memory_space<vmem>>)
      %dma_start3A_378 = arith.constant 6 : i32
      %dma_start3A_379 = arith.constant 0 : i32
      %dma_start3A_380 = tpu.memref_slice %arg6[%dma_start3A_378, %dma_start3A_379] : memref<9x128xi32, #tpu.memory_space<vmem>> -> memref<1x96xi32, #tpu.memory_space<vmem>>
      %dma_start3A_381 = tpu.memref_squeeze %dma_start3A_380 : memref<1x96xi32, #tpu.memory_space<vmem>> -> memref<96xi32, #tpu.memory_space<vmem>>
      %dma_start3A_382 = arith.constant 0 : i32
      %dma_start3A_383 = arith.constant 0 : i32
      %dma_start3A_384 = tpu.memref_slice %arg2[%dma_start3A_382, %dma_start3A_383] : memref<10000x128xf32, #tpu.memory_space<hbm>> -> memref<10000x128xf32, #tpu.memory_space<hbm>>
      tpu.enqueue_indirect_dma source(%dma_start3A_384 : memref<10000x128xf32, #tpu.memory_space<hbm>>) target(%arg9 : memref<96x128xf32, #tpu.memory_space<vmem>>) offsets(%dma_start3A_381 : memref<96xi32, #tpu.memory_space<vmem>>) semaphore(%arg16 : memref<!tpu.dma_semaphore, #tpu.memory_space<semaphore_mem>>)
      %dma_wait3A_385 = arith.constant 0 : i32
      %dma_wait3A_386 = arith.constant 0 : i32
      %dma_wait3A_387 = tpu.memref_slice %arg6[%dma_wait3A_385, %dma_wait3A_386] : memref<9x128xi32, #tpu.memory_space<vmem>> -> memref<1x96xi32, #tpu.memory_space<vmem>>
      %dma_wait3A_388 = tpu.memref_squeeze %dma_wait3A_387 : memref<1x96xi32, #tpu.memory_space<vmem>> -> memref<96xi32, #tpu.memory_space<vmem>>
      %dma_wait3A_389 = arith.constant 0 : i32
      %dma_wait3A_390 = arith.constant 0 : i32
      %dma_wait3A_391 = tpu.memref_slice %arg2[%dma_wait3A_389, %dma_wait3A_390] : memref<10000x128xf32, #tpu.memory_space<hbm>> -> memref<10000x128xf32, #tpu.memory_space<hbm>>
      tpu.wait_indirect_dma semaphore(%arg15 : memref<!tpu.dma_semaphore, #tpu.memory_space<semaphore_mem>>) src(%dma_wait3A_391 : memref<10000x128xf32, #tpu.memory_space<hbm>>) dst(%arg8 : memref<96x128xf32, #tpu.memory_space<vmem>>)
      %broadcast_in_dim3A_392 = arith.constant 5 : i32
      %broadcast_in_dim3A_393 = vector.broadcast %broadcast_in_dim3A_392 : i32 to vector<16xi32>
      %parallel_loop3A_394 = arith.constant 0 : i32
      %parallel_loop3A_395 = arith.constant 96 : i32
      %parallel_loop3A_396 = arith.constant 1 : i32
      scf.for %parallel_loop3A_594 = %parallel_loop3A_394 to %parallel_loop3A_395 step %parallel_loop3A_396  : i32 {
        %parallel_loop3A_595 = vector.broadcast %parallel_loop3A_594 : i32 to vector<16xi32>
        %parallel_loop3A_596 = tpu.vector_load_idx %arg6[%broadcast_in_dim3A_393, %parallel_loop3A_595] : memref<9x128xi32, #tpu.memory_space<vmem>>[vector<16xi32>, vector<16xi32>], vector<16xi32>,
        %parallel_loop3A_597 = vector.bitcast %parallel_loop3A_596 : vector<16xi32> to vector<16xf32>
        %parallel_loop3A_598 = arith.index_cast %parallel_loop3A_594 : i32 to index
        %parallel_loop3A_599 = arith.constant 0 : index
        %parallel_loop3A_600 = tpu.vector_load %arg8[%parallel_loop3A_598, %parallel_loop3A_599] {strides = array<i32>} : memref<96x128xf32, #tpu.memory_space<vmem>>, vector<16xf32>,
        %parallel_loop3A_601 = arith.mulf %parallel_loop3A_600, %parallel_loop3A_597 : vector<16xf32>
        %parallel_loop3A_602 = arith.index_cast %parallel_loop3A_594 : i32 to index
        %parallel_loop3A_603 = arith.constant 0 : index
        %parallel_loop3A_604 = tpu.vector_load %arg8[%parallel_loop3A_602, %parallel_loop3A_603] {strides = array<i32>} : memref<96x128xf32, #tpu.memory_space<vmem>>, vector<16xf32>,
        tpu.vector_store %arg8[%parallel_loop3A_602, %parallel_loop3A_603], %parallel_loop3A_601 {strides = array<i32>} : memref<96x128xf32, #tpu.memory_space<vmem>>, vector<16xf32>,
        %parallel_loop3A_605 = arith.index_cast %parallel_loop3A_594 : i32 to index
        %parallel_loop3A_606 = arith.constant 16 : index
        %parallel_loop3A_607 = tpu.vector_load %arg8[%parallel_loop3A_605, %parallel_loop3A_606] {strides = array<i32>} : memref<96x128xf32, #tpu.memory_space<vmem>>, vector<16xf32>,
        %parallel_loop3A_608 = arith.mulf %parallel_loop3A_607, %parallel_loop3A_597 : vector<16xf32>
        %parallel_loop3A_609 = arith.index_cast %parallel_loop3A_594 : i32 to index
        %parallel_loop3A_610 = arith.constant 16 : index
        %parallel_loop3A_611 = tpu.vector_load %arg8[%parallel_loop3A_609, %parallel_loop3A_610] {strides = array<i32>} : memref<96x128xf32, #tpu.memory_space<vmem>>, vector<16xf32>,
        tpu.vector_store %arg8[%parallel_loop3A_609, %parallel_loop3A_610], %parallel_loop3A_608 {strides = array<i32>} : memref<96x128xf32, #tpu.memory_space<vmem>>, vector<16xf32>,
        %parallel_loop3A_612 = arith.index_cast %parallel_loop3A_594 : i32 to index
        %parallel_loop3A_613 = arith.constant 32 : index
        %parallel_loop3A_614 = tpu.vector_load %arg8[%parallel_loop3A_612, %parallel_loop3A_613] {strides = array<i32>} : memref<96x128xf32, #tpu.memory_space<vmem>>, vector<16xf32>,
        %parallel_loop3A_615 = arith.mulf %parallel_loop3A_614, %parallel_loop3A_597 : vector<16xf32>
        %parallel_loop3A_616 = arith.index_cast %parallel_loop3A_594 : i32 to index
        %parallel_loop3A_617 = arith.constant 32 : index
        %parallel_loop3A_618 = tpu.vector_load %arg8[%parallel_loop3A_616, %parallel_loop3A_617] {strides = array<i32>} : memref<96x128xf32, #tpu.memory_space<vmem>>, vector<16xf32>,
        tpu.vector_store %arg8[%parallel_loop3A_616, %parallel_loop3A_617], %parallel_loop3A_615 {strides = array<i32>} : memref<96x128xf32, #tpu.memory_space<vmem>>, vector<16xf32>,
        %parallel_loop3A_619 = arith.index_cast %parallel_loop3A_594 : i32 to index
        %parallel_loop3A_620 = arith.constant 48 : index
        %parallel_loop3A_621 = tpu.vector_load %arg8[%parallel_loop3A_619, %parallel_loop3A_620] {strides = array<i32>} : memref<96x128xf32, #tpu.memory_space<vmem>>, vector<16xf32>,
        %parallel_loop3A_622 = arith.mulf %parallel_loop3A_621, %parallel_loop3A_597 : vector<16xf32>
        %parallel_loop3A_623 = arith.index_cast %parallel_loop3A_594 : i32 to index
        %parallel_loop3A_624 = arith.constant 48 : index
        %parallel_loop3A_625 = tpu.vector_load %arg8[%parallel_loop3A_623, %parallel_loop3A_624] {strides = array<i32>} : memref<96x128xf32, #tpu.memory_space<vmem>>, vector<16xf32>,
        tpu.vector_store %arg8[%parallel_loop3A_623, %parallel_loop3A_624], %parallel_loop3A_622 {strides = array<i32>} : memref<96x128xf32, #tpu.memory_space<vmem>>, vector<16xf32>,
        %parallel_loop3A_626 = arith.index_cast %parallel_loop3A_594 : i32 to index
        %parallel_loop3A_627 = arith.constant 64 : index
        %parallel_loop3A_628 = tpu.vector_load %arg8[%parallel_loop3A_626, %parallel_loop3A_627] {strides = array<i32>} : memref<96x128xf32, #tpu.memory_space<vmem>>, vector<16xf32>,
        %parallel_loop3A_629 = arith.mulf %parallel_loop3A_628, %parallel_loop3A_597 : vector<16xf32>
        %parallel_loop3A_630 = arith.index_cast %parallel_loop3A_594 : i32 to index
        %parallel_loop3A_631 = arith.constant 64 : index
        %parallel_loop3A_632 = tpu.vector_load %arg8[%parallel_loop3A_630, %parallel_loop3A_631] {strides = array<i32>} : memref<96x128xf32, #tpu.memory_space<vmem>>, vector<16xf32>,
        tpu.vector_store %arg8[%parallel_loop3A_630, %parallel_loop3A_631], %parallel_loop3A_629 {strides = array<i32>} : memref<96x128xf32, #tpu.memory_space<vmem>>, vector<16xf32>,
        %parallel_loop3A_633 = arith.index_cast %parallel_loop3A_594 : i32 to index
        %parallel_loop3A_634 = arith.constant 80 : index
        %parallel_loop3A_635 = tpu.vector_load %arg8[%parallel_loop3A_633, %parallel_loop3A_634] {strides = array<i32>} : memref<96x128xf32, #tpu.memory_space<vmem>>, vector<16xf32>,
        %parallel_loop3A_636 = arith.mulf %parallel_loop3A_635, %parallel_loop3A_597 : vector<16xf32>
        %parallel_loop3A_637 = arith.index_cast %parallel_loop3A_594 : i32 to index
        %parallel_loop3A_638 = arith.constant 80 : index
        %parallel_loop3A_639 = tpu.vector_load %arg8[%parallel_loop3A_637, %parallel_loop3A_638] {strides = array<i32>} : memref<96x128xf32, #tpu.memory_space<vmem>>, vector<16xf32>,
        tpu.vector_store %arg8[%parallel_loop3A_637, %parallel_loop3A_638], %parallel_loop3A_636 {strides = array<i32>} : memref<96x128xf32, #tpu.memory_space<vmem>>, vector<16xf32>,
        %parallel_loop3A_640 = arith.index_cast %parallel_loop3A_594 : i32 to index
        %parallel_loop3A_641 = arith.constant 96 : index
        %parallel_loop3A_642 = tpu.vector_load %arg8[%parallel_loop3A_640, %parallel_loop3A_641] {strides = array<i32>} : memref<96x128xf32, #tpu.memory_space<vmem>>, vector<16xf32>,
        %parallel_loop3A_643 = arith.mulf %parallel_loop3A_642, %parallel_loop3A_597 : vector<16xf32>
        %parallel_loop3A_644 = arith.index_cast %parallel_loop3A_594 : i32 to index
        %parallel_loop3A_645 = arith.constant 96 : index
        %parallel_loop3A_646 = tpu.vector_load %arg8[%parallel_loop3A_644, %parallel_loop3A_645] {strides = array<i32>} : memref<96x128xf32, #tpu.memory_space<vmem>>, vector<16xf32>,
        tpu.vector_store %arg8[%parallel_loop3A_644, %parallel_loop3A_645], %parallel_loop3A_643 {strides = array<i32>} : memref<96x128xf32, #tpu.memory_space<vmem>>, vector<16xf32>,
        %parallel_loop3A_647 = arith.index_cast %parallel_loop3A_594 : i32 to index
        %parallel_loop3A_648 = arith.constant 112 : index
        %parallel_loop3A_649 = tpu.vector_load %arg8[%parallel_loop3A_647, %parallel_loop3A_648] {strides = array<i32>} : memref<96x128xf32, #tpu.memory_space<vmem>>, vector<16xf32>,
        %parallel_loop3A_650 = arith.mulf %parallel_loop3A_649, %parallel_loop3A_597 : vector<16xf32>
        %parallel_loop3A_651 = arith.index_cast %parallel_loop3A_594 : i32 to index
        %parallel_loop3A_652 = arith.constant 112 : index
        %parallel_loop3A_653 = tpu.vector_load %arg8[%parallel_loop3A_651, %parallel_loop3A_652] {strides = array<i32>} : memref<96x128xf32, #tpu.memory_space<vmem>>, vector<16xf32>,
        tpu.vector_store %arg8[%parallel_loop3A_651, %parallel_loop3A_652], %parallel_loop3A_650 {strides = array<i32>} : memref<96x128xf32, #tpu.memory_space<vmem>>, vector<16xf32>,
      } {sc.loop_unroll_factor = 4 : i64, sc.parallel_access}
      %get3A_397 = arith.constant 4 : i32
      %get3A_398 = arith.index_cast %get3A_397 : i32 to index
      %get3A_399 = arith.constant 0 : index
      %get3A_400 = tpu.vector_load %arg6[%get3A_398, %get3A_399] {strides = array<i32>} : memref<9x128xi32, #tpu.memory_space<vmem>>, vector<16xi32>,
      %dma_start3A_401 = arith.constant 0 : i32
      %dma_start3A_402 = arith.constant 0 : i32
      %dma_start3A_403 = tpu.memref_slice %arg8[%dma_start3A_401, %dma_start3A_402] : memref<96x128xf32, #tpu.memory_space<vmem>> -> memref<16x128xf32, #tpu.memory_space<vmem>>
      %dma_start3A_404 = arith.constant 0 : i32
      %dma_start3A_405 = arith.constant 0 : i32
      %dma_start3A_406 = tpu.memref_slice %arg10[%dma_start3A_404, %dma_start3A_405] : memref<10752x128xf32, #tpu.memory_space<vmem_shared>> -> memref<10752x128xf32, #tpu.memory_space<vmem_shared>>
      tpu.enqueue_indirect_dma source(%dma_start3A_403 : memref<16x128xf32, #tpu.memory_space<vmem>>) target(%dma_start3A_406 : memref<10752x128xf32, #tpu.memory_space<vmem_shared>>) offsets(%get3A_400 : vector<16xi32>) semaphore(%arg18 : memref<!tpu.dma_semaphore, #tpu.memory_space<semaphore_mem>>) {add = true}
      %get3A_407 = arith.constant 4 : i32
      %get3A_408 = arith.index_cast %get3A_407 : i32 to index
      %get3A_409 = arith.constant 16 : index
      %get3A_410 = tpu.vector_load %arg6[%get3A_408, %get3A_409] {strides = array<i32>} : memref<9x128xi32, #tpu.memory_space<vmem>>, vector<16xi32>,
      %dma_start3A_411 = arith.constant 16 : i32
      %dma_start3A_412 = arith.constant 0 : i32
      %dma_start3A_413 = tpu.memref_slice %arg8[%dma_start3A_411, %dma_start3A_412] : memref<96x128xf32, #tpu.memory_space<vmem>> -> memref<16x128xf32, #tpu.memory_space<vmem>>
      %dma_start3A_414 = arith.constant 0 : i32
      %dma_start3A_415 = arith.constant 0 : i32
      %dma_start3A_416 = tpu.memref_slice %arg10[%dma_start3A_414, %dma_start3A_415] : memref<10752x128xf32, #tpu.memory_space<vmem_shared>> -> memref<10752x128xf32, #tpu.memory_space<vmem_shared>>
      tpu.enqueue_indirect_dma source(%dma_start3A_413 : memref<16x128xf32, #tpu.memory_space<vmem>>) target(%dma_start3A_416 : memref<10752x128xf32, #tpu.memory_space<vmem_shared>>) offsets(%get3A_410 : vector<16xi32>) semaphore(%arg18 : memref<!tpu.dma_semaphore, #tpu.memory_space<semaphore_mem>>) {add = true}
      %get3A_417 = arith.constant 4 : i32
      %get3A_418 = arith.index_cast %get3A_417 : i32 to index
      %get3A_419 = arith.constant 32 : index
      %get3A_420 = tpu.vector_load %arg6[%get3A_418, %get3A_419] {strides = array<i32>} : memref<9x128xi32, #tpu.memory_space<vmem>>, vector<16xi32>,
      %dma_start3A_421 = arith.constant 32 : i32
      %dma_start3A_422 = arith.constant 0 : i32
      %dma_start3A_423 = tpu.memref_slice %arg8[%dma_start3A_421, %dma_start3A_422] : memref<96x128xf32, #tpu.memory_space<vmem>> -> memref<16x128xf32, #tpu.memory_space<vmem>>
      %dma_start3A_424 = arith.constant 0 : i32
      %dma_start3A_425 = arith.constant 0 : i32
      %dma_start3A_426 = tpu.memref_slice %arg10[%dma_start3A_424, %dma_start3A_425] : memref<10752x128xf32, #tpu.memory_space<vmem_shared>> -> memref<10752x128xf32, #tpu.memory_space<vmem_shared>>
      tpu.enqueue_indirect_dma source(%dma_start3A_423 : memref<16x128xf32, #tpu.memory_space<vmem>>) target(%dma_start3A_426 : memref<10752x128xf32, #tpu.memory_space<vmem_shared>>) offsets(%get3A_420 : vector<16xi32>) semaphore(%arg18 : memref<!tpu.dma_semaphore, #tpu.memory_space<semaphore_mem>>) {add = true}
      %get3A_427 = arith.constant 4 : i32
      %get3A_428 = arith.index_cast %get3A_427 : i32 to index
      %get3A_429 = arith.constant 48 : index
      %get3A_430 = tpu.vector_load %arg6[%get3A_428, %get3A_429] {strides = array<i32>} : memref<9x128xi32, #tpu.memory_space<vmem>>, vector<16xi32>,
      %dma_start3A_431 = arith.constant 48 : i32
      %dma_start3A_432 = arith.constant 0 : i32
      %dma_start3A_433 = tpu.memref_slice %arg8[%dma_start3A_431, %dma_start3A_432] : memref<96x128xf32, #tpu.memory_space<vmem>> -> memref<16x128xf32, #tpu.memory_space<vmem>>
      %dma_start3A_434 = arith.constant 0 : i32
      %dma_start3A_435 = arith.constant 0 : i32
      %dma_start3A_436 = tpu.memref_slice %arg10[%dma_start3A_434, %dma_start3A_435] : memref<10752x128xf32, #tpu.memory_space<vmem_shared>> -> memref<10752x128xf32, #tpu.memory_space<vmem_shared>>
      tpu.enqueue_indirect_dma source(%dma_start3A_433 : memref<16x128xf32, #tpu.memory_space<vmem>>) target(%dma_start3A_436 : memref<10752x128xf32, #tpu.memory_space<vmem_shared>>) offsets(%get3A_430 : vector<16xi32>) semaphore(%arg18 : memref<!tpu.dma_semaphore, #tpu.memory_space<semaphore_mem>>) {add = true}
      %get3A_437 = arith.constant 4 : i32
      %get3A_438 = arith.index_cast %get3A_437 : i32 to index
      %get3A_439 = arith.constant 64 : index
      %get3A_440 = tpu.vector_load %arg6[%get3A_438, %get3A_439] {strides = array<i32>} : memref<9x128xi32, #tpu.memory_space<vmem>>, vector<16xi32>,
      %dma_start3A_441 = arith.constant 64 : i32
      %dma_start3A_442 = arith.constant 0 : i32
      %dma_start3A_443 = tpu.memref_slice %arg8[%dma_start3A_441, %dma_start3A_442] : memref<96x128xf32, #tpu.memory_space<vmem>> -> memref<16x128xf32, #tpu.memory_space<vmem>>
      %dma_start3A_444 = arith.constant 0 : i32
      %dma_start3A_445 = arith.constant 0 : i32
      %dma_start3A_446 = tpu.memref_slice %arg10[%dma_start3A_444, %dma_start3A_445] : memref<10752x128xf32, #tpu.memory_space<vmem_shared>> -> memref<10752x128xf32, #tpu.memory_space<vmem_shared>>
      tpu.enqueue_indirect_dma source(%dma_start3A_443 : memref<16x128xf32, #tpu.memory_space<vmem>>) target(%dma_start3A_446 : memref<10752x128xf32, #tpu.memory_space<vmem_shared>>) offsets(%get3A_440 : vector<16xi32>) semaphore(%arg18 : memref<!tpu.dma_semaphore, #tpu.memory_space<semaphore_mem>>) {add = true}
      %get3A_447 = arith.constant 4 : i32
      %get3A_448 = arith.index_cast %get3A_447 : i32 to index
      %get3A_449 = arith.constant 80 : index
      %get3A_450 = tpu.vector_load %arg6[%get3A_448, %get3A_449] {strides = array<i32>} : memref<9x128xi32, #tpu.memory_space<vmem>>, vector<16xi32>,
      %dma_start3A_451 = arith.constant 80 : i32
      %dma_start3A_452 = arith.constant 0 : i32
      %dma_start3A_453 = tpu.memref_slice %arg8[%dma_start3A_451, %dma_start3A_452] : memref<96x128xf32, #tpu.memory_space<vmem>> -> memref<16x128xf32, #tpu.memory_space<vmem>>
      %dma_start3A_454 = arith.constant 0 : i32
      %dma_start3A_455 = arith.constant 0 : i32
      %dma_start3A_456 = tpu.memref_slice %arg10[%dma_start3A_454, %dma_start3A_455] : memref<10752x128xf32, #tpu.memory_space<vmem_shared>> -> memref<10752x128xf32, #tpu.memory_space<vmem_shared>>
      tpu.enqueue_indirect_dma source(%dma_start3A_453 : memref<16x128xf32, #tpu.memory_space<vmem>>) target(%dma_start3A_456 : memref<10752x128xf32, #tpu.memory_space<vmem_shared>>) offsets(%get3A_450 : vector<16xi32>) semaphore(%arg18 : memref<!tpu.dma_semaphore, #tpu.memory_space<semaphore_mem>>) {add = true}
      %add3A_457 = arith.constant 3 : i32
      %add3A_458 = arith.addi %add3A_357, %add3A_457 : i32
      %min3A_459 = arith.minsi %add3A_458, %sub3A_3 : i32
      %dma_start3A_460 = arith.constant 3 : i32
      %dma_start3A_461 = arith.constant 0 : i32
      %dma_start3A_462 = tpu.memref_slice %arg6[%dma_start3A_460, %dma_start3A_461] : memref<9x128xi32, #tpu.memory_space<vmem>> -> memref<3x128xi32, #tpu.memory_space<vmem>>
      %dma_start3A_463 = arith.constant 0 : i32
      %dma_start3A_464 = arith.constant 0 : i32
      %dma_start3A_465 = tpu.memref_slice %arg3[%add3A, %min3A_459, %dma_start3A_463, %dma_start3A_464] : memref<32x135x3x128xi32, #tpu.memory_space<hbm>> -> memref<1x1x3x128xi32, #tpu.memory_space<hbm>>
      %dma_start3A_466 = tpu.memref_squeeze %dma_start3A_465 : memref<1x1x3x128xi32, #tpu.memory_space<hbm>> -> memref<3x128xi32, #tpu.memory_space<hbm>>
      %dma_start3A_467 = arith.constant 3 : i32
      %dma_start3A_468 = arith.constant 0 : i32
      %dma_start3A_469 = tpu.memref_slice %arg6[%dma_start3A_467, %dma_start3A_468] : memref<9x128xi32, #tpu.memory_space<vmem>> -> memref<3x128xi32, #tpu.memory_space<vmem>>
      %dma_start3A_470 = arith.constant 0 : i32
      %dma_start3A_471 = arith.constant 0 : i32
      %dma_start3A_472 = tpu.memref_slice %arg3[%add3A, %min3A_459, %dma_start3A_470, %dma_start3A_471] : memref<32x135x3x128xi32, #tpu.memory_space<hbm>> -> memref<1x1x3x128xi32, #tpu.memory_space<hbm>>
      %dma_start3A_473 = tpu.memref_squeeze %dma_start3A_472 : memref<1x1x3x128xi32, #tpu.memory_space<hbm>> -> memref<3x128xi32, #tpu.memory_space<hbm>>
      tpu.enqueue_dma source(%dma_start3A_473 : memref<3x128xi32, #tpu.memory_space<hbm>>) target(%dma_start3A_469 : memref<3x128xi32, #tpu.memory_space<vmem>>) target_semaphore(%arg12 : memref<!tpu.dma_semaphore, #tpu.memory_space<semaphore_mem>>)
      %mul3A_474 = arith.constant 3 : i32
      %mul3A_475 = arith.muli %mul3A_474, %while3A_237 : i32
      %add3A_476 = arith.constant 2 : i32
      %add3A_477 = arith.addi %mul3A_475, %add3A_476 : i32
      %ge3A_478 = arith.constant 2 : i32
      %ge3A_479 = arith.cmpi sge, %add3A_477, %ge3A_478 : i32
      %convert_element_type3A_480 = arith.extui %ge3A_479 : i1 to i32
      %cond3A_481 = arith.constant 0 : i32
      %cond3A_482 = arith.cmpi ne, %convert_element_type3A_480, %cond3A_481 : i32
      scf.if %cond3A_482 {
        %dma_wait3A_594 = arith.constant 0 : i32
        %dma_wait3A_595 = arith.constant 0 : i32
        %dma_wait3A_596 = tpu.memref_slice %arg7[%dma_wait3A_594, %dma_wait3A_595] : memref<96x128xf32, #tpu.memory_space<vmem>> -> memref<16x128xf32, #tpu.memory_space<vmem>>
        %dma_wait3A_597 = arith.constant 0 : i32
        %dma_wait3A_598 = arith.constant 0 : i32
        %dma_wait3A_599 = tpu.memref_slice %arg10[%dma_wait3A_597, %dma_wait3A_598] : memref<10752x128xf32, #tpu.memory_space<vmem_shared>> -> memref<10752x128xf32, #tpu.memory_space<vmem_shared>>
        tpu.wait_indirect_dma semaphore(%arg17 : memref<!tpu.dma_semaphore, #tpu.memory_space<semaphore_mem>>) src(%dma_wait3A_596 : memref<16x128xf32, #tpu.memory_space<vmem>>) dst(%dma_wait3A_599 : memref<10752x128xf32, #tpu.memory_space<vmem_shared>>)
        %dma_wait3A_600 = arith.constant 16 : i32
        %dma_wait3A_601 = arith.constant 0 : i32
        %dma_wait3A_602 = tpu.memref_slice %arg7[%dma_wait3A_600, %dma_wait3A_601] : memref<96x128xf32, #tpu.memory_space<vmem>> -> memref<16x128xf32, #tpu.memory_space<vmem>>
        %dma_wait3A_603 = arith.constant 0 : i32
        %dma_wait3A_604 = arith.constant 0 : i32
        %dma_wait3A_605 = tpu.memref_slice %arg10[%dma_wait3A_603, %dma_wait3A_604] : memref<10752x128xf32, #tpu.memory_space<vmem_shared>> -> memref<10752x128xf32, #tpu.memory_space<vmem_shared>>
        tpu.wait_indirect_dma semaphore(%arg17 : memref<!tpu.dma_semaphore, #tpu.memory_space<semaphore_mem>>) src(%dma_wait3A_602 : memref<16x128xf32, #tpu.memory_space<vmem>>) dst(%dma_wait3A_605 : memref<10752x128xf32, #tpu.memory_space<vmem_shared>>)
        %dma_wait3A_606 = arith.constant 32 : i32
        %dma_wait3A_607 = arith.constant 0 : i32
        %dma_wait3A_608 = tpu.memref_slice %arg7[%dma_wait3A_606, %dma_wait3A_607] : memref<96x128xf32, #tpu.memory_space<vmem>> -> memref<16x128xf32, #tpu.memory_space<vmem>>
        %dma_wait3A_609 = arith.constant 0 : i32
        %dma_wait3A_610 = arith.constant 0 : i32
        %dma_wait3A_611 = tpu.memref_slice %arg10[%dma_wait3A_609, %dma_wait3A_610] : memref<10752x128xf32, #tpu.memory_space<vmem_shared>> -> memref<10752x128xf32, #tpu.memory_space<vmem_shared>>
        tpu.wait_indirect_dma semaphore(%arg17 : memref<!tpu.dma_semaphore, #tpu.memory_space<semaphore_mem>>) src(%dma_wait3A_608 : memref<16x128xf32, #tpu.memory_space<vmem>>) dst(%dma_wait3A_611 : memref<10752x128xf32, #tpu.memory_space<vmem_shared>>)
        %dma_wait3A_612 = arith.constant 48 : i32
        %dma_wait3A_613 = arith.constant 0 : i32
        %dma_wait3A_614 = tpu.memref_slice %arg7[%dma_wait3A_612, %dma_wait3A_613] : memref<96x128xf32, #tpu.memory_space<vmem>> -> memref<16x128xf32, #tpu.memory_space<vmem>>
        %dma_wait3A_615 = arith.constant 0 : i32
        %dma_wait3A_616 = arith.constant 0 : i32
        %dma_wait3A_617 = tpu.memref_slice %arg10[%dma_wait3A_615, %dma_wait3A_616] : memref<10752x128xf32, #tpu.memory_space<vmem_shared>> -> memref<10752x128xf32, #tpu.memory_space<vmem_shared>>
        tpu.wait_indirect_dma semaphore(%arg17 : memref<!tpu.dma_semaphore, #tpu.memory_space<semaphore_mem>>) src(%dma_wait3A_614 : memref<16x128xf32, #tpu.memory_space<vmem>>) dst(%dma_wait3A_617 : memref<10752x128xf32, #tpu.memory_space<vmem_shared>>)
        %dma_wait3A_618 = arith.constant 64 : i32
        %dma_wait3A_619 = arith.constant 0 : i32
        %dma_wait3A_620 = tpu.memref_slice %arg7[%dma_wait3A_618, %dma_wait3A_619] : memref<96x128xf32, #tpu.memory_space<vmem>> -> memref<16x128xf32, #tpu.memory_space<vmem>>
        %dma_wait3A_621 = arith.constant 0 : i32
        %dma_wait3A_622 = arith.constant 0 : i32
        %dma_wait3A_623 = tpu.memref_slice %arg10[%dma_wait3A_621, %dma_wait3A_622] : memref<10752x128xf32, #tpu.memory_space<vmem_shared>> -> memref<10752x128xf32, #tpu.memory_space<vmem_shared>>
        tpu.wait_indirect_dma semaphore(%arg17 : memref<!tpu.dma_semaphore, #tpu.memory_space<semaphore_mem>>) src(%dma_wait3A_620 : memref<16x128xf32, #tpu.memory_space<vmem>>) dst(%dma_wait3A_623 : memref<10752x128xf32, #tpu.memory_space<vmem_shared>>)
        %dma_wait3A_624 = arith.constant 80 : i32
        %dma_wait3A_625 = arith.constant 0 : i32
        %dma_wait3A_626 = tpu.memref_slice %arg7[%dma_wait3A_624, %dma_wait3A_625] : memref<96x128xf32, #tpu.memory_space<vmem>> -> memref<16x128xf32, #tpu.memory_space<vmem>>
        %dma_wait3A_627 = arith.constant 0 : i32
        %dma_wait3A_628 = arith.constant 0 : i32
        %dma_wait3A_629 = tpu.memref_slice %arg10[%dma_wait3A_627, %dma_wait3A_628] : memref<10752x128xf32, #tpu.memory_space<vmem_shared>> -> memref<10752x128xf32, #tpu.memory_space<vmem_shared>>
        tpu.wait_indirect_dma semaphore(%arg17 : memref<!tpu.dma_semaphore, #tpu.memory_space<semaphore_mem>>) src(%dma_wait3A_626 : memref<16x128xf32, #tpu.memory_space<vmem>>) dst(%dma_wait3A_629 : memref<10752x128xf32, #tpu.memory_space<vmem_shared>>)
      } else {
      }
      %dma_wait3A_483 = arith.constant 0 : i32
      %dma_wait3A_484 = arith.constant 0 : i32
      %dma_wait3A_485 = arith.constant 0 : i32
      %dma_wait3A_486 = tpu.memref_slice %arg6[%dma_wait3A_484, %dma_wait3A_485] : memref<9x128xi32, #tpu.memory_space<vmem>> -> memref<3x128xi32, #tpu.memory_space<vmem>>
      %dma_wait3A_487 = arith.constant 0 : i32
      %dma_wait3A_488 = arith.constant 0 : i32
      %dma_wait3A_489 = tpu.memref_slice %arg3[%add3A, %dma_wait3A_483, %dma_wait3A_487, %dma_wait3A_488] : memref<32x135x3x128xi32, #tpu.memory_space<hbm>> -> memref<1x1x3x128xi32, #tpu.memory_space<hbm>>
      %dma_wait3A_490 = tpu.memref_squeeze %dma_wait3A_489 : memref<1x1x3x128xi32, #tpu.memory_space<hbm>> -> memref<3x128xi32, #tpu.memory_space<hbm>>
      %dma_wait3A_491 = arith.constant 0 : i32
      %dma_wait3A_492 = arith.constant 0 : i32
      %dma_wait3A_493 = tpu.memref_slice %arg6[%dma_wait3A_491, %dma_wait3A_492] : memref<9x128xi32, #tpu.memory_space<vmem>> -> memref<3x128xi32, #tpu.memory_space<vmem>>
      %dma_wait3A_494 = arith.constant 0 : i32
      %dma_wait3A_495 = arith.constant 0 : i32
      %dma_wait3A_496 = tpu.memref_slice %arg3[%add3A, %dma_wait3A_483, %dma_wait3A_494, %dma_wait3A_495] : memref<32x135x3x128xi32, #tpu.memory_space<hbm>> -> memref<1x1x3x128xi32, #tpu.memory_space<hbm>>
      %dma_wait3A_497 = tpu.memref_squeeze %dma_wait3A_496 : memref<1x1x3x128xi32, #tpu.memory_space<hbm>> -> memref<3x128xi32, #tpu.memory_space<hbm>>
      tpu.wait_dma2 semaphore(%arg11 : memref<!tpu.dma_semaphore, #tpu.memory_space<semaphore_mem>>) src(%dma_wait3A_497 : memref<3x128xi32, #tpu.memory_space<hbm>>) dst(%dma_wait3A_493 : memref<3x128xi32, #tpu.memory_space<vmem>>)
      %dma_start3A_498 = arith.constant 0 : i32
      %dma_start3A_499 = arith.constant 0 : i32
      %dma_start3A_500 = tpu.memref_slice %arg6[%dma_start3A_498, %dma_start3A_499] : memref<9x128xi32, #tpu.memory_space<vmem>> -> memref<1x96xi32, #tpu.memory_space<vmem>>
      %dma_start3A_501 = tpu.memref_squeeze %dma_start3A_500 : memref<1x96xi32, #tpu.memory_space<vmem>> -> memref<96xi32, #tpu.memory_space<vmem>>
      %dma_start3A_502 = arith.constant 0 : i32
      %dma_start3A_503 = arith.constant 0 : i32
      %dma_start3A_504 = tpu.memref_slice %arg2[%dma_start3A_502, %dma_start3A_503] : memref<10000x128xf32, #tpu.memory_space<hbm>> -> memref<10000x128xf32, #tpu.memory_space<hbm>>
      tpu.enqueue_indirect_dma source(%dma_start3A_504 : memref<10000x128xf32, #tpu.memory_space<hbm>>) target(%arg7 : memref<96x128xf32, #tpu.memory_space<vmem>>) offsets(%dma_start3A_501 : memref<96xi32, #tpu.memory_space<vmem>>) semaphore(%arg14 : memref<!tpu.dma_semaphore, #tpu.memory_space<semaphore_mem>>)
      %dma_wait3A_505 = arith.constant 0 : i32
      %dma_wait3A_506 = arith.constant 0 : i32
      %dma_wait3A_507 = tpu.memref_slice %arg6[%dma_wait3A_505, %dma_wait3A_506] : memref<9x128xi32, #tpu.memory_space<vmem>> -> memref<1x96xi32, #tpu.memory_space<vmem>>
      %dma_wait3A_508 = tpu.memref_squeeze %dma_wait3A_507 : memref<1x96xi32, #tpu.memory_space<vmem>> -> memref<96xi32, #tpu.memory_space<vmem>>
      %dma_wait3A_509 = arith.constant 0 : i32
      %dma_wait3A_510 = arith.constant 0 : i32
      %dma_wait3A_511 = tpu.memref_slice %arg2[%dma_wait3A_509, %dma_wait3A_510] : memref<10000x128xf32, #tpu.memory_space<hbm>> -> memref<10000x128xf32, #tpu.memory_space<hbm>>
      tpu.wait_indirect_dma semaphore(%arg16 : memref<!tpu.dma_semaphore, #tpu.memory_space<semaphore_mem>>) src(%dma_wait3A_511 : memref<10000x128xf32, #tpu.memory_space<hbm>>) dst(%arg9 : memref<96x128xf32, #tpu.memory_space<vmem>>)
      %broadcast_in_dim3A_512 = arith.constant 8 : i32
      %broadcast_in_dim3A_513 = vector.broadcast %broadcast_in_dim3A_512 : i32 to vector<16xi32>
      %parallel_loop3A_514 = arith.constant 0 : i32
      %parallel_loop3A_515 = arith.constant 96 : i32
      %parallel_loop3A_516 = arith.constant 1 : i32
      scf.for %parallel_loop3A_594 = %parallel_loop3A_514 to %parallel_loop3A_515 step %parallel_loop3A_516  : i32 {
        %parallel_loop3A_595 = vector.broadcast %parallel_loop3A_594 : i32 to vector<16xi32>
        %parallel_loop3A_596 = tpu.vector_load_idx %arg6[%broadcast_in_dim3A_513, %parallel_loop3A_595] : memref<9x128xi32, #tpu.memory_space<vmem>>[vector<16xi32>, vector<16xi32>], vector<16xi32>,
        %parallel_loop3A_597 = vector.bitcast %parallel_loop3A_596 : vector<16xi32> to vector<16xf32>
        %parallel_loop3A_598 = arith.index_cast %parallel_loop3A_594 : i32 to index
        %parallel_loop3A_599 = arith.constant 0 : index
        %parallel_loop3A_600 = tpu.vector_load %arg9[%parallel_loop3A_598, %parallel_loop3A_599] {strides = array<i32>} : memref<96x128xf32, #tpu.memory_space<vmem>>, vector<16xf32>,
        %parallel_loop3A_601 = arith.mulf %parallel_loop3A_600, %parallel_loop3A_597 : vector<16xf32>
        %parallel_loop3A_602 = arith.index_cast %parallel_loop3A_594 : i32 to index
        %parallel_loop3A_603 = arith.constant 0 : index
        %parallel_loop3A_604 = tpu.vector_load %arg9[%parallel_loop3A_602, %parallel_loop3A_603] {strides = array<i32>} : memref<96x128xf32, #tpu.memory_space<vmem>>, vector<16xf32>,
        tpu.vector_store %arg9[%parallel_loop3A_602, %parallel_loop3A_603], %parallel_loop3A_601 {strides = array<i32>} : memref<96x128xf32, #tpu.memory_space<vmem>>, vector<16xf32>,
        %parallel_loop3A_605 = arith.index_cast %parallel_loop3A_594 : i32 to index
        %parallel_loop3A_606 = arith.constant 16 : index
        %parallel_loop3A_607 = tpu.vector_load %arg9[%parallel_loop3A_605, %parallel_loop3A_606] {strides = array<i32>} : memref<96x128xf32, #tpu.memory_space<vmem>>, vector<16xf32>,
        %parallel_loop3A_608 = arith.mulf %parallel_loop3A_607, %parallel_loop3A_597 : vector<16xf32>
        %parallel_loop3A_609 = arith.index_cast %parallel_loop3A_594 : i32 to index
        %parallel_loop3A_610 = arith.constant 16 : index
        %parallel_loop3A_611 = tpu.vector_load %arg9[%parallel_loop3A_609, %parallel_loop3A_610] {strides = array<i32>} : memref<96x128xf32, #tpu.memory_space<vmem>>, vector<16xf32>,
        tpu.vector_store %arg9[%parallel_loop3A_609, %parallel_loop3A_610], %parallel_loop3A_608 {strides = array<i32>} : memref<96x128xf32, #tpu.memory_space<vmem>>, vector<16xf32>,
        %parallel_loop3A_612 = arith.index_cast %parallel_loop3A_594 : i32 to index
        %parallel_loop3A_613 = arith.constant 32 : index
        %parallel_loop3A_614 = tpu.vector_load %arg9[%parallel_loop3A_612, %parallel_loop3A_613] {strides = array<i32>} : memref<96x128xf32, #tpu.memory_space<vmem>>, vector<16xf32>,
        %parallel_loop3A_615 = arith.mulf %parallel_loop3A_614, %parallel_loop3A_597 : vector<16xf32>
        %parallel_loop3A_616 = arith.index_cast %parallel_loop3A_594 : i32 to index
        %parallel_loop3A_617 = arith.constant 32 : index
        %parallel_loop3A_618 = tpu.vector_load %arg9[%parallel_loop3A_616, %parallel_loop3A_617] {strides = array<i32>} : memref<96x128xf32, #tpu.memory_space<vmem>>, vector<16xf32>,
        tpu.vector_store %arg9[%parallel_loop3A_616, %parallel_loop3A_617], %parallel_loop3A_615 {strides = array<i32>} : memref<96x128xf32, #tpu.memory_space<vmem>>, vector<16xf32>,
        %parallel_loop3A_619 = arith.index_cast %parallel_loop3A_594 : i32 to index
        %parallel_loop3A_620 = arith.constant 48 : index
        %parallel_loop3A_621 = tpu.vector_load %arg9[%parallel_loop3A_619, %parallel_loop3A_620] {strides = array<i32>} : memref<96x128xf32, #tpu.memory_space<vmem>>, vector<16xf32>,
        %parallel_loop3A_622 = arith.mulf %parallel_loop3A_621, %parallel_loop3A_597 : vector<16xf32>
        %parallel_loop3A_623 = arith.index_cast %parallel_loop3A_594 : i32 to index
        %parallel_loop3A_624 = arith.constant 48 : index
        %parallel_loop3A_625 = tpu.vector_load %arg9[%parallel_loop3A_623, %parallel_loop3A_624] {strides = array<i32>} : memref<96x128xf32, #tpu.memory_space<vmem>>, vector<16xf32>,
        tpu.vector_store %arg9[%parallel_loop3A_623, %parallel_loop3A_624], %parallel_loop3A_622 {strides = array<i32>} : memref<96x128xf32, #tpu.memory_space<vmem>>, vector<16xf32>,
        %parallel_loop3A_626 = arith.index_cast %parallel_loop3A_594 : i32 to index
        %parallel_loop3A_627 = arith.constant 64 : index
        %parallel_loop3A_628 = tpu.vector_load %arg9[%parallel_loop3A_626, %parallel_loop3A_627] {strides = array<i32>} : memref<96x128xf32, #tpu.memory_space<vmem>>, vector<16xf32>,
        %parallel_loop3A_629 = arith.mulf %parallel_loop3A_628, %parallel_loop3A_597 : vector<16xf32>
        %parallel_loop3A_630 = arith.index_cast %parallel_loop3A_594 : i32 to index
        %parallel_loop3A_631 = arith.constant 64 : index
        %parallel_loop3A_632 = tpu.vector_load %arg9[%parallel_loop3A_630, %parallel_loop3A_631] {strides = array<i32>} : memref<96x128xf32, #tpu.memory_space<vmem>>, vector<16xf32>,
        tpu.vector_store %arg9[%parallel_loop3A_630, %parallel_loop3A_631], %parallel_loop3A_629 {strides = array<i32>} : memref<96x128xf32, #tpu.memory_space<vmem>>, vector<16xf32>,
        %parallel_loop3A_633 = arith.index_cast %parallel_loop3A_594 : i32 to index
        %parallel_loop3A_634 = arith.constant 80 : index
        %parallel_loop3A_635 = tpu.vector_load %arg9[%parallel_loop3A_633, %parallel_loop3A_634] {strides = array<i32>} : memref<96x128xf32, #tpu.memory_space<vmem>>, vector<16xf32>,
        %parallel_loop3A_636 = arith.mulf %parallel_loop3A_635, %parallel_loop3A_597 : vector<16xf32>
        %parallel_loop3A_637 = arith.index_cast %parallel_loop3A_594 : i32 to index
        %parallel_loop3A_638 = arith.constant 80 : index
        %parallel_loop3A_639 = tpu.vector_load %arg9[%parallel_loop3A_637, %parallel_loop3A_638] {strides = array<i32>} : memref<96x128xf32, #tpu.memory_space<vmem>>, vector<16xf32>,
        tpu.vector_store %arg9[%parallel_loop3A_637, %parallel_loop3A_638], %parallel_loop3A_636 {strides = array<i32>} : memref<96x128xf32, #tpu.memory_space<vmem>>, vector<16xf32>,
        %parallel_loop3A_640 = arith.index_cast %parallel_loop3A_594 : i32 to index
        %parallel_loop3A_641 = arith.constant 96 : index
        %parallel_loop3A_642 = tpu.vector_load %arg9[%parallel_loop3A_640, %parallel_loop3A_641] {strides = array<i32>} : memref<96x128xf32, #tpu.memory_space<vmem>>, vector<16xf32>,
        %parallel_loop3A_643 = arith.mulf %parallel_loop3A_642, %parallel_loop3A_597 : vector<16xf32>
        %parallel_loop3A_644 = arith.index_cast %parallel_loop3A_594 : i32 to index
        %parallel_loop3A_645 = arith.constant 96 : index
        %parallel_loop3A_646 = tpu.vector_load %arg9[%parallel_loop3A_644, %parallel_loop3A_645] {strides = array<i32>} : memref<96x128xf32, #tpu.memory_space<vmem>>, vector<16xf32>,
        tpu.vector_store %arg9[%parallel_loop3A_644, %parallel_loop3A_645], %parallel_loop3A_643 {strides = array<i32>} : memref<96x128xf32, #tpu.memory_space<vmem>>, vector<16xf32>,
        %parallel_loop3A_647 = arith.index_cast %parallel_loop3A_594 : i32 to index
        %parallel_loop3A_648 = arith.constant 112 : index
        %parallel_loop3A_649 = tpu.vector_load %arg9[%parallel_loop3A_647, %parallel_loop3A_648] {strides = array<i32>} : memref<96x128xf32, #tpu.memory_space<vmem>>, vector<16xf32>,
        %parallel_loop3A_650 = arith.mulf %parallel_loop3A_649, %parallel_loop3A_597 : vector<16xf32>
        %parallel_loop3A_651 = arith.index_cast %parallel_loop3A_594 : i32 to index
        %parallel_loop3A_652 = arith.constant 112 : index
        %parallel_loop3A_653 = tpu.vector_load %arg9[%parallel_loop3A_651, %parallel_loop3A_652] {strides = array<i32>} : memref<96x128xf32, #tpu.memory_space<vmem>>, vector<16xf32>,
        tpu.vector_store %arg9[%parallel_loop3A_651, %parallel_loop3A_652], %parallel_loop3A_650 {strides = array<i32>} : memref<96x128xf32, #tpu.memory_space<vmem>>, vector<16xf32>,
      } {sc.loop_unroll_factor = 4 : i64, sc.parallel_access}
      %get3A_517 = arith.constant 7 : i32
      %get3A_518 = arith.index_cast %get3A_517 : i32 to index
      %get3A_519 = arith.constant 0 : index
      %get3A_520 = tpu.vector_load %arg6[%get3A_518, %get3A_519] {strides = array<i32>} : memref<9x128xi32, #tpu.memory_space<vmem>>, vector<16xi32>,
      %dma_start3A_521 = arith.constant 0 : i32
      %dma_start3A_522 = arith.constant 0 : i32
      %dma_start3A_523 = tpu.memref_slice %arg9[%dma_start3A_521, %dma_start3A_522] : memref<96x128xf32, #tpu.memory_space<vmem>> -> memref<16x128xf32, #tpu.memory_space<vmem>>
      %dma_start3A_524 = arith.constant 0 : i32
      %dma_start3A_525 = arith.constant 0 : i32
      %dma_start3A_526 = tpu.memref_slice %arg10[%dma_start3A_524, %dma_start3A_525] : memref<10752x128xf32, #tpu.memory_space<vmem_shared>> -> memref<10752x128xf32, #tpu.memory_space<vmem_shared>>
      tpu.enqueue_indirect_dma source(%dma_start3A_523 : memref<16x128xf32, #tpu.memory_space<vmem>>) target(%dma_start3A_526 : memref<10752x128xf32, #tpu.memory_space<vmem_shared>>) offsets(%get3A_520 : vector<16xi32>) semaphore(%arg19 : memref<!tpu.dma_semaphore, #tpu.memory_space<semaphore_mem>>) {add = true}
      %get3A_527 = arith.constant 7 : i32
      %get3A_528 = arith.index_cast %get3A_527 : i32 to index
      %get3A_529 = arith.constant 16 : index
      %get3A_530 = tpu.vector_load %arg6[%get3A_528, %get3A_529] {strides = array<i32>} : memref<9x128xi32, #tpu.memory_space<vmem>>, vector<16xi32>,
      %dma_start3A_531 = arith.constant 16 : i32
      %dma_start3A_532 = arith.constant 0 : i32
      %dma_start3A_533 = tpu.memref_slice %arg9[%dma_start3A_531, %dma_start3A_532] : memref<96x128xf32, #tpu.memory_space<vmem>> -> memref<16x128xf32, #tpu.memory_space<vmem>>
      %dma_start3A_534 = arith.constant 0 : i32
      %dma_start3A_535 = arith.constant 0 : i32
      %dma_start3A_536 = tpu.memref_slice %arg10[%dma_start3A_534, %dma_start3A_535] : memref<10752x128xf32, #tpu.memory_space<vmem_shared>> -> memref<10752x128xf32, #tpu.memory_space<vmem_shared>>
      tpu.enqueue_indirect_dma source(%dma_start3A_533 : memref<16x128xf32, #tpu.memory_space<vmem>>) target(%dma_start3A_536 : memref<10752x128xf32, #tpu.memory_space<vmem_shared>>) offsets(%get3A_530 : vector<16xi32>) semaphore(%arg19 : memref<!tpu.dma_semaphore, #tpu.memory_space<semaphore_mem>>) {add = true}
      %get3A_537 = arith.constant 7 : i32
      %get3A_538 = arith.index_cast %get3A_537 : i32 to index
      %get3A_539 = arith.constant 32 : index
      %get3A_540 = tpu.vector_load %arg6[%get3A_538, %get3A_539] {strides = array<i32>} : memref<9x128xi32, #tpu.memory_space<vmem>>, vector<16xi32>,
      %dma_start3A_541 = arith.constant 32 : i32
      %dma_start3A_542 = arith.constant 0 : i32
      %dma_start3A_543 = tpu.memref_slice %arg9[%dma_start3A_541, %dma_start3A_542] : memref<96x128xf32, #tpu.memory_space<vmem>> -> memref<16x128xf32, #tpu.memory_space<vmem>>
      %dma_start3A_544 = arith.constant 0 : i32
      %dma_start3A_545 = arith.constant 0 : i32
      %dma_start3A_546 = tpu.memref_slice %arg10[%dma_start3A_544, %dma_start3A_545] : memref<10752x128xf32, #tpu.memory_space<vmem_shared>> -> memref<10752x128xf32, #tpu.memory_space<vmem_shared>>
      tpu.enqueue_indirect_dma source(%dma_start3A_543 : memref<16x128xf32, #tpu.memory_space<vmem>>) target(%dma_start3A_546 : memref<10752x128xf32, #tpu.memory_space<vmem_shared>>) offsets(%get3A_540 : vector<16xi32>) semaphore(%arg19 : memref<!tpu.dma_semaphore, #tpu.memory_space<semaphore_mem>>) {add = true}
      %get3A_547 = arith.constant 7 : i32
      %get3A_548 = arith.index_cast %get3A_547 : i32 to index
      %get3A_549 = arith.constant 48 : index
      %get3A_550 = tpu.vector_load %arg6[%get3A_548, %get3A_549] {strides = array<i32>} : memref<9x128xi32, #tpu.memory_space<vmem>>, vector<16xi32>,
      %dma_start3A_551 = arith.constant 48 : i32
      %dma_start3A_552 = arith.constant 0 : i32
      %dma_start3A_553 = tpu.memref_slice %arg9[%dma_start3A_551, %dma_start3A_552] : memref<96x128xf32, #tpu.memory_space<vmem>> -> memref<16x128xf32, #tpu.memory_space<vmem>>
      %dma_start3A_554 = arith.constant 0 : i32
      %dma_start3A_555 = arith.constant 0 : i32
      %dma_start3A_556 = tpu.memref_slice %arg10[%dma_start3A_554, %dma_start3A_555] : memref<10752x128xf32, #tpu.memory_space<vmem_shared>> -> memref<10752x128xf32, #tpu.memory_space<vmem_shared>>
      tpu.enqueue_indirect_dma source(%dma_start3A_553 : memref<16x128xf32, #tpu.memory_space<vmem>>) target(%dma_start3A_556 : memref<10752x128xf32, #tpu.memory_space<vmem_shared>>) offsets(%get3A_550 : vector<16xi32>) semaphore(%arg19 : memref<!tpu.dma_semaphore, #tpu.memory_space<semaphore_mem>>) {add = true}
      %get3A_557 = arith.constant 7 : i32
      %get3A_558 = arith.index_cast %get3A_557 : i32 to index
      %get3A_559 = arith.constant 64 : index
      %get3A_560 = tpu.vector_load %arg6[%get3A_558, %get3A_559] {strides = array<i32>} : memref<9x128xi32, #tpu.memory_space<vmem>>, vector<16xi32>,
      %dma_start3A_561 = arith.constant 64 : i32
      %dma_start3A_562 = arith.constant 0 : i32
      %dma_start3A_563 = tpu.memref_slice %arg9[%dma_start3A_561, %dma_start3A_562] : memref<96x128xf32, #tpu.memory_space<vmem>> -> memref<16x128xf32, #tpu.memory_space<vmem>>
      %dma_start3A_564 = arith.constant 0 : i32
      %dma_start3A_565 = arith.constant 0 : i32
      %dma_start3A_566 = tpu.memref_slice %arg10[%dma_start3A_564, %dma_start3A_565] : memref<10752x128xf32, #tpu.memory_space<vmem_shared>> -> memref<10752x128xf32, #tpu.memory_space<vmem_shared>>
      tpu.enqueue_indirect_dma source(%dma_start3A_563 : memref<16x128xf32, #tpu.memory_space<vmem>>) target(%dma_start3A_566 : memref<10752x128xf32, #tpu.memory_space<vmem_shared>>) offsets(%get3A_560 : vector<16xi32>) semaphore(%arg19 : memref<!tpu.dma_semaphore, #tpu.memory_space<semaphore_mem>>) {add = true}
      %get3A_567 = arith.constant 7 : i32
      %get3A_568 = arith.index_cast %get3A_567 : i32 to index
      %get3A_569 = arith.constant 80 : index
      %get3A_570 = tpu.vector_load %arg6[%get3A_568, %get3A_569] {strides = array<i32>} : memref<9x128xi32, #tpu.memory_space<vmem>>, vector<16xi32>,
      %dma_start3A_571 = arith.constant 80 : i32
      %dma_start3A_572 = arith.constant 0 : i32
      %dma_start3A_573 = tpu.memref_slice %arg9[%dma_start3A_571, %dma_start3A_572] : memref<96x128xf32, #tpu.memory_space<vmem>> -> memref<16x128xf32, #tpu.memory_space<vmem>>
      %dma_start3A_574 = arith.constant 0 : i32
      %dma_start3A_575 = arith.constant 0 : i32
      %dma_start3A_576 = tpu.memref_slice %arg10[%dma_start3A_574, %dma_start3A_575] : memref<10752x128xf32, #tpu.memory_space<vmem_shared>> -> memref<10752x128xf32, #tpu.memory_space<vmem_shared>>
      tpu.enqueue_indirect_dma source(%dma_start3A_573 : memref<16x128xf32, #tpu.memory_space<vmem>>) target(%dma_start3A_576 : memref<10752x128xf32, #tpu.memory_space<vmem_shared>>) offsets(%get3A_570 : vector<16xi32>) semaphore(%arg19 : memref<!tpu.dma_semaphore, #tpu.memory_space<semaphore_mem>>) {add = true}
      %add3A_577 = arith.constant 3 : i32
      %add3A_578 = arith.addi %add3A_477, %add3A_577 : i32
      %min3A_579 = arith.minsi %add3A_578, %sub3A_3 : i32
      %dma_start3A_580 = arith.constant 6 : i32
      %dma_start3A_581 = arith.constant 0 : i32
      %dma_start3A_582 = tpu.memref_slice %arg6[%dma_start3A_580, %dma_start3A_581] : memref<9x128xi32, #tpu.memory_space<vmem>> -> memref<3x128xi32, #tpu.memory_space<vmem>>
      %dma_start3A_583 = arith.constant 0 : i32
      %dma_start3A_584 = arith.constant 0 : i32
      %dma_start3A_585 = tpu.memref_slice %arg3[%add3A, %min3A_579, %dma_start3A_583, %dma_start3A_584] : memref<32x135x3x128xi32, #tpu.memory_space<hbm>> -> memref<1x1x3x128xi32, #tpu.memory_space<hbm>>
      %dma_start3A_586 = tpu.memref_squeeze %dma_start3A_585 : memref<1x1x3x128xi32, #tpu.memory_space<hbm>> -> memref<3x128xi32, #tpu.memory_space<hbm>>
      %dma_start3A_587 = arith.constant 6 : i32
      %dma_start3A_588 = arith.constant 0 : i32
      %dma_start3A_589 = tpu.memref_slice %arg6[%dma_start3A_587, %dma_start3A_588] : memref<9x128xi32, #tpu.memory_space<vmem>> -> memref<3x128xi32, #tpu.memory_space<vmem>>
      %dma_start3A_590 = arith.constant 0 : i32
      %dma_start3A_591 = arith.constant 0 : i32
      %dma_start3A_592 = tpu.memref_slice %arg3[%add3A, %min3A_579, %dma_start3A_590, %dma_start3A_591] : memref<32x135x3x128xi32, #tpu.memory_space<hbm>> -> memref<1x1x3x128xi32, #tpu.memory_space<hbm>>
      %dma_start3A_593 = tpu.memref_squeeze %dma_start3A_592 : memref<1x1x3x128xi32, #tpu.memory_space<hbm>> -> memref<3x128xi32, #tpu.memory_space<hbm>>
      tpu.enqueue_dma source(%dma_start3A_593 : memref<3x128xi32, #tpu.memory_space<hbm>>) target(%dma_start3A_589 : memref<3x128xi32, #tpu.memory_space<vmem>>) target_semaphore(%arg13 : memref<!tpu.dma_semaphore, #tpu.memory_space<semaphore_mem>>)
    }
    %while3A_118 = arith.constant 1 : i32
    scf.for %while3A_237 = %while3A_116 to %while3A_112 step %while3A_118  : i32 {
      %mul3A_238 = arith.constant 3 : i32
      %mul3A_239 = arith.muli %mul3A_238, %while3A_237 : i32
      %add3A_240 = arith.constant 0 : i32
      %add3A_241 = arith.addi %mul3A_239, %add3A_240 : i32
      %ge3A = arith.constant 2 : i32
      %ge3A_242 = arith.cmpi sge, %add3A_241, %ge3A : i32
      %convert_element_type3A_243 = arith.extui %ge3A_242 : i1 to i32
      %cond3A_244 = arith.constant 0 : i32
      %cond3A_245 = arith.cmpi ne, %convert_element_type3A_243, %cond3A_244 : i32
      scf.if %cond3A_245 {
        %dma_wait3A_594 = arith.constant 0 : i32
        %dma_wait3A_595 = arith.constant 0 : i32
        %dma_wait3A_596 = tpu.memref_slice %arg8[%dma_wait3A_594, %dma_wait3A_595] : memref<96x128xf32, #tpu.memory_space<vmem>> -> memref<16x128xf32, #tpu.memory_space<vmem>>
        %dma_wait3A_597 = arith.constant 0 : i32
        %dma_wait3A_598 = arith.constant 0 : i32
        %dma_wait3A_599 = tpu.memref_slice %arg10[%dma_wait3A_597, %dma_wait3A_598] : memref<10752x128xf32, #tpu.memory_space<vmem_shared>> -> memref<10752x128xf32, #tpu.memory_space<vmem_shared>>
        tpu.wait_indirect_dma semaphore(%arg18 : memref<!tpu.dma_semaphore, #tpu.memory_space<semaphore_mem>>) src(%dma_wait3A_596 : memref<16x128xf32, #tpu.memory_space<vmem>>) dst(%dma_wait3A_599 : memref<10752x128xf32, #tpu.memory_space<vmem_shared>>)
        %dma_wait3A_600 = arith.constant 16 : i32
        %dma_wait3A_601 = arith.constant 0 : i32
        %dma_wait3A_602 = tpu.memref_slice %arg8[%dma_wait3A_600, %dma_wait3A_601] : memref<96x128xf32, #tpu.memory_space<vmem>> -> memref<16x128xf32, #tpu.memory_space<vmem>>
        %dma_wait3A_603 = arith.constant 0 : i32
        %dma_wait3A_604 = arith.constant 0 : i32
        %dma_wait3A_605 = tpu.memref_slice %arg10[%dma_wait3A_603, %dma_wait3A_604] : memref<10752x128xf32, #tpu.memory_space<vmem_shared>> -> memref<10752x128xf32, #tpu.memory_space<vmem_shared>>
        tpu.wait_indirect_dma semaphore(%arg18 : memref<!tpu.dma_semaphore, #tpu.memory_space<semaphore_mem>>) src(%dma_wait3A_602 : memref<16x128xf32, #tpu.memory_space<vmem>>) dst(%dma_wait3A_605 : memref<10752x128xf32, #tpu.memory_space<vmem_shared>>)
        %dma_wait3A_606 = arith.constant 32 : i32
        %dma_wait3A_607 = arith.constant 0 : i32
        %dma_wait3A_608 = tpu.memref_slice %arg8[%dma_wait3A_606, %dma_wait3A_607] : memref<96x128xf32, #tpu.memory_space<vmem>> -> memref<16x128xf32, #tpu.memory_space<vmem>>
        %dma_wait3A_609 = arith.constant 0 : i32
        %dma_wait3A_610 = arith.constant 0 : i32
        %dma_wait3A_611 = tpu.memref_slice %arg10[%dma_wait3A_609, %dma_wait3A_610] : memref<10752x128xf32, #tpu.memory_space<vmem_shared>> -> memref<10752x128xf32, #tpu.memory_space<vmem_shared>>
        tpu.wait_indirect_dma semaphore(%arg18 : memref<!tpu.dma_semaphore, #tpu.memory_space<semaphore_mem>>) src(%dma_wait3A_608 : memref<16x128xf32, #tpu.memory_space<vmem>>) dst(%dma_wait3A_611 : memref<10752x128xf32, #tpu.memory_space<vmem_shared>>)
        %dma_wait3A_612 = arith.constant 48 : i32
        %dma_wait3A_613 = arith.constant 0 : i32
        %dma_wait3A_614 = tpu.memref_slice %arg8[%dma_wait3A_612, %dma_wait3A_613] : memref<96x128xf32, #tpu.memory_space<vmem>> -> memref<16x128xf32, #tpu.memory_space<vmem>>
        %dma_wait3A_615 = arith.constant 0 : i32
        %dma_wait3A_616 = arith.constant 0 : i32
        %dma_wait3A_617 = tpu.memref_slice %arg10[%dma_wait3A_615, %dma_wait3A_616] : memref<10752x128xf32, #tpu.memory_space<vmem_shared>> -> memref<10752x128xf32, #tpu.memory_space<vmem_shared>>
        tpu.wait_indirect_dma semaphore(%arg18 : memref<!tpu.dma_semaphore, #tpu.memory_space<semaphore_mem>>) src(%dma_wait3A_614 : memref<16x128xf32, #tpu.memory_space<vmem>>) dst(%dma_wait3A_617 : memref<10752x128xf32, #tpu.memory_space<vmem_shared>>)
        %dma_wait3A_618 = arith.constant 64 : i32
        %dma_wait3A_619 = arith.constant 0 : i32
        %dma_wait3A_620 = tpu.memref_slice %arg8[%dma_wait3A_618, %dma_wait3A_619] : memref<96x128xf32, #tpu.memory_space<vmem>> -> memref<16x128xf32, #tpu.memory_space<vmem>>
        %dma_wait3A_621 = arith.constant 0 : i32
        %dma_wait3A_622 = arith.constant 0 : i32
        %dma_wait3A_623 = tpu.memref_slice %arg10[%dma_wait3A_621, %dma_wait3A_622] : memref<10752x128xf32, #tpu.memory_space<vmem_shared>> -> memref<10752x128xf32, #tpu.memory_space<vmem_shared>>
        tpu.wait_indirect_dma semaphore(%arg18 : memref<!tpu.dma_semaphore, #tpu.memory_space<semaphore_mem>>) src(%dma_wait3A_620 : memref<16x128xf32, #tpu.memory_space<vmem>>) dst(%dma_wait3A_623 : memref<10752x128xf32, #tpu.memory_space<vmem_shared>>)
        %dma_wait3A_624 = arith.constant 80 : i32
        %dma_wait3A_625 = arith.constant 0 : i32
        %dma_wait3A_626 = tpu.memref_slice %arg8[%dma_wait3A_624, %dma_wait3A_625] : memref<96x128xf32, #tpu.memory_space<vmem>> -> memref<16x128xf32, #tpu.memory_space<vmem>>
        %dma_wait3A_627 = arith.constant 0 : i32
        %dma_wait3A_628 = arith.constant 0 : i32
        %dma_wait3A_629 = tpu.memref_slice %arg10[%dma_wait3A_627, %dma_wait3A_628] : memref<10752x128xf32, #tpu.memory_space<vmem_shared>> -> memref<10752x128xf32, #tpu.memory_space<vmem_shared>>
        tpu.wait_indirect_dma semaphore(%arg18 : memref<!tpu.dma_semaphore, #tpu.memory_space<semaphore_mem>>) src(%dma_wait3A_626 : memref<16x128xf32, #tpu.memory_space<vmem>>) dst(%dma_wait3A_629 : memref<10752x128xf32, #tpu.memory_space<vmem_shared>>)
      } else {
      }
      %dma_wait3A_246 = arith.constant 0 : i32
      %dma_wait3A_247 = arith.constant 0 : i32
      %dma_wait3A_248 = arith.constant 0 : i32
      %dma_wait3A_249 = tpu.memref_slice %arg6[%dma_wait3A_247, %dma_wait3A_248] : memref<9x128xi32, #tpu.memory_space<vmem>> -> memref<3x128xi32, #tpu.memory_space<vmem>>
      %dma_wait3A_250 = arith.constant 0 : i32
      %dma_wait3A_251 = arith.constant 0 : i32
      %dma_wait3A_252 = tpu.memref_slice %arg3[%add3A, %dma_wait3A_246, %dma_wait3A_250, %dma_wait3A_251] : memref<32x135x3x128xi32, #tpu.memory_space<hbm>> -> memref<1x1x3x128xi32, #tpu.memory_space<hbm>>
      %dma_wait3A_253 = tpu.memref_squeeze %dma_wait3A_252 : memref<1x1x3x128xi32, #tpu.memory_space<hbm>> -> memref<3x128xi32, #tpu.memory_space<hbm>>
      %dma_wait3A_254 = arith.constant 0 : i32
      %dma_wait3A_255 = arith.constant 0 : i32
      %dma_wait3A_256 = tpu.memref_slice %arg6[%dma_wait3A_254, %dma_wait3A_255] : memref<9x128xi32, #tpu.memory_space<vmem>> -> memref<3x128xi32, #tpu.memory_space<vmem>>
      %dma_wait3A_257 = arith.constant 0 : i32
      %dma_wait3A_258 = arith.constant 0 : i32
      %dma_wait3A_259 = tpu.memref_slice %arg3[%add3A, %dma_wait3A_246, %dma_wait3A_257, %dma_wait3A_258] : memref<32x135x3x128xi32, #tpu.memory_space<hbm>> -> memref<1x1x3x128xi32, #tpu.memory_space<hbm>>
      %dma_wait3A_260 = tpu.memref_squeeze %dma_wait3A_259 : memref<1x1x3x128xi32, #tpu.memory_space<hbm>> -> memref<3x128xi32, #tpu.memory_space<hbm>>
      tpu.wait_dma2 semaphore(%arg12 : memref<!tpu.dma_semaphore, #tpu.memory_space<semaphore_mem>>) src(%dma_wait3A_260 : memref<3x128xi32, #tpu.memory_space<hbm>>) dst(%dma_wait3A_256 : memref<3x128xi32, #tpu.memory_space<vmem>>)
      %dma_start3A_261 = arith.constant 3 : i32
      %dma_start3A_262 = arith.constant 0 : i32
      %dma_start3A_263 = tpu.memref_slice %arg6[%dma_start3A_261, %dma_start3A_262] : memref<9x128xi32, #tpu.memory_space<vmem>> -> memref<1x96xi32, #tpu.memory_space<vmem>>
      %dma_start3A_264 = tpu.memref_squeeze %dma_start3A_263 : memref<1x96xi32, #tpu.memory_space<vmem>> -> memref<96xi32, #tpu.memory_space<vmem>>
      %dma_start3A_265 = arith.constant 0 : i32
      %dma_start3A_266 = arith.constant 0 : i32
      %dma_start3A_267 = tpu.memref_slice %arg2[%dma_start3A_265, %dma_start3A_266] : memref<10000x128xf32, #tpu.memory_space<hbm>> -> memref<10000x128xf32, #tpu.memory_space<hbm>>
      tpu.enqueue_indirect_dma source(%dma_start3A_267 : memref<10000x128xf32, #tpu.memory_space<hbm>>) target(%arg8 : memref<96x128xf32, #tpu.memory_space<vmem>>) offsets(%dma_start3A_264 : memref<96xi32, #tpu.memory_space<vmem>>) semaphore(%arg15 : memref<!tpu.dma_semaphore, #tpu.memory_space<semaphore_mem>>)
      %dma_wait3A_268 = arith.constant 0 : i32
      %dma_wait3A_269 = arith.constant 0 : i32
      %dma_wait3A_270 = tpu.memref_slice %arg6[%dma_wait3A_268, %dma_wait3A_269] : memref<9x128xi32, #tpu.memory_space<vmem>> -> memref<1x96xi32, #tpu.memory_space<vmem>>
      %dma_wait3A_271 = tpu.memref_squeeze %dma_wait3A_270 : memref<1x96xi32, #tpu.memory_space<vmem>> -> memref<96xi32, #tpu.memory_space<vmem>>
      %dma_wait3A_272 = arith.constant 0 : i32
      %dma_wait3A_273 = arith.constant 0 : i32
      %dma_wait3A_274 = tpu.memref_slice %arg2[%dma_wait3A_272, %dma_wait3A_273] : memref<10000x128xf32, #tpu.memory_space<hbm>> -> memref<10000x128xf32, #tpu.memory_space<hbm>>
      tpu.wait_indirect_dma semaphore(%arg14 : memref<!tpu.dma_semaphore, #tpu.memory_space<semaphore_mem>>) src(%dma_wait3A_274 : memref<10000x128xf32, #tpu.memory_space<hbm>>) dst(%arg7 : memref<96x128xf32, #tpu.memory_space<vmem>>)
      %broadcast_in_dim3A_275 = arith.constant 2 : i32
      %broadcast_in_dim3A_276 = vector.broadcast %broadcast_in_dim3A_275 : i32 to vector<16xi32>
      %parallel_loop3A = arith.constant 0 : i32
      %parallel_loop3A_277 = arith.constant 96 : i32
      %parallel_loop3A_278 = arith.constant 1 : i32
      scf.for %parallel_loop3A_594 = %parallel_loop3A to %parallel_loop3A_277 step %parallel_loop3A_278  : i32 {
        %parallel_loop3A_595 = vector.broadcast %parallel_loop3A_594 : i32 to vector<16xi32>
        %parallel_loop3A_596 = tpu.vector_load_idx %arg6[%broadcast_in_dim3A_276, %parallel_loop3A_595] : memref<9x128xi32, #tpu.memory_space<vmem>>[vector<16xi32>, vector<16xi32>], vector<16xi32>,
        %parallel_loop3A_597 = vector.bitcast %parallel_loop3A_596 : vector<16xi32> to vector<16xf32>
        %parallel_loop3A_598 = arith.index_cast %parallel_loop3A_594 : i32 to index
        %parallel_loop3A_599 = arith.constant 0 : index
        %parallel_loop3A_600 = tpu.vector_load %arg7[%parallel_loop3A_598, %parallel_loop3A_599] {strides = array<i32>} : memref<96x128xf32, #tpu.memory_space<vmem>>, vector<16xf32>,
        %parallel_loop3A_601 = arith.mulf %parallel_loop3A_600, %parallel_loop3A_597 : vector<16xf32>
        %parallel_loop3A_602 = arith.index_cast %parallel_loop3A_594 : i32 to index
        %parallel_loop3A_603 = arith.constant 0 : index
        %parallel_loop3A_604 = tpu.vector_load %arg7[%parallel_loop3A_602, %parallel_loop3A_603] {strides = array<i32>} : memref<96x128xf32, #tpu.memory_space<vmem>>, vector<16xf32>,
        tpu.vector_store %arg7[%parallel_loop3A_602, %parallel_loop3A_603], %parallel_loop3A_601 {strides = array<i32>} : memref<96x128xf32, #tpu.memory_space<vmem>>, vector<16xf32>,
        %parallel_loop3A_605 = arith.index_cast %parallel_loop3A_594 : i32 to index
        %parallel_loop3A_606 = arith.constant 16 : index
        %parallel_loop3A_607 = tpu.vector_load %arg7[%parallel_loop3A_605, %parallel_loop3A_606] {strides = array<i32>} : memref<96x128xf32, #tpu.memory_space<vmem>>, vector<16xf32>,
        %parallel_loop3A_608 = arith.mulf %parallel_loop3A_607, %parallel_loop3A_597 : vector<16xf32>
        %parallel_loop3A_609 = arith.index_cast %parallel_loop3A_594 : i32 to index
        %parallel_loop3A_610 = arith.constant 16 : index
        %parallel_loop3A_611 = tpu.vector_load %arg7[%parallel_loop3A_609, %parallel_loop3A_610] {strides = array<i32>} : memref<96x128xf32, #tpu.memory_space<vmem>>, vector<16xf32>,
        tpu.vector_store %arg7[%parallel_loop3A_609, %parallel_loop3A_610], %parallel_loop3A_608 {strides = array<i32>} : memref<96x128xf32, #tpu.memory_space<vmem>>, vector<16xf32>,
        %parallel_loop3A_612 = arith.index_cast %parallel_loop3A_594 : i32 to index
        %parallel_loop3A_613 = arith.constant 32 : index
        %parallel_loop3A_614 = tpu.vector_load %arg7[%parallel_loop3A_612, %parallel_loop3A_613] {strides = array<i32>} : memref<96x128xf32, #tpu.memory_space<vmem>>, vector<16xf32>,
        %parallel_loop3A_615 = arith.mulf %parallel_loop3A_614, %parallel_loop3A_597 : vector<16xf32>
        %parallel_loop3A_616 = arith.index_cast %parallel_loop3A_594 : i32 to index
        %parallel_loop3A_617 = arith.constant 32 : index
        %parallel_loop3A_618 = tpu.vector_load %arg7[%parallel_loop3A_616, %parallel_loop3A_617] {strides = array<i32>} : memref<96x128xf32, #tpu.memory_space<vmem>>, vector<16xf32>,
        tpu.vector_store %arg7[%parallel_loop3A_616, %parallel_loop3A_617], %parallel_loop3A_615 {strides = array<i32>} : memref<96x128xf32, #tpu.memory_space<vmem>>, vector<16xf32>,
        %parallel_loop3A_619 = arith.index_cast %parallel_loop3A_594 : i32 to index
        %parallel_loop3A_620 = arith.constant 48 : index
        %parallel_loop3A_621 = tpu.vector_load %arg7[%parallel_loop3A_619, %parallel_loop3A_620] {strides = array<i32>} : memref<96x128xf32, #tpu.memory_space<vmem>>, vector<16xf32>,
        %parallel_loop3A_622 = arith.mulf %parallel_loop3A_621, %parallel_loop3A_597 : vector<16xf32>
        %parallel_loop3A_623 = arith.index_cast %parallel_loop3A_594 : i32 to index
        %parallel_loop3A_624 = arith.constant 48 : index
        %parallel_loop3A_625 = tpu.vector_load %arg7[%parallel_loop3A_623, %parallel_loop3A_624] {strides = array<i32>} : memref<96x128xf32, #tpu.memory_space<vmem>>, vector<16xf32>,
        tpu.vector_store %arg7[%parallel_loop3A_623, %parallel_loop3A_624], %parallel_loop3A_622 {strides = array<i32>} : memref<96x128xf32, #tpu.memory_space<vmem>>, vector<16xf32>,
        %parallel_loop3A_626 = arith.index_cast %parallel_loop3A_594 : i32 to index
        %parallel_loop3A_627 = arith.constant 64 : index
        %parallel_loop3A_628 = tpu.vector_load %arg7[%parallel_loop3A_626, %parallel_loop3A_627] {strides = array<i32>} : memref<96x128xf32, #tpu.memory_space<vmem>>, vector<16xf32>,
        %parallel_loop3A_629 = arith.mulf %parallel_loop3A_628, %parallel_loop3A_597 : vector<16xf32>
        %parallel_loop3A_630 = arith.index_cast %parallel_loop3A_594 : i32 to index
        %parallel_loop3A_631 = arith.constant 64 : index
        %parallel_loop3A_632 = tpu.vector_load %arg7[%parallel_loop3A_630, %parallel_loop3A_631] {strides = array<i32>} : memref<96x128xf32, #tpu.memory_space<vmem>>, vector<16xf32>,
        tpu.vector_store %arg7[%parallel_loop3A_630, %parallel_loop3A_631], %parallel_loop3A_629 {strides = array<i32>} : memref<96x128xf32, #tpu.memory_space<vmem>>, vector<16xf32>,
        %parallel_loop3A_633 = arith.index_cast %parallel_loop3A_594 : i32 to index
        %parallel_loop3A_634 = arith.constant 80 : index
        %parallel_loop3A_635 = tpu.vector_load %arg7[%parallel_loop3A_633, %parallel_loop3A_634] {strides = array<i32>} : memref<96x128xf32, #tpu.memory_space<vmem>>, vector<16xf32>,
        %parallel_loop3A_636 = arith.mulf %parallel_loop3A_635, %parallel_loop3A_597 : vector<16xf32>
        %parallel_loop3A_637 = arith.index_cast %parallel_loop3A_594 : i32 to index
        %parallel_loop3A_638 = arith.constant 80 : index
        %parallel_loop3A_639 = tpu.vector_load %arg7[%parallel_loop3A_637, %parallel_loop3A_638] {strides = array<i32>} : memref<96x128xf32, #tpu.memory_space<vmem>>, vector<16xf32>,
        tpu.vector_store %arg7[%parallel_loop3A_637, %parallel_loop3A_638], %parallel_loop3A_636 {strides = array<i32>} : memref<96x128xf32, #tpu.memory_space<vmem>>, vector<16xf32>,
        %parallel_loop3A_640 = arith.index_cast %parallel_loop3A_594 : i32 to index
        %parallel_loop3A_641 = arith.constant 96 : index
        %parallel_loop3A_642 = tpu.vector_load %arg7[%parallel_loop3A_640, %parallel_loop3A_641] {strides = array<i32>} : memref<96x128xf32, #tpu.memory_space<vmem>>, vector<16xf32>,
        %parallel_loop3A_643 = arith.mulf %parallel_loop3A_642, %parallel_loop3A_597 : vector<16xf32>
        %parallel_loop3A_644 = arith.index_cast %parallel_loop3A_594 : i32 to index
        %parallel_loop3A_645 = arith.constant 96 : index
        %parallel_loop3A_646 = tpu.vector_load %arg7[%parallel_loop3A_644, %parallel_loop3A_645] {strides = array<i32>} : memref<96x128xf32, #tpu.memory_space<vmem>>, vector<16xf32>,
        tpu.vector_store %arg7[%parallel_loop3A_644, %parallel_loop3A_645], %parallel_loop3A_643 {strides = array<i32>} : memref<96x128xf32, #tpu.memory_space<vmem>>, vector<16xf32>,
        %parallel_loop3A_647 = arith.index_cast %parallel_loop3A_594 : i32 to index
        %parallel_loop3A_648 = arith.constant 112 : index
        %parallel_loop3A_649 = tpu.vector_load %arg7[%parallel_loop3A_647, %parallel_loop3A_648] {strides = array<i32>} : memref<96x128xf32, #tpu.memory_space<vmem>>, vector<16xf32>,
        %parallel_loop3A_650 = arith.mulf %parallel_loop3A_649, %parallel_loop3A_597 : vector<16xf32>
        %parallel_loop3A_651 = arith.index_cast %parallel_loop3A_594 : i32 to index
        %parallel_loop3A_652 = arith.constant 112 : index
        %parallel_loop3A_653 = tpu.vector_load %arg7[%parallel_loop3A_651, %parallel_loop3A_652] {strides = array<i32>} : memref<96x128xf32, #tpu.memory_space<vmem>>, vector<16xf32>,
        tpu.vector_store %arg7[%parallel_loop3A_651, %parallel_loop3A_652], %parallel_loop3A_650 {strides = array<i32>} : memref<96x128xf32, #tpu.memory_space<vmem>>, vector<16xf32>,
      } {sc.loop_unroll_factor = 4 : i64, sc.parallel_access}
      %get3A = arith.constant 1 : i32
      %get3A_279 = arith.index_cast %get3A : i32 to index
      %get3A_280 = arith.constant 0 : index
      %get3A_281 = tpu.vector_load %arg6[%get3A_279, %get3A_280] {strides = array<i32>} : memref<9x128xi32, #tpu.memory_space<vmem>>, vector<16xi32>,
      %dma_start3A_282 = arith.constant 0 : i32
      %dma_start3A_283 = arith.constant 0 : i32
      %dma_start3A_284 = tpu.memref_slice %arg7[%dma_start3A_282, %dma_start3A_283] : memref<96x128xf32, #tpu.memory_space<vmem>> -> memref<16x128xf32, #tpu.memory_space<vmem>>
      %dma_start3A_285 = arith.constant 0 : i32
      %dma_start3A_286 = arith.constant 0 : i32
      %dma_start3A_287 = tpu.memref_slice %arg10[%dma_start3A_285, %dma_start3A_286] : memref<10752x128xf32, #tpu.memory_space<vmem_shared>> -> memref<10752x128xf32, #tpu.memory_space<vmem_shared>>
      tpu.enqueue_indirect_dma source(%dma_start3A_284 : memref<16x128xf32, #tpu.memory_space<vmem>>) target(%dma_start3A_287 : memref<10752x128xf32, #tpu.memory_space<vmem_shared>>) offsets(%get3A_281 : vector<16xi32>) semaphore(%arg17 : memref<!tpu.dma_semaphore, #tpu.memory_space<semaphore_mem>>) {add = true}
      %get3A_288 = arith.constant 1 : i32
      %get3A_289 = arith.index_cast %get3A_288 : i32 to index
      %get3A_290 = arith.constant 16 : index
      %get3A_291 = tpu.vector_load %arg6[%get3A_289, %get3A_290] {strides = array<i32>} : memref<9x128xi32, #tpu.memory_space<vmem>>, vector<16xi32>,
      %dma_start3A_292 = arith.constant 16 : i32
      %dma_start3A_293 = arith.constant 0 : i32
      %dma_start3A_294 = tpu.memref_slice %arg7[%dma_start3A_292, %dma_start3A_293] : memref<96x128xf32, #tpu.memory_space<vmem>> -> memref<16x128xf32, #tpu.memory_space<vmem>>
      %dma_start3A_295 = arith.constant 0 : i32
      %dma_start3A_296 = arith.constant 0 : i32
      %dma_start3A_297 = tpu.memref_slice %arg10[%dma_start3A_295, %dma_start3A_296] : memref<10752x128xf32, #tpu.memory_space<vmem_shared>> -> memref<10752x128xf32, #tpu.memory_space<vmem_shared>>
      tpu.enqueue_indirect_dma source(%dma_start3A_294 : memref<16x128xf32, #tpu.memory_space<vmem>>) target(%dma_start3A_297 : memref<10752x128xf32, #tpu.memory_space<vmem_shared>>) offsets(%get3A_291 : vector<16xi32>) semaphore(%arg17 : memref<!tpu.dma_semaphore, #tpu.memory_space<semaphore_mem>>) {add = true}
      %get3A_298 = arith.constant 1 : i32
      %get3A_299 = arith.index_cast %get3A_298 : i32 to index
      %get3A_300 = arith.constant 32 : index
      %get3A_301 = tpu.vector_load %arg6[%get3A_299, %get3A_300] {strides = array<i32>} : memref<9x128xi32, #tpu.memory_space<vmem>>, vector<16xi32>,
      %dma_start3A_302 = arith.constant 32 : i32
      %dma_start3A_303 = arith.constant 0 : i32
      %dma_start3A_304 = tpu.memref_slice %arg7[%dma_start3A_302, %dma_start3A_303] : memref<96x128xf32, #tpu.memory_space<vmem>> -> memref<16x128xf32, #tpu.memory_space<vmem>>
      %dma_start3A_305 = arith.constant 0 : i32
      %dma_start3A_306 = arith.constant 0 : i32
      %dma_start3A_307 = tpu.memref_slice %arg10[%dma_start3A_305, %dma_start3A_306] : memref<10752x128xf32, #tpu.memory_space<vmem_shared>> -> memref<10752x128xf32, #tpu.memory_space<vmem_shared>>
      tpu.enqueue_indirect_dma source(%dma_start3A_304 : memref<16x128xf32, #tpu.memory_space<vmem>>) target(%dma_start3A_307 : memref<10752x128xf32, #tpu.memory_space<vmem_shared>>) offsets(%get3A_301 : vector<16xi32>) semaphore(%arg17 : memref<!tpu.dma_semaphore, #tpu.memory_space<semaphore_mem>>) {add = true}
      %get3A_308 = arith.constant 1 : i32
      %get3A_309 = arith.index_cast %get3A_308 : i32 to index
      %get3A_310 = arith.constant 48 : index
      %get3A_311 = tpu.vector_load %arg6[%get3A_309, %get3A_310] {strides = array<i32>} : memref<9x128xi32, #tpu.memory_space<vmem>>, vector<16xi32>,
      %dma_start3A_312 = arith.constant 48 : i32
      %dma_start3A_313 = arith.constant 0 : i32
      %dma_start3A_314 = tpu.memref_slice %arg7[%dma_start3A_312, %dma_start3A_313] : memref<96x128xf32, #tpu.memory_space<vmem>> -> memref<16x128xf32, #tpu.memory_space<vmem>>
      %dma_start3A_315 = arith.constant 0 : i32
      %dma_start3A_316 = arith.constant 0 : i32
      %dma_start3A_317 = tpu.memref_slice %arg10[%dma_start3A_315, %dma_start3A_316] : memref<10752x128xf32, #tpu.memory_space<vmem_shared>> -> memref<10752x128xf32, #tpu.memory_space<vmem_shared>>
      tpu.enqueue_indirect_dma source(%dma_start3A_314 : memref<16x128xf32, #tpu.memory_space<vmem>>) target(%dma_start3A_317 : memref<10752x128xf32, #tpu.memory_space<vmem_shared>>) offsets(%get3A_311 : vector<16xi32>) semaphore(%arg17 : memref<!tpu.dma_semaphore, #tpu.memory_space<semaphore_mem>>) {add = true}
      %get3A_318 = arith.constant 1 : i32
      %get3A_319 = arith.index_cast %get3A_318 : i32 to index
      %get3A_320 = arith.constant 64 : index
      %get3A_321 = tpu.vector_load %arg6[%get3A_319, %get3A_320] {strides = array<i32>} : memref<9x128xi32, #tpu.memory_space<vmem>>, vector<16xi32>,
      %dma_start3A_322 = arith.constant 64 : i32
      %dma_start3A_323 = arith.constant 0 : i32
      %dma_start3A_324 = tpu.memref_slice %arg7[%dma_start3A_322, %dma_start3A_323] : memref<96x128xf32, #tpu.memory_space<vmem>> -> memref<16x128xf32, #tpu.memory_space<vmem>>
      %dma_start3A_325 = arith.constant 0 : i32
      %dma_start3A_326 = arith.constant 0 : i32
      %dma_start3A_327 = tpu.memref_slice %arg10[%dma_start3A_325, %dma_start3A_326] : memref<10752x128xf32, #tpu.memory_space<vmem_shared>> -> memref<10752x128xf32, #tpu.memory_space<vmem_shared>>
      tpu.enqueue_indirect_dma source(%dma_start3A_324 : memref<16x128xf32, #tpu.memory_space<vmem>>) target(%dma_start3A_327 : memref<10752x128xf32, #tpu.memory_space<vmem_shared>>) offsets(%get3A_321 : vector<16xi32>) semaphore(%arg17 : memref<!tpu.dma_semaphore, #tpu.memory_space<semaphore_mem>>) {add = true}
      %get3A_328 = arith.constant 1 : i32
      %get3A_329 = arith.index_cast %get3A_328 : i32 to index
      %get3A_330 = arith.constant 80 : index
      %get3A_331 = tpu.vector_load %arg6[%get3A_329, %get3A_330] {strides = array<i32>} : memref<9x128xi32, #tpu.memory_space<vmem>>, vector<16xi32>,
      %dma_start3A_332 = arith.constant 80 : i32
      %dma_start3A_333 = arith.constant 0 : i32
      %dma_start3A_334 = tpu.memref_slice %arg7[%dma_start3A_332, %dma_start3A_333] : memref<96x128xf32, #tpu.memory_space<vmem>> -> memref<16x128xf32, #tpu.memory_space<vmem>>
      %dma_start3A_335 = arith.constant 0 : i32
      %dma_start3A_336 = arith.constant 0 : i32
      %dma_start3A_337 = tpu.memref_slice %arg10[%dma_start3A_335, %dma_start3A_336] : memref<10752x128xf32, #tpu.memory_space<vmem_shared>> -> memref<10752x128xf32, #tpu.memory_space<vmem_shared>>
      tpu.enqueue_indirect_dma source(%dma_start3A_334 : memref<16x128xf32, #tpu.memory_space<vmem>>) target(%dma_start3A_337 : memref<10752x128xf32, #tpu.memory_space<vmem_shared>>) offsets(%get3A_331 : vector<16xi32>) semaphore(%arg17 : memref<!tpu.dma_semaphore, #tpu.memory_space<semaphore_mem>>) {add = true}
      %add3A_338 = arith.constant 3 : i32
      %add3A_339 = arith.addi %add3A_241, %add3A_338 : i32
      %min3A = arith.minsi %add3A_339, %sub3A_3 : i32
      %dma_start3A_340 = arith.constant 0 : i32
      %dma_start3A_341 = arith.constant 0 : i32
      %dma_start3A_342 = tpu.memref_slice %arg6[%dma_start3A_340, %dma_start3A_341] : memref<9x128xi32, #tpu.memory_space<vmem>> -> memref<3x128xi32, #tpu.memory_space<vmem>>
      %dma_start3A_343 = arith.constant 0 : i32
      %dma_start3A_344 = arith.constant 0 : i32
      %dma_start3A_345 = tpu.memref_slice %arg3[%add3A, %min3A, %dma_start3A_343, %dma_start3A_344] : memref<32x135x3x128xi32, #tpu.memory_space<hbm>> -> memref<1x1x3x128xi32, #tpu.memory_space<hbm>>
      %dma_start3A_346 = tpu.memref_squeeze %dma_start3A_345 : memref<1x1x3x128xi32, #tpu.memory_space<hbm>> -> memref<3x128xi32, #tpu.memory_space<hbm>>
      %dma_start3A_347 = arith.constant 0 : i32
      %dma_start3A_348 = arith.constant 0 : i32
      %dma_start3A_349 = tpu.memref_slice %arg6[%dma_start3A_347, %dma_start3A_348] : memref<9x128xi32, #tpu.memory_space<vmem>> -> memref<3x128xi32, #tpu.memory_space<vmem>>
      %dma_start3A_350 = arith.constant 0 : i32
      %dma_start3A_351 = arith.constant 0 : i32
      %dma_start3A_352 = tpu.memref_slice %arg3[%add3A, %min3A, %dma_start3A_350, %dma_start3A_351] : memref<32x135x3x128xi32, #tpu.memory_space<hbm>> -> memref<1x1x3x128xi32, #tpu.memory_space<hbm>>
      %dma_start3A_353 = tpu.memref_squeeze %dma_start3A_352 : memref<1x1x3x128xi32, #tpu.memory_space<hbm>> -> memref<3x128xi32, #tpu.memory_space<hbm>>
      tpu.enqueue_dma source(%dma_start3A_353 : memref<3x128xi32, #tpu.memory_space<hbm>>) target(%dma_start3A_349 : memref<3x128xi32, #tpu.memory_space<vmem>>) target_semaphore(%arg11 : memref<!tpu.dma_semaphore, #tpu.memory_space<semaphore_mem>>)
      %mul3A_354 = arith.constant 3 : i32
      %mul3A_355 = arith.muli %mul3A_354, %while3A_237 : i32
      %add3A_356 = arith.constant 1 : i32
      %add3A_357 = arith.addi %mul3A_355, %add3A_356 : i32
      %ge3A_358 = arith.constant 2 : i32
      %ge3A_359 = arith.cmpi sge, %add3A_357, %ge3A_358 : i32
      %convert_element_type3A_360 = arith.extui %ge3A_359 : i1 to i32
      %cond3A_361 = arith.constant 0 : i32
      %cond3A_362 = arith.cmpi ne, %convert_element_type3A_360, %cond3A_361 : i32
      scf.if %cond3A_362 {
        %dma_wait3A_594 = arith.constant 0 : i32
        %dma_wait3A_595 = arith.constant 0 : i32
        %dma_wait3A_596 = tpu.memref_slice %arg9[%dma_wait3A_594, %dma_wait3A_595] : memref<96x128xf32, #tpu.memory_space<vmem>> -> memref<16x128xf32, #tpu.memory_space<vmem>>
        %dma_wait3A_597 = arith.constant 0 : i32
        %dma_wait3A_598 = arith.constant 0 : i32
        %dma_wait3A_599 = tpu.memref_slice %arg10[%dma_wait3A_597, %dma_wait3A_598] : memref<10752x128xf32, #tpu.memory_space<vmem_shared>> -> memref<10752x128xf32, #tpu.memory_space<vmem_shared>>
        tpu.wait_indirect_dma semaphore(%arg19 : memref<!tpu.dma_semaphore, #tpu.memory_space<semaphore_mem>>) src(%dma_wait3A_596 : memref<16x128xf32, #tpu.memory_space<vmem>>) dst(%dma_wait3A_599 : memref<10752x128xf32, #tpu.memory_space<vmem_shared>>)
        %dma_wait3A_600 = arith.constant 16 : i32
        %dma_wait3A_601 = arith.constant 0 : i32
        %dma_wait3A_602 = tpu.memref_slice %arg9[%dma_wait3A_600, %dma_wait3A_601] : memref<96x128xf32, #tpu.memory_space<vmem>> -> memref<16x128xf32, #tpu.memory_space<vmem>>
        %dma_wait3A_603 = arith.constant 0 : i32
        %dma_wait3A_604 = arith.constant 0 : i32
        %dma_wait3A_605 = tpu.memref_slice %arg10[%dma_wait3A_603, %dma_wait3A_604] : memref<10752x128xf32, #tpu.memory_space<vmem_shared>> -> memref<10752x128xf32, #tpu.memory_space<vmem_shared>>
        tpu.wait_indirect_dma semaphore(%arg19 : memref<!tpu.dma_semaphore, #tpu.memory_space<semaphore_mem>>) src(%dma_wait3A_602 : memref<16x128xf32, #tpu.memory_space<vmem>>) dst(%dma_wait3A_605 : memref<10752x128xf32, #tpu.memory_space<vmem_shared>>)
        %dma_wait3A_606 = arith.constant 32 : i32
        %dma_wait3A_607 = arith.constant 0 : i32
        %dma_wait3A_608 = tpu.memref_slice %arg9[%dma_wait3A_606, %dma_wait3A_607] : memref<96x128xf32, #tpu.memory_space<vmem>> -> memref<16x128xf32, #tpu.memory_space<vmem>>
        %dma_wait3A_609 = arith.constant 0 : i32
        %dma_wait3A_610 = arith.constant 0 : i32
        %dma_wait3A_611 = tpu.memref_slice %arg10[%dma_wait3A_609, %dma_wait3A_610] : memref<10752x128xf32, #tpu.memory_space<vmem_shared>> -> memref<10752x128xf32, #tpu.memory_space<vmem_shared>>
        tpu.wait_indirect_dma semaphore(%arg19 : memref<!tpu.dma_semaphore, #tpu.memory_space<semaphore_mem>>) src(%dma_wait3A_608 : memref<16x128xf32, #tpu.memory_space<vmem>>) dst(%dma_wait3A_611 : memref<10752x128xf32, #tpu.memory_space<vmem_shared>>)
        %dma_wait3A_612 = arith.constant 48 : i32
        %dma_wait3A_613 = arith.constant 0 : i32
        %dma_wait3A_614 = tpu.memref_slice %arg9[%dma_wait3A_612, %dma_wait3A_613] : memref<96x128xf32, #tpu.memory_space<vmem>> -> memref<16x128xf32, #tpu.memory_space<vmem>>
        %dma_wait3A_615 = arith.constant 0 : i32
        %dma_wait3A_616 = arith.constant 0 : i32
        %dma_wait3A_617 = tpu.memref_slice %arg10[%dma_wait3A_615, %dma_wait3A_616] : memref<10752x128xf32, #tpu.memory_space<vmem_shared>> -> memref<10752x128xf32, #tpu.memory_space<vmem_shared>>
        tpu.wait_indirect_dma semaphore(%arg19 : memref<!tpu.dma_semaphore, #tpu.memory_space<semaphore_mem>>) src(%dma_wait3A_614 : memref<16x128xf32, #tpu.memory_space<vmem>>) dst(%dma_wait3A_617 : memref<10752x128xf32, #tpu.memory_space<vmem_shared>>)
        %dma_wait3A_618 = arith.constant 64 : i32
        %dma_wait3A_619 = arith.constant 0 : i32
        %dma_wait3A_620 = tpu.memref_slice %arg9[%dma_wait3A_618, %dma_wait3A_619] : memref<96x128xf32, #tpu.memory_space<vmem>> -> memref<16x128xf32, #tpu.memory_space<vmem>>
        %dma_wait3A_621 = arith.constant 0 : i32
        %dma_wait3A_622 = arith.constant 0 : i32
        %dma_wait3A_623 = tpu.memref_slice %arg10[%dma_wait3A_621, %dma_wait3A_622] : memref<10752x128xf32, #tpu.memory_space<vmem_shared>> -> memref<10752x128xf32, #tpu.memory_space<vmem_shared>>
        tpu.wait_indirect_dma semaphore(%arg19 : memref<!tpu.dma_semaphore, #tpu.memory_space<semaphore_mem>>) src(%dma_wait3A_620 : memref<16x128xf32, #tpu.memory_space<vmem>>) dst(%dma_wait3A_623 : memref<10752x128xf32, #tpu.memory_space<vmem_shared>>)
        %dma_wait3A_624 = arith.constant 80 : i32
        %dma_wait3A_625 = arith.constant 0 : i32
        %dma_wait3A_626 = tpu.memref_slice %arg9[%dma_wait3A_624, %dma_wait3A_625] : memref<96x128xf32, #tpu.memory_space<vmem>> -> memref<16x128xf32, #tpu.memory_space<vmem>>
        %dma_wait3A_627 = arith.constant 0 : i32
        %dma_wait3A_628 = arith.constant 0 : i32
        %dma_wait3A_629 = tpu.memref_slice %arg10[%dma_wait3A_627, %dma_wait3A_628] : memref<10752x128xf32, #tpu.memory_space<vmem_shared>> -> memref<10752x128xf32, #tpu.memory_space<vmem_shared>>
        tpu.wait_indirect_dma semaphore(%arg19 : memref<!tpu.dma_semaphore, #tpu.memory_space<semaphore_mem>>) src(%dma_wait3A_626 : memref<16x128xf32, #tpu.memory_space<vmem>>) dst(%dma_wait3A_629 : memref<10752x128xf32, #tpu.memory_space<vmem_shared>>)
      } else {
      }
      %dma_wait3A_363 = arith.constant 0 : i32
      %dma_wait3A_364 = arith.constant 0 : i32
      %dma_wait3A_365 = arith.constant 0 : i32
      %dma_wait3A_366 = tpu.memref_slice %arg6[%dma_wait3A_364, %dma_wait3A_365] : memref<9x128xi32, #tpu.memory_space<vmem>> -> memref<3x128xi32, #tpu.memory_space<vmem>>
      %dma_wait3A_367 = arith.constant 0 : i32
      %dma_wait3A_368 = arith.constant 0 : i32
      %dma_wait3A_369 = tpu.memref_slice %arg3[%add3A, %dma_wait3A_363, %dma_wait3A_367, %dma_wait3A_368] : memref<32x135x3x128xi32, #tpu.memory_space<hbm>> -> memref<1x1x3x128xi32, #tpu.memory_space<hbm>>
      %dma_wait3A_370 = tpu.memref_squeeze %dma_wait3A_369 : memref<1x1x3x128xi32, #tpu.memory_space<hbm>> -> memref<3x128xi32, #tpu.memory_space<hbm>>
      %dma_wait3A_371 = arith.constant 0 : i32
      %dma_wait3A_372 = arith.constant 0 : i32
      %dma_wait3A_373 = tpu.memref_slice %arg6[%dma_wait3A_371, %dma_wait3A_372] : memref<9x128xi32, #tpu.memory_space<vmem>> -> memref<3x128xi32, #tpu.memory_space<vmem>>
      %dma_wait3A_374 = arith.constant 0 : i32
      %dma_wait3A_375 = arith.constant 0 : i32
      %dma_wait3A_376 = tpu.memref_slice %arg3[%add3A, %dma_wait3A_363, %dma_wait3A_374, %dma_wait3A_375] : memref<32x135x3x128xi32, #tpu.memory_space<hbm>> -> memref<1x1x3x128xi32, #tpu.memory_space<hbm>>
      %dma_wait3A_377 = tpu.memref_squeeze %dma_wait3A_376 : memref<1x1x3x128xi32, #tpu.memory_space<hbm>> -> memref<3x128xi32, #tpu.memory_space<hbm>>
      tpu.wait_dma2 semaphore(%arg13 : memref<!tpu.dma_semaphore, #tpu.memory_space<semaphore_mem>>) src(%dma_wait3A_377 : memref<3x128xi32, #tpu.memory_space<hbm>>) dst(%dma_wait3A_373 : memref<3x128xi32, #tpu.memory_space<vmem>>)
      %dma_start3A_378 = arith.constant 6 : i32
      %dma_start3A_379 = arith.constant 0 : i32
      %dma_start3A_380 = tpu.memref_slice %arg6[%dma_start3A_378, %dma_start3A_379] : memref<9x128xi32, #tpu.memory_space<vmem>> -> memref<1x96xi32, #tpu.memory_space<vmem>>
      %dma_start3A_381 = tpu.memref_squeeze %dma_start3A_380 : memref<1x96xi32, #tpu.memory_space<vmem>> -> memref<96xi32, #tpu.memory_space<vmem>>
      %dma_start3A_382 = arith.constant 0 : i32
      %dma_start3A_383 = arith.constant 0 : i32
      %dma_start3A_384 = tpu.memref_slice %arg2[%dma_start3A_382, %dma_start3A_383] : memref<10000x128xf32, #tpu.memory_space<hbm>> -> memref<10000x128xf32, #tpu.memory_space<hbm>>
      tpu.enqueue_indirect_dma source(%dma_start3A_384 : memref<10000x128xf32, #tpu.memory_space<hbm>>) target(%arg9 : memref<96x128xf32, #tpu.memory_space<vmem>>) offsets(%dma_start3A_381 : memref<96xi32, #tpu.memory_space<vmem>>) semaphore(%arg16 : memref<!tpu.dma_semaphore, #tpu.memory_space<semaphore_mem>>)
      %dma_wait3A_385 = arith.constant 0 : i32
      %dma_wait3A_386 = arith.constant 0 : i32
      %dma_wait3A_387 = tpu.memref_slice %arg6[%dma_wait3A_385, %dma_wait3A_386] : memref<9x128xi32, #tpu.memory_space<vmem>> -> memref<1x96xi32, #tpu.memory_space<vmem>>
      %dma_wait3A_388 = tpu.memref_squeeze %dma_wait3A_387 : memref<1x96xi32, #tpu.memory_space<vmem>> -> memref<96xi32, #tpu.memory_space<vmem>>
      %dma_wait3A_389 = arith.constant 0 : i32
      %dma_wait3A_390 = arith.constant 0 : i32
      %dma_wait3A_391 = tpu.memref_slice %arg2[%dma_wait3A_389, %dma_wait3A_390] : memref<10000x128xf32, #tpu.memory_space<hbm>> -> memref<10000x128xf32, #tpu.memory_space<hbm>>
      tpu.wait_indirect_dma semaphore(%arg15 : memref<!tpu.dma_semaphore, #tpu.memory_space<semaphore_mem>>) src(%dma_wait3A_391 : memref<10000x128xf32, #tpu.memory_space<hbm>>) dst(%arg8 : memref<96x128xf32, #tpu.memory_space<vmem>>)
      %broadcast_in_dim3A_392 = arith.constant 5 : i32
      %broadcast_in_dim3A_393 = vector.broadcast %broadcast_in_dim3A_392 : i32 to vector<16xi32>
      %parallel_loop3A_394 = arith.constant 0 : i32
      %parallel_loop3A_395 = arith.constant 96 : i32
      %parallel_loop3A_396 = arith.constant 1 : i32
      scf.for %parallel_loop3A_594 = %parallel_loop3A_394 to %parallel_loop3A_395 step %parallel_loop3A_396  : i32 {
        %parallel_loop3A_595 = vector.broadcast %parallel_loop3A_594 : i32 to vector<16xi32>
        %parallel_loop3A_596 = tpu.vector_load_idx %arg6[%broadcast_in_dim3A_393, %parallel_loop3A_595] : memref<9x128xi32, #tpu.memory_space<vmem>>[vector<16xi32>, vector<16xi32>], vector<16xi32>,
        %parallel_loop3A_597 = vector.bitcast %parallel_loop3A_596 : vector<16xi32> to vector<16xf32>
        %parallel_loop3A_598 = arith.index_cast %parallel_loop3A_594 : i32 to index
        %parallel_loop3A_599 = arith.constant 0 : index
        %parallel_loop3A_600 = tpu.vector_load %arg8[%parallel_loop3A_598, %parallel_loop3A_599] {strides = array<i32>} : memref<96x128xf32, #tpu.memory_space<vmem>>, vector<16xf32>,
        %parallel_loop3A_601 = arith.mulf %parallel_loop3A_600, %parallel_loop3A_597 : vector<16xf32>
        %parallel_loop3A_602 = arith.index_cast %parallel_loop3A_594 : i32 to index
        %parallel_loop3A_603 = arith.constant 0 : index
        %parallel_loop3A_604 = tpu.vector_load %arg8[%parallel_loop3A_602, %parallel_loop3A_603] {strides = array<i32>} : memref<96x128xf32, #tpu.memory_space<vmem>>, vector<16xf32>,
        tpu.vector_store %arg8[%parallel_loop3A_602, %parallel_loop3A_603], %parallel_loop3A_601 {strides = array<i32>} : memref<96x128xf32, #tpu.memory_space<vmem>>, vector<16xf32>,
        %parallel_loop3A_605 = arith.index_cast %parallel_loop3A_594 : i32 to index
        %parallel_loop3A_606 = arith.constant 16 : index
        %parallel_loop3A_607 = tpu.vector_load %arg8[%parallel_loop3A_605, %parallel_loop3A_606] {strides = array<i32>} : memref<96x128xf32, #tpu.memory_space<vmem>>, vector<16xf32>,
        %parallel_loop3A_608 = arith.mulf %parallel_loop3A_607, %parallel_loop3A_597 : vector<16xf32>
        %parallel_loop3A_609 = arith.index_cast %parallel_loop3A_594 : i32 to index
        %parallel_loop3A_610 = arith.constant 16 : index
        %parallel_loop3A_611 = tpu.vector_load %arg8[%parallel_loop3A_609, %parallel_loop3A_610] {strides = array<i32>} : memref<96x128xf32, #tpu.memory_space<vmem>>, vector<16xf32>,
        tpu.vector_store %arg8[%parallel_loop3A_609, %parallel_loop3A_610], %parallel_loop3A_608 {strides = array<i32>} : memref<96x128xf32, #tpu.memory_space<vmem>>, vector<16xf32>,
        %parallel_loop3A_612 = arith.index_cast %parallel_loop3A_594 : i32 to index
        %parallel_loop3A_613 = arith.constant 32 : index
        %parallel_loop3A_614 = tpu.vector_load %arg8[%parallel_loop3A_612, %parallel_loop3A_613] {strides = array<i32>} : memref<96x128xf32, #tpu.memory_space<vmem>>, vector<16xf32>,
        %parallel_loop3A_615 = arith.mulf %parallel_loop3A_614, %parallel_loop3A_597 : vector<16xf32>
        %parallel_loop3A_616 = arith.index_cast %parallel_loop3A_594 : i32 to index
        %parallel_loop3A_617 = arith.constant 32 : index
        %parallel_loop3A_618 = tpu.vector_load %arg8[%parallel_loop3A_616, %parallel_loop3A_617] {strides = array<i32>} : memref<96x128xf32, #tpu.memory_space<vmem>>, vector<16xf32>,
        tpu.vector_store %arg8[%parallel_loop3A_616, %parallel_loop3A_617], %parallel_loop3A_615 {strides = array<i32>} : memref<96x128xf32, #tpu.memory_space<vmem>>, vector<16xf32>,
        %parallel_loop3A_619 = arith.index_cast %parallel_loop3A_594 : i32 to index
        %parallel_loop3A_620 = arith.constant 48 : index
        %parallel_loop3A_621 = tpu.vector_load %arg8[%parallel_loop3A_619, %parallel_loop3A_620] {strides = array<i32>} : memref<96x128xf32, #tpu.memory_space<vmem>>, vector<16xf32>,
        %parallel_loop3A_622 = arith.mulf %parallel_loop3A_621, %parallel_loop3A_597 : vector<16xf32>
        %parallel_loop3A_623 = arith.index_cast %parallel_loop3A_594 : i32 to index
        %parallel_loop3A_624 = arith.constant 48 : index
        %parallel_loop3A_625 = tpu.vector_load %arg8[%parallel_loop3A_623, %parallel_loop3A_624] {strides = array<i32>} : memref<96x128xf32, #tpu.memory_space<vmem>>, vector<16xf32>,
        tpu.vector_store %arg8[%parallel_loop3A_623, %parallel_loop3A_624], %parallel_loop3A_622 {strides = array<i32>} : memref<96x128xf32, #tpu.memory_space<vmem>>, vector<16xf32>,
        %parallel_loop3A_626 = arith.index_cast %parallel_loop3A_594 : i32 to index
        %parallel_loop3A_627 = arith.constant 64 : index
        %parallel_loop3A_628 = tpu.vector_load %arg8[%parallel_loop3A_626, %parallel_loop3A_627] {strides = array<i32>} : memref<96x128xf32, #tpu.memory_space<vmem>>, vector<16xf32>,
        %parallel_loop3A_629 = arith.mulf %parallel_loop3A_628, %parallel_loop3A_597 : vector<16xf32>
        %parallel_loop3A_630 = arith.index_cast %parallel_loop3A_594 : i32 to index
        %parallel_loop3A_631 = arith.constant 64 : index
        %parallel_loop3A_632 = tpu.vector_load %arg8[%parallel_loop3A_630, %parallel_loop3A_631] {strides = array<i32>} : memref<96x128xf32, #tpu.memory_space<vmem>>, vector<16xf32>,
        tpu.vector_store %arg8[%parallel_loop3A_630, %parallel_loop3A_631], %parallel_loop3A_629 {strides = array<i32>} : memref<96x128xf32, #tpu.memory_space<vmem>>, vector<16xf32>,
        %parallel_loop3A_633 = arith.index_cast %parallel_loop3A_594 : i32 to index
        %parallel_loop3A_634 = arith.constant 80 : index
        %parallel_loop3A_635 = tpu.vector_load %arg8[%parallel_loop3A_633, %parallel_loop3A_634] {strides = array<i32>} : memref<96x128xf32, #tpu.memory_space<vmem>>, vector<16xf32>,
        %parallel_loop3A_636 = arith.mulf %parallel_loop3A_635, %parallel_loop3A_597 : vector<16xf32>
        %parallel_loop3A_637 = arith.index_cast %parallel_loop3A_594 : i32 to index
        %parallel_loop3A_638 = arith.constant 80 : index
        %parallel_loop3A_639 = tpu.vector_load %arg8[%parallel_loop3A_637, %parallel_loop3A_638] {strides = array<i32>} : memref<96x128xf32, #tpu.memory_space<vmem>>, vector<16xf32>,
        tpu.vector_store %arg8[%parallel_loop3A_637, %parallel_loop3A_638], %parallel_loop3A_636 {strides = array<i32>} : memref<96x128xf32, #tpu.memory_space<vmem>>, vector<16xf32>,
        %parallel_loop3A_640 = arith.index_cast %parallel_loop3A_594 : i32 to index
        %parallel_loop3A_641 = arith.constant 96 : index
        %parallel_loop3A_642 = tpu.vector_load %arg8[%parallel_loop3A_640, %parallel_loop3A_641] {strides = array<i32>} : memref<96x128xf32, #tpu.memory_space<vmem>>, vector<16xf32>,
        %parallel_loop3A_643 = arith.mulf %parallel_loop3A_642, %parallel_loop3A_597 : vector<16xf32>
        %parallel_loop3A_644 = arith.index_cast %parallel_loop3A_594 : i32 to index
        %parallel_loop3A_645 = arith.constant 96 : index
        %parallel_loop3A_646 = tpu.vector_load %arg8[%parallel_loop3A_644, %parallel_loop3A_645] {strides = array<i32>} : memref<96x128xf32, #tpu.memory_space<vmem>>, vector<16xf32>,
        tpu.vector_store %arg8[%parallel_loop3A_644, %parallel_loop3A_645], %parallel_loop3A_643 {strides = array<i32>} : memref<96x128xf32, #tpu.memory_space<vmem>>, vector<16xf32>,
        %parallel_loop3A_647 = arith.index_cast %parallel_loop3A_594 : i32 to index
        %parallel_loop3A_648 = arith.constant 112 : index
        %parallel_loop3A_649 = tpu.vector_load %arg8[%parallel_loop3A_647, %parallel_loop3A_648] {strides = array<i32>} : memref<96x128xf32, #tpu.memory_space<vmem>>, vector<16xf32>,
        %parallel_loop3A_650 = arith.mulf %parallel_loop3A_649, %parallel_loop3A_597 : vector<16xf32>
        %parallel_loop3A_651 = arith.index_cast %parallel_loop3A_594 : i32 to index
        %parallel_loop3A_652 = arith.constant 112 : index
        %parallel_loop3A_653 = tpu.vector_load %arg8[%parallel_loop3A_651, %parallel_loop3A_652] {strides = array<i32>} : memref<96x128xf32, #tpu.memory_space<vmem>>, vector<16xf32>,
        tpu.vector_store %arg8[%parallel_loop3A_651, %parallel_loop3A_652], %parallel_loop3A_650 {strides = array<i32>} : memref<96x128xf32, #tpu.memory_space<vmem>>, vector<16xf32>,
      } {sc.loop_unroll_factor = 4 : i64, sc.parallel_access}
      %get3A_397 = arith.constant 4 : i32
      %get3A_398 = arith.index_cast %get3A_397 : i32 to index
      %get3A_399 = arith.constant 0 : index
      %get3A_400 = tpu.vector_load %arg6[%get3A_398, %get3A_399] {strides = array<i32>} : memref<9x128xi32, #tpu.memory_space<vmem>>, vector<16xi32>,
      %dma_start3A_401 = arith.constant 0 : i32
      %dma_start3A_402 = arith.constant 0 : i32
      %dma_start3A_403 = tpu.memref_slice %arg8[%dma_start3A_401, %dma_start3A_402] : memref<96x128xf32, #tpu.memory_space<vmem>> -> memref<16x128xf32, #tpu.memory_space<vmem>>
      %dma_start3A_404 = arith.constant 0 : i32
      %dma_start3A_405 = arith.constant 0 : i32
      %dma_start3A_406 = tpu.memref_slice %arg10[%dma_start3A_404, %dma_start3A_405] : memref<10752x128xf32, #tpu.memory_space<vmem_shared>> -> memref<10752x128xf32, #tpu.memory_space<vmem_shared>>
      tpu.enqueue_indirect_dma source(%dma_start3A_403 : memref<16x128xf32, #tpu.memory_space<vmem>>) target(%dma_start3A_406 : memref<10752x128xf32, #tpu.memory_space<vmem_shared>>) offsets(%get3A_400 : vector<16xi32>) semaphore(%arg18 : memref<!tpu.dma_semaphore, #tpu.memory_space<semaphore_mem>>) {add = true}
      %get3A_407 = arith.constant 4 : i32
      %get3A_408 = arith.index_cast %get3A_407 : i32 to index
      %get3A_409 = arith.constant 16 : index
      %get3A_410 = tpu.vector_load %arg6[%get3A_408, %get3A_409] {strides = array<i32>} : memref<9x128xi32, #tpu.memory_space<vmem>>, vector<16xi32>,
      %dma_start3A_411 = arith.constant 16 : i32
      %dma_start3A_412 = arith.constant 0 : i32
      %dma_start3A_413 = tpu.memref_slice %arg8[%dma_start3A_411, %dma_start3A_412] : memref<96x128xf32, #tpu.memory_space<vmem>> -> memref<16x128xf32, #tpu.memory_space<vmem>>
      %dma_start3A_414 = arith.constant 0 : i32
      %dma_start3A_415 = arith.constant 0 : i32
      %dma_start3A_416 = tpu.memref_slice %arg10[%dma_start3A_414, %dma_start3A_415] : memref<10752x128xf32, #tpu.memory_space<vmem_shared>> -> memref<10752x128xf32, #tpu.memory_space<vmem_shared>>
      tpu.enqueue_indirect_dma source(%dma_start3A_413 : memref<16x128xf32, #tpu.memory_space<vmem>>) target(%dma_start3A_416 : memref<10752x128xf32, #tpu.memory_space<vmem_shared>>) offsets(%get3A_410 : vector<16xi32>) semaphore(%arg18 : memref<!tpu.dma_semaphore, #tpu.memory_space<semaphore_mem>>) {add = true}
      %get3A_417 = arith.constant 4 : i32
      %get3A_418 = arith.index_cast %get3A_417 : i32 to index
      %get3A_419 = arith.constant 32 : index
      %get3A_420 = tpu.vector_load %arg6[%get3A_418, %get3A_419] {strides = array<i32>} : memref<9x128xi32, #tpu.memory_space<vmem>>, vector<16xi32>,
      %dma_start3A_421 = arith.constant 32 : i32
      %dma_start3A_422 = arith.constant 0 : i32
      %dma_start3A_423 = tpu.memref_slice %arg8[%dma_start3A_421, %dma_start3A_422] : memref<96x128xf32, #tpu.memory_space<vmem>> -> memref<16x128xf32, #tpu.memory_space<vmem>>
      %dma_start3A_424 = arith.constant 0 : i32
      %dma_start3A_425 = arith.constant 0 : i32
      %dma_start3A_426 = tpu.memref_slice %arg10[%dma_start3A_424, %dma_start3A_425] : memref<10752x128xf32, #tpu.memory_space<vmem_shared>> -> memref<10752x128xf32, #tpu.memory_space<vmem_shared>>
      tpu.enqueue_indirect_dma source(%dma_start3A_423 : memref<16x128xf32, #tpu.memory_space<vmem>>) target(%dma_start3A_426 : memref<10752x128xf32, #tpu.memory_space<vmem_shared>>) offsets(%get3A_420 : vector<16xi32>) semaphore(%arg18 : memref<!tpu.dma_semaphore, #tpu.memory_space<semaphore_mem>>) {add = true}
      %get3A_427 = arith.constant 4 : i32
      %get3A_428 = arith.index_cast %get3A_427 : i32 to index
      %get3A_429 = arith.constant 48 : index
      %get3A_430 = tpu.vector_load %arg6[%get3A_428, %get3A_429] {strides = array<i32>} : memref<9x128xi32, #tpu.memory_space<vmem>>, vector<16xi32>,
      %dma_start3A_431 = arith.constant 48 : i32
      %dma_start3A_432 = arith.constant 0 : i32
      %dma_start3A_433 = tpu.memref_slice %arg8[%dma_start3A_431, %dma_start3A_432] : memref<96x128xf32, #tpu.memory_space<vmem>> -> memref<16x128xf32, #tpu.memory_space<vmem>>
      %dma_start3A_434 = arith.constant 0 : i32
      %dma_start3A_435 = arith.constant 0 : i32
      %dma_start3A_436 = tpu.memref_slice %arg10[%dma_start3A_434, %dma_start3A_435] : memref<10752x128xf32, #tpu.memory_space<vmem_shared>> -> memref<10752x128xf32, #tpu.memory_space<vmem_shared>>
      tpu.enqueue_indirect_dma source(%dma_start3A_433 : memref<16x128xf32, #tpu.memory_space<vmem>>) target(%dma_start3A_436 : memref<10752x128xf32, #tpu.memory_space<vmem_shared>>) offsets(%get3A_430 : vector<16xi32>) semaphore(%arg18 : memref<!tpu.dma_semaphore, #tpu.memory_space<semaphore_mem>>) {add = true}
      %get3A_437 = arith.constant 4 : i32
      %get3A_438 = arith.index_cast %get3A_437 : i32 to index
      %get3A_439 = arith.constant 64 : index
      %get3A_440 = tpu.vector_load %arg6[%get3A_438, %get3A_439] {strides = array<i32>} : memref<9x128xi32, #tpu.memory_space<vmem>>, vector<16xi32>,
      %dma_start3A_441 = arith.constant 64 : i32
      %dma_start3A_442 = arith.constant 0 : i32
      %dma_start3A_443 = tpu.memref_slice %arg8[%dma_start3A_441, %dma_start3A_442] : memref<96x128xf32, #tpu.memory_space<vmem>> -> memref<16x128xf32, #tpu.memory_space<vmem>>
      %dma_start3A_444 = arith.constant 0 : i32
      %dma_start3A_445 = arith.constant 0 : i32
      %dma_start3A_446 = tpu.memref_slice %arg10[%dma_start3A_444, %dma_start3A_445] : memref<10752x128xf32, #tpu.memory_space<vmem_shared>> -> memref<10752x128xf32, #tpu.memory_space<vmem_shared>>
      tpu.enqueue_indirect_dma source(%dma_start3A_443 : memref<16x128xf32, #tpu.memory_space<vmem>>) target(%dma_start3A_446 : memref<10752x128xf32, #tpu.memory_space<vmem_shared>>) offsets(%get3A_440 : vector<16xi32>) semaphore(%arg18 : memref<!tpu.dma_semaphore, #tpu.memory_space<semaphore_mem>>) {add = true}
      %get3A_447 = arith.constant 4 : i32
      %get3A_448 = arith.index_cast %get3A_447 : i32 to index
      %get3A_449 = arith.constant 80 : index
      %get3A_450 = tpu.vector_load %arg6[%get3A_448, %get3A_449] {strides = array<i32>} : memref<9x128xi32, #tpu.memory_space<vmem>>, vector<16xi32>,
      %dma_start3A_451 = arith.constant 80 : i32
      %dma_start3A_452 = arith.constant 0 : i32
      %dma_start3A_453 = tpu.memref_slice %arg8[%dma_start3A_451, %dma_start3A_452] : memref<96x128xf32, #tpu.memory_space<vmem>> -> memref<16x128xf32, #tpu.memory_space<vmem>>
      %dma_start3A_454 = arith.constant 0 : i32
      %dma_start3A_455 = arith.constant 0 : i32
      %dma_start3A_456 = tpu.memref_slice %arg10[%dma_start3A_454, %dma_start3A_455] : memref<10752x128xf32, #tpu.memory_space<vmem_shared>> -> memref<10752x128xf32, #tpu.memory_space<vmem_shared>>
      tpu.enqueue_indirect_dma source(%dma_start3A_453 : memref<16x128xf32, #tpu.memory_space<vmem>>) target(%dma_start3A_456 : memref<10752x128xf32, #tpu.memory_space<vmem_shared>>) offsets(%get3A_450 : vector<16xi32>) semaphore(%arg18 : memref<!tpu.dma_semaphore, #tpu.memory_space<semaphore_mem>>) {add = true}
      %add3A_457 = arith.constant 3 : i32
      %add3A_458 = arith.addi %add3A_357, %add3A_457 : i32
      %min3A_459 = arith.minsi %add3A_458, %sub3A_3 : i32
      %dma_start3A_460 = arith.constant 3 : i32
      %dma_start3A_461 = arith.constant 0 : i32
      %dma_start3A_462 = tpu.memref_slice %arg6[%dma_start3A_460, %dma_start3A_461] : memref<9x128xi32, #tpu.memory_space<vmem>> -> memref<3x128xi32, #tpu.memory_space<vmem>>
      %dma_start3A_463 = arith.constant 0 : i32
      %dma_start3A_464 = arith.constant 0 : i32
      %dma_start3A_465 = tpu.memref_slice %arg3[%add3A, %min3A_459, %dma_start3A_463, %dma_start3A_464] : memref<32x135x3x128xi32, #tpu.memory_space<hbm>> -> memref<1x1x3x128xi32, #tpu.memory_space<hbm>>
      %dma_start3A_466 = tpu.memref_squeeze %dma_start3A_465 : memref<1x1x3x128xi32, #tpu.memory_space<hbm>> -> memref<3x128xi32, #tpu.memory_space<hbm>>
      %dma_start3A_467 = arith.constant 3 : i32
      %dma_start3A_468 = arith.constant 0 : i32
      %dma_start3A_469 = tpu.memref_slice %arg6[%dma_start3A_467, %dma_start3A_468] : memref<9x128xi32, #tpu.memory_space<vmem>> -> memref<3x128xi32, #tpu.memory_space<vmem>>
      %dma_start3A_470 = arith.constant 0 : i32
      %dma_start3A_471 = arith.constant 0 : i32
      %dma_start3A_472 = tpu.memref_slice %arg3[%add3A, %min3A_459, %dma_start3A_470, %dma_start3A_471] : memref<32x135x3x128xi32, #tpu.memory_space<hbm>> -> memref<1x1x3x128xi32, #tpu.memory_space<hbm>>
      %dma_start3A_473 = tpu.memref_squeeze %dma_start3A_472 : memref<1x1x3x128xi32, #tpu.memory_space<hbm>> -> memref<3x128xi32, #tpu.memory_space<hbm>>
      tpu.enqueue_dma source(%dma_start3A_473 : memref<3x128xi32, #tpu.memory_space<hbm>>) target(%dma_start3A_469 : memref<3x128xi32, #tpu.memory_space<vmem>>) target_semaphore(%arg12 : memref<!tpu.dma_semaphore, #tpu.memory_space<semaphore_mem>>)
      %mul3A_474 = arith.constant 3 : i32
      %mul3A_475 = arith.muli %mul3A_474, %while3A_237 : i32
      %add3A_476 = arith.constant 2 : i32
      %add3A_477 = arith.addi %mul3A_475, %add3A_476 : i32
      %ge3A_478 = arith.constant 2 : i32
      %ge3A_479 = arith.cmpi sge, %add3A_477, %ge3A_478 : i32
      %convert_element_type3A_480 = arith.extui %ge3A_479 : i1 to i32
      %cond3A_481 = arith.constant 0 : i32
      %cond3A_482 = arith.cmpi ne, %convert_element_type3A_480, %cond3A_481 : i32
      scf.if %cond3A_482 {
        %dma_wait3A_594 = arith.constant 0 : i32
        %dma_wait3A_595 = arith.constant 0 : i32
        %dma_wait3A_596 = tpu.memref_slice %arg7[%dma_wait3A_594, %dma_wait3A_595] : memref<96x128xf32, #tpu.memory_space<vmem>> -> memref<16x128xf32, #tpu.memory_space<vmem>>
        %dma_wait3A_597 = arith.constant 0 : i32
        %dma_wait3A_598 = arith.constant 0 : i32
        %dma_wait3A_599 = tpu.memref_slice %arg10[%dma_wait3A_597, %dma_wait3A_598] : memref<10752x128xf32, #tpu.memory_space<vmem_shared>> -> memref<10752x128xf32, #tpu.memory_space<vmem_shared>>
        tpu.wait_indirect_dma semaphore(%arg17 : memref<!tpu.dma_semaphore, #tpu.memory_space<semaphore_mem>>) src(%dma_wait3A_596 : memref<16x128xf32, #tpu.memory_space<vmem>>) dst(%dma_wait3A_599 : memref<10752x128xf32, #tpu.memory_space<vmem_shared>>)
        %dma_wait3A_600 = arith.constant 16 : i32
        %dma_wait3A_601 = arith.constant 0 : i32
        %dma_wait3A_602 = tpu.memref_slice %arg7[%dma_wait3A_600, %dma_wait3A_601] : memref<96x128xf32, #tpu.memory_space<vmem>> -> memref<16x128xf32, #tpu.memory_space<vmem>>
        %dma_wait3A_603 = arith.constant 0 : i32
        %dma_wait3A_604 = arith.constant 0 : i32
        %dma_wait3A_605 = tpu.memref_slice %arg10[%dma_wait3A_603, %dma_wait3A_604] : memref<10752x128xf32, #tpu.memory_space<vmem_shared>> -> memref<10752x128xf32, #tpu.memory_space<vmem_shared>>
        tpu.wait_indirect_dma semaphore(%arg17 : memref<!tpu.dma_semaphore, #tpu.memory_space<semaphore_mem>>) src(%dma_wait3A_602 : memref<16x128xf32, #tpu.memory_space<vmem>>) dst(%dma_wait3A_605 : memref<10752x128xf32, #tpu.memory_space<vmem_shared>>)
        %dma_wait3A_606 = arith.constant 32 : i32
        %dma_wait3A_607 = arith.constant 0 : i32
        %dma_wait3A_608 = tpu.memref_slice %arg7[%dma_wait3A_606, %dma_wait3A_607] : memref<96x128xf32, #tpu.memory_space<vmem>> -> memref<16x128xf32, #tpu.memory_space<vmem>>
        %dma_wait3A_609 = arith.constant 0 : i32
        %dma_wait3A_610 = arith.constant 0 : i32
        %dma_wait3A_611 = tpu.memref_slice %arg10[%dma_wait3A_609, %dma_wait3A_610] : memref<10752x128xf32, #tpu.memory_space<vmem_shared>> -> memref<10752x128xf32, #tpu.memory_space<vmem_shared>>
        tpu.wait_indirect_dma semaphore(%arg17 : memref<!tpu.dma_semaphore, #tpu.memory_space<semaphore_mem>>) src(%dma_wait3A_608 : memref<16x128xf32, #tpu.memory_space<vmem>>) dst(%dma_wait3A_611 : memref<10752x128xf32, #tpu.memory_space<vmem_shared>>)
        %dma_wait3A_612 = arith.constant 48 : i32
        %dma_wait3A_613 = arith.constant 0 : i32
        %dma_wait3A_614 = tpu.memref_slice %arg7[%dma_wait3A_612, %dma_wait3A_613] : memref<96x128xf32, #tpu.memory_space<vmem>> -> memref<16x128xf32, #tpu.memory_space<vmem>>
        %dma_wait3A_615 = arith.constant 0 : i32
        %dma_wait3A_616 = arith.constant 0 : i32
        %dma_wait3A_617 = tpu.memref_slice %arg10[%dma_wait3A_615, %dma_wait3A_616] : memref<10752x128xf32, #tpu.memory_space<vmem_shared>> -> memref<10752x128xf32, #tpu.memory_space<vmem_shared>>
        tpu.wait_indirect_dma semaphore(%arg17 : memref<!tpu.dma_semaphore, #tpu.memory_space<semaphore_mem>>) src(%dma_wait3A_614 : memref<16x128xf32, #tpu.memory_space<vmem>>) dst(%dma_wait3A_617 : memref<10752x128xf32, #tpu.memory_space<vmem_shared>>)
        %dma_wait3A_618 = arith.constant 64 : i32
        %dma_wait3A_619 = arith.constant 0 : i32
        %dma_wait3A_620 = tpu.memref_slice %arg7[%dma_wait3A_618, %dma_wait3A_619] : memref<96x128xf32, #tpu.memory_space<vmem>> -> memref<16x128xf32, #tpu.memory_space<vmem>>
        %dma_wait3A_621 = arith.constant 0 : i32
        %dma_wait3A_622 = arith.constant 0 : i32
        %dma_wait3A_623 = tpu.memref_slice %arg10[%dma_wait3A_621, %dma_wait3A_622] : memref<10752x128xf32, #tpu.memory_space<vmem_shared>> -> memref<10752x128xf32, #tpu.memory_space<vmem_shared>>
        tpu.wait_indirect_dma semaphore(%arg17 : memref<!tpu.dma_semaphore, #tpu.memory_space<semaphore_mem>>) src(%dma_wait3A_620 : memref<16x128xf32, #tpu.memory_space<vmem>>) dst(%dma_wait3A_623 : memref<10752x128xf32, #tpu.memory_space<vmem_shared>>)
        %dma_wait3A_624 = arith.constant 80 : i32
        %dma_wait3A_625 = arith.constant 0 : i32
        %dma_wait3A_626 = tpu.memref_slice %arg7[%dma_wait3A_624, %dma_wait3A_625] : memref<96x128xf32, #tpu.memory_space<vmem>> -> memref<16x128xf32, #tpu.memory_space<vmem>>
        %dma_wait3A_627 = arith.constant 0 : i32
        %dma_wait3A_628 = arith.constant 0 : i32
        %dma_wait3A_629 = tpu.memref_slice %arg10[%dma_wait3A_627, %dma_wait3A_628] : memref<10752x128xf32, #tpu.memory_space<vmem_shared>> -> memref<10752x128xf32, #tpu.memory_space<vmem_shared>>
        tpu.wait_indirect_dma semaphore(%arg17 : memref<!tpu.dma_semaphore, #tpu.memory_space<semaphore_mem>>) src(%dma_wait3A_626 : memref<16x128xf32, #tpu.memory_space<vmem>>) dst(%dma_wait3A_629 : memref<10752x128xf32, #tpu.memory_space<vmem_shared>>)
      } else {
      }
      %dma_wait3A_483 = arith.constant 0 : i32
      %dma_wait3A_484 = arith.constant 0 : i32
      %dma_wait3A_485 = arith.constant 0 : i32
      %dma_wait3A_486 = tpu.memref_slice %arg6[%dma_wait3A_484, %dma_wait3A_485] : memref<9x128xi32, #tpu.memory_space<vmem>> -> memref<3x128xi32, #tpu.memory_space<vmem>>
      %dma_wait3A_487 = arith.constant 0 : i32
      %dma_wait3A_488 = arith.constant 0 : i32
      %dma_wait3A_489 = tpu.memref_slice %arg3[%add3A, %dma_wait3A_483, %dma_wait3A_487, %dma_wait3A_488] : memref<32x135x3x128xi32, #tpu.memory_space<hbm>> -> memref<1x1x3x128xi32, #tpu.memory_space<hbm>>
      %dma_wait3A_490 = tpu.memref_squeeze %dma_wait3A_489 : memref<1x1x3x128xi32, #tpu.memory_space<hbm>> -> memref<3x128xi32, #tpu.memory_space<hbm>>
      %dma_wait3A_491 = arith.constant 0 : i32
      %dma_wait3A_492 = arith.constant 0 : i32
      %dma_wait3A_493 = tpu.memref_slice %arg6[%dma_wait3A_491, %dma_wait3A_492] : memref<9x128xi32, #tpu.memory_space<vmem>> -> memref<3x128xi32, #tpu.memory_space<vmem>>
      %dma_wait3A_494 = arith.constant 0 : i32
      %dma_wait3A_495 = arith.constant 0 : i32
      %dma_wait3A_496 = tpu.memref_slice %arg3[%add3A, %dma_wait3A_483, %dma_wait3A_494, %dma_wait3A_495] : memref<32x135x3x128xi32, #tpu.memory_space<hbm>> -> memref<1x1x3x128xi32, #tpu.memory_space<hbm>>
      %dma_wait3A_497 = tpu.memref_squeeze %dma_wait3A_496 : memref<1x1x3x128xi32, #tpu.memory_space<hbm>> -> memref<3x128xi32, #tpu.memory_space<hbm>>
      tpu.wait_dma2 semaphore(%arg11 : memref<!tpu.dma_semaphore, #tpu.memory_space<semaphore_mem>>) src(%dma_wait3A_497 : memref<3x128xi32, #tpu.memory_space<hbm>>) dst(%dma_wait3A_493 : memref<3x128xi32, #tpu.memory_space<vmem>>)
      %dma_start3A_498 = arith.constant 0 : i32
      %dma_start3A_499 = arith.constant 0 : i32
      %dma_start3A_500 = tpu.memref_slice %arg6[%dma_start3A_498, %dma_start3A_499] : memref<9x128xi32, #tpu.memory_space<vmem>> -> memref<1x96xi32, #tpu.memory_space<vmem>>
      %dma_start3A_501 = tpu.memref_squeeze %dma_start3A_500 : memref<1x96xi32, #tpu.memory_space<vmem>> -> memref<96xi32, #tpu.memory_space<vmem>>
      %dma_start3A_502 = arith.constant 0 : i32
      %dma_start3A_503 = arith.constant 0 : i32
      %dma_start3A_504 = tpu.memref_slice %arg2[%dma_start3A_502, %dma_start3A_503] : memref<10000x128xf32, #tpu.memory_space<hbm>> -> memref<10000x128xf32, #tpu.memory_space<hbm>>
      tpu.enqueue_indirect_dma source(%dma_start3A_504 : memref<10000x128xf32, #tpu.memory_space<hbm>>) target(%arg7 : memref<96x128xf32, #tpu.memory_space<vmem>>) offsets(%dma_start3A_501 : memref<96xi32, #tpu.memory_space<vmem>>) semaphore(%arg14 : memref<!tpu.dma_semaphore, #tpu.memory_space<semaphore_mem>>)
      %dma_wait3A_505 = arith.constant 0 : i32
      %dma_wait3A_506 = arith.constant 0 : i32
      %dma_wait3A_507 = tpu.memref_slice %arg6[%dma_wait3A_505, %dma_wait3A_506] : memref<9x128xi32, #tpu.memory_space<vmem>> -> memref<1x96xi32, #tpu.memory_space<vmem>>
      %dma_wait3A_508 = tpu.memref_squeeze %dma_wait3A_507 : memref<1x96xi32, #tpu.memory_space<vmem>> -> memref<96xi32, #tpu.memory_space<vmem>>
      %dma_wait3A_509 = arith.constant 0 : i32
      %dma_wait3A_510 = arith.constant 0 : i32
      %dma_wait3A_511 = tpu.memref_slice %arg2[%dma_wait3A_509, %dma_wait3A_510] : memref<10000x128xf32, #tpu.memory_space<hbm>> -> memref<10000x128xf32, #tpu.memory_space<hbm>>
      tpu.wait_indirect_dma semaphore(%arg16 : memref<!tpu.dma_semaphore, #tpu.memory_space<semaphore_mem>>) src(%dma_wait3A_511 : memref<10000x128xf32, #tpu.memory_space<hbm>>) dst(%arg9 : memref<96x128xf32, #tpu.memory_space<vmem>>)
      %broadcast_in_dim3A_512 = arith.constant 8 : i32
      %broadcast_in_dim3A_513 = vector.broadcast %broadcast_in_dim3A_512 : i32 to vector<16xi32>
      %parallel_loop3A_514 = arith.constant 0 : i32
      %parallel_loop3A_515 = arith.constant 96 : i32
      %parallel_loop3A_516 = arith.constant 1 : i32
      scf.for %parallel_loop3A_594 = %parallel_loop3A_514 to %parallel_loop3A_515 step %parallel_loop3A_516  : i32 {
        %parallel_loop3A_595 = vector.broadcast %parallel_loop3A_594 : i32 to vector<16xi32>
        %parallel_loop3A_596 = tpu.vector_load_idx %arg6[%broadcast_in_dim3A_513, %parallel_loop3A_595] : memref<9x128xi32, #tpu.memory_space<vmem>>[vector<16xi32>, vector<16xi32>], vector<16xi32>,
        %parallel_loop3A_597 = vector.bitcast %parallel_loop3A_596 : vector<16xi32> to vector<16xf32>
        %parallel_loop3A_598 = arith.index_cast %parallel_loop3A_594 : i32 to index
        %parallel_loop3A_599 = arith.constant 0 : index
        %parallel_loop3A_600 = tpu.vector_load %arg9[%parallel_loop3A_598, %parallel_loop3A_599] {strides = array<i32>} : memref<96x128xf32, #tpu.memory_space<vmem>>, vector<16xf32>,
        %parallel_loop3A_601 = arith.mulf %parallel_loop3A_600, %parallel_loop3A_597 : vector<16xf32>
        %parallel_loop3A_602 = arith.index_cast %parallel_loop3A_594 : i32 to index
        %parallel_loop3A_603 = arith.constant 0 : index
        %parallel_loop3A_604 = tpu.vector_load %arg9[%parallel_loop3A_602, %parallel_loop3A_603] {strides = array<i32>} : memref<96x128xf32, #tpu.memory_space<vmem>>, vector<16xf32>,
        tpu.vector_store %arg9[%parallel_loop3A_602, %parallel_loop3A_603], %parallel_loop3A_601 {strides = array<i32>} : memref<96x128xf32, #tpu.memory_space<vmem>>, vector<16xf32>,
        %parallel_loop3A_605 = arith.index_cast %parallel_loop3A_594 : i32 to index
        %parallel_loop3A_606 = arith.constant 16 : index
        %parallel_loop3A_607 = tpu.vector_load %arg9[%parallel_loop3A_605, %parallel_loop3A_606] {strides = array<i32>} : memref<96x128xf32, #tpu.memory_space<vmem>>, vector<16xf32>,
        %parallel_loop3A_608 = arith.mulf %parallel_loop3A_607, %parallel_loop3A_597 : vector<16xf32>
        %parallel_loop3A_609 = arith.index_cast %parallel_loop3A_594 : i32 to index
        %parallel_loop3A_610 = arith.constant 16 : index
        %parallel_loop3A_611 = tpu.vector_load %arg9[%parallel_loop3A_609, %parallel_loop3A_610] {strides = array<i32>} : memref<96x128xf32, #tpu.memory_space<vmem>>, vector<16xf32>,
        tpu.vector_store %arg9[%parallel_loop3A_609, %parallel_loop3A_610], %parallel_loop3A_608 {strides = array<i32>} : memref<96x128xf32, #tpu.memory_space<vmem>>, vector<16xf32>,
        %parallel_loop3A_612 = arith.index_cast %parallel_loop3A_594 : i32 to index
        %parallel_loop3A_613 = arith.constant 32 : index
        %parallel_loop3A_614 = tpu.vector_load %arg9[%parallel_loop3A_612, %parallel_loop3A_613] {strides = array<i32>} : memref<96x128xf32, #tpu.memory_space<vmem>>, vector<16xf32>,
        %parallel_loop3A_615 = arith.mulf %parallel_loop3A_614, %parallel_loop3A_597 : vector<16xf32>
        %parallel_loop3A_616 = arith.index_cast %parallel_loop3A_594 : i32 to index
        %parallel_loop3A_617 = arith.constant 32 : index
        %parallel_loop3A_618 = tpu.vector_load %arg9[%parallel_loop3A_616, %parallel_loop3A_617] {strides = array<i32>} : memref<96x128xf32, #tpu.memory_space<vmem>>, vector<16xf32>,
        tpu.vector_store %arg9[%parallel_loop3A_616, %parallel_loop3A_617], %parallel_loop3A_615 {strides = array<i32>} : memref<96x128xf32, #tpu.memory_space<vmem>>, vector<16xf32>,
        %parallel_loop3A_619 = arith.index_cast %parallel_loop3A_594 : i32 to index
        %parallel_loop3A_620 = arith.constant 48 : index
        %parallel_loop3A_621 = tpu.vector_load %arg9[%parallel_loop3A_619, %parallel_loop3A_620] {strides = array<i32>} : memref<96x128xf32, #tpu.memory_space<vmem>>, vector<16xf32>,
        %parallel_loop3A_622 = arith.mulf %parallel_loop3A_621, %parallel_loop3A_597 : vector<16xf32>
        %parallel_loop3A_623 = arith.index_cast %parallel_loop3A_594 : i32 to index
        %parallel_loop3A_624 = arith.constant 48 : index
        %parallel_loop3A_625 = tpu.vector_load %arg9[%parallel_loop3A_623, %parallel_loop3A_624] {strides = array<i32>} : memref<96x128xf32, #tpu.memory_space<vmem>>, vector<16xf32>,
        tpu.vector_store %arg9[%parallel_loop3A_623, %parallel_loop3A_624], %parallel_loop3A_622 {strides = array<i32>} : memref<96x128xf32, #tpu.memory_space<vmem>>, vector<16xf32>,
        %parallel_loop3A_626 = arith.index_cast %parallel_loop3A_594 : i32 to index
        %parallel_loop3A_627 = arith.constant 64 : index
        %parallel_loop3A_628 = tpu.vector_load %arg9[%parallel_loop3A_626, %parallel_loop3A_627] {strides = array<i32>} : memref<96x128xf32, #tpu.memory_space<vmem>>, vector<16xf32>,
        %parallel_loop3A_629 = arith.mulf %parallel_loop3A_628, %parallel_loop3A_597 : vector<16xf32>
        %parallel_loop3A_630 = arith.index_cast %parallel_loop3A_594 : i32 to index
        %parallel_loop3A_631 = arith.constant 64 : index
        %parallel_loop3A_632 = tpu.vector_load %arg9[%parallel_loop3A_630, %parallel_loop3A_631] {strides = array<i32>} : memref<96x128xf32, #tpu.memory_space<vmem>>, vector<16xf32>,
        tpu.vector_store %arg9[%parallel_loop3A_630, %parallel_loop3A_631], %parallel_loop3A_629 {strides = array<i32>} : memref<96x128xf32, #tpu.memory_space<vmem>>, vector<16xf32>,
        %parallel_loop3A_633 = arith.index_cast %parallel_loop3A_594 : i32 to index
        %parallel_loop3A_634 = arith.constant 80 : index
        %parallel_loop3A_635 = tpu.vector_load %arg9[%parallel_loop3A_633, %parallel_loop3A_634] {strides = array<i32>} : memref<96x128xf32, #tpu.memory_space<vmem>>, vector<16xf32>,
        %parallel_loop3A_636 = arith.mulf %parallel_loop3A_635, %parallel_loop3A_597 : vector<16xf32>
        %parallel_loop3A_637 = arith.index_cast %parallel_loop3A_594 : i32 to index
        %parallel_loop3A_638 = arith.constant 80 : index
        %parallel_loop3A_639 = tpu.vector_load %arg9[%parallel_loop3A_637, %parallel_loop3A_638] {strides = array<i32>} : memref<96x128xf32, #tpu.memory_space<vmem>>, vector<16xf32>,
        tpu.vector_store %arg9[%parallel_loop3A_637, %parallel_loop3A_638], %parallel_loop3A_636 {strides = array<i32>} : memref<96x128xf32, #tpu.memory_space<vmem>>, vector<16xf32>,
        %parallel_loop3A_640 = arith.index_cast %parallel_loop3A_594 : i32 to index
        %parallel_loop3A_641 = arith.constant 96 : index
        %parallel_loop3A_642 = tpu.vector_load %arg9[%parallel_loop3A_640, %parallel_loop3A_641] {strides = array<i32>} : memref<96x128xf32, #tpu.memory_space<vmem>>, vector<16xf32>,
        %parallel_loop3A_643 = arith.mulf %parallel_loop3A_642, %parallel_loop3A_597 : vector<16xf32>
        %parallel_loop3A_644 = arith.index_cast %parallel_loop3A_594 : i32 to index
        %parallel_loop3A_645 = arith.constant 96 : index
        %parallel_loop3A_646 = tpu.vector_load %arg9[%parallel_loop3A_644, %parallel_loop3A_645] {strides = array<i32>} : memref<96x128xf32, #tpu.memory_space<vmem>>, vector<16xf32>,
        tpu.vector_store %arg9[%parallel_loop3A_644, %parallel_loop3A_645], %parallel_loop3A_643 {strides = array<i32>} : memref<96x128xf32, #tpu.memory_space<vmem>>, vector<16xf32>,
        %parallel_loop3A_647 = arith.index_cast %parallel_loop3A_594 : i32 to index
        %parallel_loop3A_648 = arith.constant 112 : index
        %parallel_loop3A_649 = tpu.vector_load %arg9[%parallel_loop3A_647, %parallel_loop3A_648] {strides = array<i32>} : memref<96x128xf32, #tpu.memory_space<vmem>>, vector<16xf32>,
        %parallel_loop3A_650 = arith.mulf %parallel_loop3A_649, %parallel_loop3A_597 : vector<16xf32>
        %parallel_loop3A_651 = arith.index_cast %parallel_loop3A_594 : i32 to index
        %parallel_loop3A_652 = arith.constant 112 : index
        %parallel_loop3A_653 = tpu.vector_load %arg9[%parallel_loop3A_651, %parallel_loop3A_652] {strides = array<i32>} : memref<96x128xf32, #tpu.memory_space<vmem>>, vector<16xf32>,
        tpu.vector_store %arg9[%parallel_loop3A_651, %parallel_loop3A_652], %parallel_loop3A_650 {strides = array<i32>} : memref<96x128xf32, #tpu.memory_space<vmem>>, vector<16xf32>,
      } {sc.loop_unroll_factor = 4 : i64, sc.parallel_access}
      %get3A_517 = arith.constant 7 : i32
      %get3A_518 = arith.index_cast %get3A_517 : i32 to index
      %get3A_519 = arith.constant 0 : index
      %get3A_520 = tpu.vector_load %arg6[%get3A_518, %get3A_519] {strides = array<i32>} : memref<9x128xi32, #tpu.memory_space<vmem>>, vector<16xi32>,
      %dma_start3A_521 = arith.constant 0 : i32
      %dma_start3A_522 = arith.constant 0 : i32
      %dma_start3A_523 = tpu.memref_slice %arg9[%dma_start3A_521, %dma_start3A_522] : memref<96x128xf32, #tpu.memory_space<vmem>> -> memref<16x128xf32, #tpu.memory_space<vmem>>
      %dma_start3A_524 = arith.constant 0 : i32
      %dma_start3A_525 = arith.constant 0 : i32
      %dma_start3A_526 = tpu.memref_slice %arg10[%dma_start3A_524, %dma_start3A_525] : memref<10752x128xf32, #tpu.memory_space<vmem_shared>> -> memref<10752x128xf32, #tpu.memory_space<vmem_shared>>
      tpu.enqueue_indirect_dma source(%dma_start3A_523 : memref<16x128xf32, #tpu.memory_space<vmem>>) target(%dma_start3A_526 : memref<10752x128xf32, #tpu.memory_space<vmem_shared>>) offsets(%get3A_520 : vector<16xi32>) semaphore(%arg19 : memref<!tpu.dma_semaphore, #tpu.memory_space<semaphore_mem>>) {add = true}
      %get3A_527 = arith.constant 7 : i32
      %get3A_528 = arith.index_cast %get3A_527 : i32 to index
      %get3A_529 = arith.constant 16 : index
      %get3A_530 = tpu.vector_load %arg6[%get3A_528, %get3A_529] {strides = array<i32>} : memref<9x128xi32, #tpu.memory_space<vmem>>, vector<16xi32>,
      %dma_start3A_531 = arith.constant 16 : i32
      %dma_start3A_532 = arith.constant 0 : i32
      %dma_start3A_533 = tpu.memref_slice %arg9[%dma_start3A_531, %dma_start3A_532] : memref<96x128xf32, #tpu.memory_space<vmem>> -> memref<16x128xf32, #tpu.memory_space<vmem>>
      %dma_start3A_534 = arith.constant 0 : i32
      %dma_start3A_535 = arith.constant 0 : i32
      %dma_start3A_536 = tpu.memref_slice %arg10[%dma_start3A_534, %dma_start3A_535] : memref<10752x128xf32, #tpu.memory_space<vmem_shared>> -> memref<10752x128xf32, #tpu.memory_space<vmem_shared>>
      tpu.enqueue_indirect_dma source(%dma_start3A_533 : memref<16x128xf32, #tpu.memory_space<vmem>>) target(%dma_start3A_536 : memref<10752x128xf32, #tpu.memory_space<vmem_shared>>) offsets(%get3A_530 : vector<16xi32>) semaphore(%arg19 : memref<!tpu.dma_semaphore, #tpu.memory_space<semaphore_mem>>) {add = true}
      %get3A_537 = arith.constant 7 : i32
      %get3A_538 = arith.index_cast %get3A_537 : i32 to index
      %get3A_539 = arith.constant 32 : index
      %get3A_540 = tpu.vector_load %arg6[%get3A_538, %get3A_539] {strides = array<i32>} : memref<9x128xi32, #tpu.memory_space<vmem>>, vector<16xi32>,
      %dma_start3A_541 = arith.constant 32 : i32
      %dma_start3A_542 = arith.constant 0 : i32
      %dma_start3A_543 = tpu.memref_slice %arg9[%dma_start3A_541, %dma_start3A_542] : memref<96x128xf32, #tpu.memory_space<vmem>> -> memref<16x128xf32, #tpu.memory_space<vmem>>
      %dma_start3A_544 = arith.constant 0 : i32
      %dma_start3A_545 = arith.constant 0 : i32
      %dma_start3A_546 = tpu.memref_slice %arg10[%dma_start3A_544, %dma_start3A_545] : memref<10752x128xf32, #tpu.memory_space<vmem_shared>> -> memref<10752x128xf32, #tpu.memory_space<vmem_shared>>
      tpu.enqueue_indirect_dma source(%dma_start3A_543 : memref<16x128xf32, #tpu.memory_space<vmem>>) target(%dma_start3A_546 : memref<10752x128xf32, #tpu.memory_space<vmem_shared>>) offsets(%get3A_540 : vector<16xi32>) semaphore(%arg19 : memref<!tpu.dma_semaphore, #tpu.memory_space<semaphore_mem>>) {add = true}
      %get3A_547 = arith.constant 7 : i32
      %get3A_548 = arith.index_cast %get3A_547 : i32 to index
      %get3A_549 = arith.constant 48 : index
      %get3A_550 = tpu.vector_load %arg6[%get3A_548, %get3A_549] {strides = array<i32>} : memref<9x128xi32, #tpu.memory_space<vmem>>, vector<16xi32>,
      %dma_start3A_551 = arith.constant 48 : i32
      %dma_start3A_552 = arith.constant 0 : i32
      %dma_start3A_553 = tpu.memref_slice %arg9[%dma_start3A_551, %dma_start3A_552] : memref<96x128xf32, #tpu.memory_space<vmem>> -> memref<16x128xf32, #tpu.memory_space<vmem>>
      %dma_start3A_554 = arith.constant 0 : i32
      %dma_start3A_555 = arith.constant 0 : i32
      %dma_start3A_556 = tpu.memref_slice %arg10[%dma_start3A_554, %dma_start3A_555] : memref<10752x128xf32, #tpu.memory_space<vmem_shared>> -> memref<10752x128xf32, #tpu.memory_space<vmem_shared>>
      tpu.enqueue_indirect_dma source(%dma_start3A_553 : memref<16x128xf32, #tpu.memory_space<vmem>>) target(%dma_start3A_556 : memref<10752x128xf32, #tpu.memory_space<vmem_shared>>) offsets(%get3A_550 : vector<16xi32>) semaphore(%arg19 : memref<!tpu.dma_semaphore, #tpu.memory_space<semaphore_mem>>) {add = true}
      %get3A_557 = arith.constant 7 : i32
      %get3A_558 = arith.index_cast %get3A_557 : i32 to index
      %get3A_559 = arith.constant 64 : index
      %get3A_560 = tpu.vector_load %arg6[%get3A_558, %get3A_559] {strides = array<i32>} : memref<9x128xi32, #tpu.memory_space<vmem>>, vector<16xi32>,
      %dma_start3A_561 = arith.constant 64 : i32
      %dma_start3A_562 = arith.constant 0 : i32
      %dma_start3A_563 = tpu.memref_slice %arg9[%dma_start3A_561, %dma_start3A_562] : memref<96x128xf32, #tpu.memory_space<vmem>> -> memref<16x128xf32, #tpu.memory_space<vmem>>
      %dma_start3A_564 = arith.constant 0 : i32
      %dma_start3A_565 = arith.constant 0 : i32
      %dma_start3A_566 = tpu.memref_slice %arg10[%dma_start3A_564, %dma_start3A_565] : memref<10752x128xf32, #tpu.memory_space<vmem_shared>> -> memref<10752x128xf32, #tpu.memory_space<vmem_shared>>
      tpu.enqueue_indirect_dma source(%dma_start3A_563 : memref<16x128xf32, #tpu.memory_space<vmem>>) target(%dma_start3A_566 : memref<10752x128xf32, #tpu.memory_space<vmem_shared>>) offsets(%get3A_560 : vector<16xi32>) semaphore(%arg19 : memref<!tpu.dma_semaphore, #tpu.memory_space<semaphore_mem>>) {add = true}
      %get3A_567 = arith.constant 7 : i32
      %get3A_568 = arith.index_cast %get3A_567 : i32 to index
      %get3A_569 = arith.constant 80 : index
      %get3A_570 = tpu.vector_load %arg6[%get3A_568, %get3A_569] {strides = array<i32>} : memref<9x128xi32, #tpu.memory_space<vmem>>, vector<16xi32>,
      %dma_start3A_571 = arith.constant 80 : i32
      %dma_start3A_572 = arith.constant 0 : i32
      %dma_start3A_573 = tpu.memref_slice %arg9[%dma_start3A_571, %dma_start3A_572] : memref<96x128xf32, #tpu.memory_space<vmem>> -> memref<16x128xf32, #tpu.memory_space<vmem>>
      %dma_start3A_574 = arith.constant 0 : i32
      %dma_start3A_575 = arith.constant 0 : i32
      %dma_start3A_576 = tpu.memref_slice %arg10[%dma_start3A_574, %dma_start3A_575] : memref<10752x128xf32, #tpu.memory_space<vmem_shared>> -> memref<10752x128xf32, #tpu.memory_space<vmem_shared>>
      tpu.enqueue_indirect_dma source(%dma_start3A_573 : memref<16x128xf32, #tpu.memory_space<vmem>>) target(%dma_start3A_576 : memref<10752x128xf32, #tpu.memory_space<vmem_shared>>) offsets(%get3A_570 : vector<16xi32>) semaphore(%arg19 : memref<!tpu.dma_semaphore, #tpu.memory_space<semaphore_mem>>) {add = true}
      %add3A_577 = arith.constant 3 : i32
      %add3A_578 = arith.addi %add3A_477, %add3A_577 : i32
      %min3A_579 = arith.minsi %add3A_578, %sub3A_3 : i32
      %dma_start3A_580 = arith.constant 6 : i32
      %dma_start3A_581 = arith.constant 0 : i32
      %dma_start3A_582 = tpu.memref_slice %arg6[%dma_start3A_580, %dma_start3A_581] : memref<9x128xi32, #tpu.memory_space<vmem>> -> memref<3x128xi32, #tpu.memory_space<vmem>>
      %dma_start3A_583 = arith.constant 0 : i32
      %dma_start3A_584 = arith.constant 0 : i32
      %dma_start3A_585 = tpu.memref_slice %arg3[%add3A, %min3A_579, %dma_start3A_583, %dma_start3A_584] : memref<32x135x3x128xi32, #tpu.memory_space<hbm>> -> memref<1x1x3x128xi32, #tpu.memory_space<hbm>>
      %dma_start3A_586 = tpu.memref_squeeze %dma_start3A_585 : memref<1x1x3x128xi32, #tpu.memory_space<hbm>> -> memref<3x128xi32, #tpu.memory_space<hbm>>
      %dma_start3A_587 = arith.constant 6 : i32
      %dma_start3A_588 = arith.constant 0 : i32
      %dma_start3A_589 = tpu.memref_slice %arg6[%dma_start3A_587, %dma_start3A_588] : memref<9x128xi32, #tpu.memory_space<vmem>> -> memref<3x128xi32, #tpu.memory_space<vmem>>
      %dma_start3A_590 = arith.constant 0 : i32
      %dma_start3A_591 = arith.constant 0 : i32
      %dma_start3A_592 = tpu.memref_slice %arg3[%add3A, %min3A_579, %dma_start3A_590, %dma_start3A_591] : memref<32x135x3x128xi32, #tpu.memory_space<hbm>> -> memref<1x1x3x128xi32, #tpu.memory_space<hbm>>
      %dma_start3A_593 = tpu.memref_squeeze %dma_start3A_592 : memref<1x1x3x128xi32, #tpu.memory_space<hbm>> -> memref<3x128xi32, #tpu.memory_space<hbm>>
      tpu.enqueue_dma source(%dma_start3A_593 : memref<3x128xi32, #tpu.memory_space<hbm>>) target(%dma_start3A_589 : memref<3x128xi32, #tpu.memory_space<vmem>>) target_semaphore(%arg13 : memref<!tpu.dma_semaphore, #tpu.memory_space<semaphore_mem>>)
    }
    %dma_wait3A_119 = arith.constant 0 : i32
    %dma_wait3A_120 = arith.constant 0 : i32
    %dma_wait3A_121 = tpu.memref_slice %arg8[%dma_wait3A_119, %dma_wait3A_120] : memref<96x128xf32, #tpu.memory_space<vmem>> -> memref<16x128xf32, #tpu.memory_space<vmem>>
    %dma_wait3A_122 = arith.constant 0 : i32
    %dma_wait3A_123 = arith.constant 0 : i32
    %dma_wait3A_124 = tpu.memref_slice %arg10[%dma_wait3A_122, %dma_wait3A_123] : memref<10752x128xf32, #tpu.memory_space<vmem_shared>> -> memref<10752x128xf32, #tpu.memory_space<vmem_shared>>
    tpu.wait_indirect_dma semaphore(%arg18 : memref<!tpu.dma_semaphore, #tpu.memory_space<semaphore_mem>>) src(%dma_wait3A_121 : memref<16x128xf32, #tpu.memory_space<vmem>>) dst(%dma_wait3A_124 : memref<10752x128xf32, #tpu.memory_space<vmem_shared>>)
    %dma_wait3A_125 = arith.constant 16 : i32
    %dma_wait3A_126 = arith.constant 0 : i32
    %dma_wait3A_127 = tpu.memref_slice %arg8[%dma_wait3A_125, %dma_wait3A_126] : memref<96x128xf32, #tpu.memory_space<vmem>> -> memref<16x128xf32, #tpu.memory_space<vmem>>
    %dma_wait3A_128 = arith.constant 0 : i32
    %dma_wait3A_129 = arith.constant 0 : i32
    %dma_wait3A_130 = tpu.memref_slice %arg10[%dma_wait3A_128, %dma_wait3A_129] : memref<10752x128xf32, #tpu.memory_space<vmem_shared>> -> memref<10752x128xf32, #tpu.memory_space<vmem_shared>>
    tpu.wait_indirect_dma semaphore(%arg18 : memref<!tpu.dma_semaphore, #tpu.memory_space<semaphore_mem>>) src(%dma_wait3A_127 : memref<16x128xf32, #tpu.memory_space<vmem>>) dst(%dma_wait3A_130 : memref<10752x128xf32, #tpu.memory_space<vmem_shared>>)
    %dma_wait3A_131 = arith.constant 32 : i32
    %dma_wait3A_132 = arith.constant 0 : i32
    %dma_wait3A_133 = tpu.memref_slice %arg8[%dma_wait3A_131, %dma_wait3A_132] : memref<96x128xf32, #tpu.memory_space<vmem>> -> memref<16x128xf32, #tpu.memory_space<vmem>>
    %dma_wait3A_134 = arith.constant 0 : i32
    %dma_wait3A_135 = arith.constant 0 : i32
    %dma_wait3A_136 = tpu.memref_slice %arg10[%dma_wait3A_134, %dma_wait3A_135] : memref<10752x128xf32, #tpu.memory_space<vmem_shared>> -> memref<10752x128xf32, #tpu.memory_space<vmem_shared>>
    tpu.wait_indirect_dma semaphore(%arg18 : memref<!tpu.dma_semaphore, #tpu.memory_space<semaphore_mem>>) src(%dma_wait3A_133 : memref<16x128xf32, #tpu.memory_space<vmem>>) dst(%dma_wait3A_136 : memref<10752x128xf32, #tpu.memory_space<vmem_shared>>)
    %dma_wait3A_137 = arith.constant 48 : i32
    %dma_wait3A_138 = arith.constant 0 : i32
    %dma_wait3A_139 = tpu.memref_slice %arg8[%dma_wait3A_137, %dma_wait3A_138] : memref<96x128xf32, #tpu.memory_space<vmem>> -> memref<16x128xf32, #tpu.memory_space<vmem>>
    %dma_wait3A_140 = arith.constant 0 : i32
    %dma_wait3A_141 = arith.constant 0 : i32
    %dma_wait3A_142 = tpu.memref_slice %arg10[%dma_wait3A_140, %dma_wait3A_141] : memref<10752x128xf32, #tpu.memory_space<vmem_shared>> -> memref<10752x128xf32, #tpu.memory_space<vmem_shared>>
    tpu.wait_indirect_dma semaphore(%arg18 : memref<!tpu.dma_semaphore, #tpu.memory_space<semaphore_mem>>) src(%dma_wait3A_139 : memref<16x128xf32, #tpu.memory_space<vmem>>) dst(%dma_wait3A_142 : memref<10752x128xf32, #tpu.memory_space<vmem_shared>>)
    %dma_wait3A_143 = arith.constant 64 : i32
    %dma_wait3A_144 = arith.constant 0 : i32
    %dma_wait3A_145 = tpu.memref_slice %arg8[%dma_wait3A_143, %dma_wait3A_144] : memref<96x128xf32, #tpu.memory_space<vmem>> -> memref<16x128xf32, #tpu.memory_space<vmem>>
    %dma_wait3A_146 = arith.constant 0 : i32
    %dma_wait3A_147 = arith.constant 0 : i32
    %dma_wait3A_148 = tpu.memref_slice %arg10[%dma_wait3A_146, %dma_wait3A_147] : memref<10752x128xf32, #tpu.memory_space<vmem_shared>> -> memref<10752x128xf32, #tpu.memory_space<vmem_shared>>
    tpu.wait_indirect_dma semaphore(%arg18 : memref<!tpu.dma_semaphore, #tpu.memory_space<semaphore_mem>>) src(%dma_wait3A_145 : memref<16x128xf32, #tpu.memory_space<vmem>>) dst(%dma_wait3A_148 : memref<10752x128xf32, #tpu.memory_space<vmem_shared>>)
    %dma_wait3A_149 = arith.constant 80 : i32
    %dma_wait3A_150 = arith.constant 0 : i32
    %dma_wait3A_151 = tpu.memref_slice %arg8[%dma_wait3A_149, %dma_wait3A_150] : memref<96x128xf32, #tpu.memory_space<vmem>> -> memref<16x128xf32, #tpu.memory_space<vmem>>
    %dma_wait3A_152 = arith.constant 0 : i32
    %dma_wait3A_153 = arith.constant 0 : i32
    %dma_wait3A_154 = tpu.memref_slice %arg10[%dma_wait3A_152, %dma_wait3A_153] : memref<10752x128xf32, #tpu.memory_space<vmem_shared>> -> memref<10752x128xf32, #tpu.memory_space<vmem_shared>>
    tpu.wait_indirect_dma semaphore(%arg18 : memref<!tpu.dma_semaphore, #tpu.memory_space<semaphore_mem>>) src(%dma_wait3A_151 : memref<16x128xf32, #tpu.memory_space<vmem>>) dst(%dma_wait3A_154 : memref<10752x128xf32, #tpu.memory_space<vmem_shared>>)
    %dma_wait3A_155 = arith.constant 0 : i32
    %dma_wait3A_156 = arith.constant 0 : i32
    %dma_wait3A_157 = tpu.memref_slice %arg9[%dma_wait3A_155, %dma_wait3A_156] : memref<96x128xf32, #tpu.memory_space<vmem>> -> memref<16x128xf32, #tpu.memory_space<vmem>>
    %dma_wait3A_158 = arith.constant 0 : i32
    %dma_wait3A_159 = arith.constant 0 : i32
    %dma_wait3A_160 = tpu.memref_slice %arg10[%dma_wait3A_158, %dma_wait3A_159] : memref<10752x128xf32, #tpu.memory_space<vmem_shared>> -> memref<10752x128xf32, #tpu.memory_space<vmem_shared>>
    tpu.wait_indirect_dma semaphore(%arg19 : memref<!tpu.dma_semaphore, #tpu.memory_space<semaphore_mem>>) src(%dma_wait3A_157 : memref<16x128xf32, #tpu.memory_space<vmem>>) dst(%dma_wait3A_160 : memref<10752x128xf32, #tpu.memory_space<vmem_shared>>)
    %dma_wait3A_161 = arith.constant 16 : i32
    %dma_wait3A_162 = arith.constant 0 : i32
    %dma_wait3A_163 = tpu.memref_slice %arg9[%dma_wait3A_161, %dma_wait3A_162] : memref<96x128xf32, #tpu.memory_space<vmem>> -> memref<16x128xf32, #tpu.memory_space<vmem>>
    %dma_wait3A_164 = arith.constant 0 : i32
    %dma_wait3A_165 = arith.constant 0 : i32
    %dma_wait3A_166 = tpu.memref_slice %arg10[%dma_wait3A_164, %dma_wait3A_165] : memref<10752x128xf32, #tpu.memory_space<vmem_shared>> -> memref<10752x128xf32, #tpu.memory_space<vmem_shared>>
    tpu.wait_indirect_dma semaphore(%arg19 : memref<!tpu.dma_semaphore, #tpu.memory_space<semaphore_mem>>) src(%dma_wait3A_163 : memref<16x128xf32, #tpu.memory_space<vmem>>) dst(%dma_wait3A_166 : memref<10752x128xf32, #tpu.memory_space<vmem_shared>>)
    %dma_wait3A_167 = arith.constant 32 : i32
    %dma_wait3A_168 = arith.constant 0 : i32
    %dma_wait3A_169 = tpu.memref_slice %arg9[%dma_wait3A_167, %dma_wait3A_168] : memref<96x128xf32, #tpu.memory_space<vmem>> -> memref<16x128xf32, #tpu.memory_space<vmem>>
    %dma_wait3A_170 = arith.constant 0 : i32
    %dma_wait3A_171 = arith.constant 0 : i32
    %dma_wait3A_172 = tpu.memref_slice %arg10[%dma_wait3A_170, %dma_wait3A_171] : memref<10752x128xf32, #tpu.memory_space<vmem_shared>> -> memref<10752x128xf32, #tpu.memory_space<vmem_shared>>
    tpu.wait_indirect_dma semaphore(%arg19 : memref<!tpu.dma_semaphore, #tpu.memory_space<semaphore_mem>>) src(%dma_wait3A_169 : memref<16x128xf32, #tpu.memory_space<vmem>>) dst(%dma_wait3A_172 : memref<10752x128xf32, #tpu.memory_space<vmem_shared>>)
    %dma_wait3A_173 = arith.constant 48 : i32
    %dma_wait3A_174 = arith.constant 0 : i32
    %dma_wait3A_175 = tpu.memref_slice %arg9[%dma_wait3A_173, %dma_wait3A_174] : memref<96x128xf32, #tpu.memory_space<vmem>> -> memref<16x128xf32, #tpu.memory_space<vmem>>
    %dma_wait3A_176 = arith.constant 0 : i32
    %dma_wait3A_177 = arith.constant 0 : i32
    %dma_wait3A_178 = tpu.memref_slice %arg10[%dma_wait3A_176, %dma_wait3A_177] : memref<10752x128xf32, #tpu.memory_space<vmem_shared>> -> memref<10752x128xf32, #tpu.memory_space<vmem_shared>>
    tpu.wait_indirect_dma semaphore(%arg19 : memref<!tpu.dma_semaphore, #tpu.memory_space<semaphore_mem>>) src(%dma_wait3A_175 : memref<16x128xf32, #tpu.memory_space<vmem>>) dst(%dma_wait3A_178 : memref<10752x128xf32, #tpu.memory_space<vmem_shared>>)
    %dma_wait3A_179 = arith.constant 64 : i32
    %dma_wait3A_180 = arith.constant 0 : i32
    %dma_wait3A_181 = tpu.memref_slice %arg9[%dma_wait3A_179, %dma_wait3A_180] : memref<96x128xf32, #tpu.memory_space<vmem>> -> memref<16x128xf32, #tpu.memory_space<vmem>>
    %dma_wait3A_182 = arith.constant 0 : i32
    %dma_wait3A_183 = arith.constant 0 : i32
    %dma_wait3A_184 = tpu.memref_slice %arg10[%dma_wait3A_182, %dma_wait3A_183] : memref<10752x128xf32, #tpu.memory_space<vmem_shared>> -> memref<10752x128xf32, #tpu.memory_space<vmem_shared>>
    tpu.wait_indirect_dma semaphore(%arg19 : memref<!tpu.dma_semaphore, #tpu.memory_space<semaphore_mem>>) src(%dma_wait3A_181 : memref<16x128xf32, #tpu.memory_space<vmem>>) dst(%dma_wait3A_184 : memref<10752x128xf32, #tpu.memory_space<vmem_shared>>)
    %dma_wait3A_185 = arith.constant 80 : i32
    %dma_wait3A_186 = arith.constant 0 : i32
    %dma_wait3A_187 = tpu.memref_slice %arg9[%dma_wait3A_185, %dma_wait3A_186] : memref<96x128xf32, #tpu.memory_space<vmem>> -> memref<16x128xf32, #tpu.memory_space<vmem>>
    %dma_wait3A_188 = arith.constant 0 : i32
    %dma_wait3A_189 = arith.constant 0 : i32
    %dma_wait3A_190 = tpu.memref_slice %arg10[%dma_wait3A_188, %dma_wait3A_189] : memref<10752x128xf32, #tpu.memory_space<vmem_shared>> -> memref<10752x128xf32, #tpu.memory_space<vmem_shared>>
    tpu.wait_indirect_dma semaphore(%arg19 : memref<!tpu.dma_semaphore, #tpu.memory_space<semaphore_mem>>) src(%dma_wait3A_187 : memref<16x128xf32, #tpu.memory_space<vmem>>) dst(%dma_wait3A_190 : memref<10752x128xf32, #tpu.memory_space<vmem_shared>>)
    %dma_wait3A_191 = arith.constant 0 : i32
    %dma_wait3A_192 = arith.constant 0 : i32
    %dma_wait3A_193 = tpu.memref_slice %arg6[%dma_wait3A_191, %dma_wait3A_192] : memref<9x128xi32, #tpu.memory_space<vmem>> -> memref<1x96xi32, #tpu.memory_space<vmem>>
    %dma_wait3A_194 = tpu.memref_squeeze %dma_wait3A_193 : memref<1x96xi32, #tpu.memory_space<vmem>> -> memref<96xi32, #tpu.memory_space<vmem>>
    %dma_wait3A_195 = arith.constant 0 : i32
    %dma_wait3A_196 = arith.constant 0 : i32
    %dma_wait3A_197 = tpu.memref_slice %arg2[%dma_wait3A_195, %dma_wait3A_196] : memref<10000x128xf32, #tpu.memory_space<hbm>> -> memref<10000x128xf32, #tpu.memory_space<hbm>>
    tpu.wait_indirect_dma semaphore(%arg14 : memref<!tpu.dma_semaphore, #tpu.memory_space<semaphore_mem>>) src(%dma_wait3A_197 : memref<10000x128xf32, #tpu.memory_space<hbm>>) dst(%arg7 : memref<96x128xf32, #tpu.memory_space<vmem>>)
    %dma_wait3A_198 = arith.constant 0 : i32
    %dma_wait3A_199 = arith.constant 0 : i32
    %dma_wait3A_200 = arith.constant 0 : i32
    %dma_wait3A_201 = tpu.memref_slice %arg6[%dma_wait3A_199, %dma_wait3A_200] : memref<9x128xi32, #tpu.memory_space<vmem>> -> memref<3x128xi32, #tpu.memory_space<vmem>>
    %dma_wait3A_202 = arith.constant 0 : i32
    %dma_wait3A_203 = arith.constant 0 : i32
    %dma_wait3A_204 = tpu.memref_slice %arg3[%add3A, %dma_wait3A_198, %dma_wait3A_202, %dma_wait3A_203] : memref<32x135x3x128xi32, #tpu.memory_space<hbm>> -> memref<1x1x3x128xi32, #tpu.memory_space<hbm>>
    %dma_wait3A_205 = tpu.memref_squeeze %dma_wait3A_204 : memref<1x1x3x128xi32, #tpu.memory_space<hbm>> -> memref<3x128xi32, #tpu.memory_space<hbm>>
    %dma_wait3A_206 = arith.constant 0 : i32
    %dma_wait3A_207 = arith.constant 0 : i32
    %dma_wait3A_208 = tpu.memref_slice %arg6[%dma_wait3A_206, %dma_wait3A_207] : memref<9x128xi32, #tpu.memory_space<vmem>> -> memref<3x128xi32, #tpu.memory_space<vmem>>
    %dma_wait3A_209 = arith.constant 0 : i32
    %dma_wait3A_210 = arith.constant 0 : i32
    %dma_wait3A_211 = tpu.memref_slice %arg3[%add3A, %dma_wait3A_198, %dma_wait3A_209, %dma_wait3A_210] : memref<32x135x3x128xi32, #tpu.memory_space<hbm>> -> memref<1x1x3x128xi32, #tpu.memory_space<hbm>>
    %dma_wait3A_212 = tpu.memref_squeeze %dma_wait3A_211 : memref<1x1x3x128xi32, #tpu.memory_space<hbm>> -> memref<3x128xi32, #tpu.memory_space<hbm>>
    tpu.wait_dma2 semaphore(%arg12 : memref<!tpu.dma_semaphore, #tpu.memory_space<semaphore_mem>>) src(%dma_wait3A_212 : memref<3x128xi32, #tpu.memory_space<hbm>>) dst(%dma_wait3A_208 : memref<3x128xi32, #tpu.memory_space<vmem>>)
    %dma_wait3A_213 = arith.constant 0 : i32
    %dma_wait3A_214 = arith.constant 0 : i32
    %dma_wait3A_215 = arith.constant 0 : i32
    %dma_wait3A_216 = tpu.memref_slice %arg6[%dma_wait3A_214, %dma_wait3A_215] : memref<9x128xi32, #tpu.memory_space<vmem>> -> memref<3x128xi32, #tpu.memory_space<vmem>>
    %dma_wait3A_217 = arith.constant 0 : i32
    %dma_wait3A_218 = arith.constant 0 : i32
    %dma_wait3A_219 = tpu.memref_slice %arg3[%add3A, %dma_wait3A_213, %dma_wait3A_217, %dma_wait3A_218] : memref<32x135x3x128xi32, #tpu.memory_space<hbm>> -> memref<1x1x3x128xi32, #tpu.memory_space<hbm>>
    %dma_wait3A_220 = tpu.memref_squeeze %dma_wait3A_219 : memref<1x1x3x128xi32, #tpu.memory_space<hbm>> -> memref<3x128xi32, #tpu.memory_space<hbm>>
    %dma_wait3A_221 = arith.constant 0 : i32
    %dma_wait3A_222 = arith.constant 0 : i32
    %dma_wait3A_223 = tpu.memref_slice %arg6[%dma_wait3A_221, %dma_wait3A_222] : memref<9x128xi32, #tpu.memory_space<vmem>> -> memref<3x128xi32, #tpu.memory_space<vmem>>
    %dma_wait3A_224 = arith.constant 0 : i32
    %dma_wait3A_225 = arith.constant 0 : i32
    %dma_wait3A_226 = tpu.memref_slice %arg3[%add3A, %dma_wait3A_213, %dma_wait3A_224, %dma_wait3A_225] : memref<32x135x3x128xi32, #tpu.memory_space<hbm>> -> memref<1x1x3x128xi32, #tpu.memory_space<hbm>>
    %dma_wait3A_227 = tpu.memref_squeeze %dma_wait3A_226 : memref<1x1x3x128xi32, #tpu.memory_space<hbm>> -> memref<3x128xi32, #tpu.memory_space<hbm>>
    tpu.wait_dma2 semaphore(%arg13 : memref<!tpu.dma_semaphore, #tpu.memory_space<semaphore_mem>>) src(%dma_wait3A_227 : memref<3x128xi32, #tpu.memory_space<hbm>>) dst(%dma_wait3A_223 : memref<3x128xi32, #tpu.memory_space<vmem>>)
    %barrier3A_228 = arith.constant 0 : index
    tpu.barrier barrier_id(%barrier3A_228)
    %eq3A_229 = arith.constant 0 : i32
    %eq3A_230 = arith.cmpi eq, %arg0, %eq3A_229 : i32
    %convert_element_type3A = arith.extui %eq3A_230 : i1 to i32
    %cond3A = arith.constant 0 : i32
    %cond3A_231 = arith.cmpi ne, %convert_element_type3A, %cond3A : i32
    scf.if %cond3A_231 {
      "tpu.region"() ({
        %run_scoped3A = tpu.sem_alloc : memref<!tpu.dma_semaphore, #tpu.memory_space<semaphore_mem>>
        %dma_start3A_237 = arith.constant 0 : i32
        %dma_start3A_238 = tpu.memref_slice %arg4[%mul3A_10, %dma_start3A_237] : memref<10752x128xf32, #tpu.memory_space<hbm>> -> memref<672x128xf32, #tpu.memory_space<hbm>>
        %dma_start3A_239 = arith.constant 0 : i32
        %dma_start3A_240 = tpu.memref_slice %arg10[%mul3A_10, %dma_start3A_239] : memref<10752x128xf32, #tpu.memory_space<vmem_shared>> -> memref<672x128xf32, #tpu.memory_space<vmem_shared>>
        tpu.enqueue_dma source(%dma_start3A_240 : memref<672x128xf32, #tpu.memory_space<vmem_shared>>) target(%dma_start3A_238 : memref<672x128xf32, #tpu.memory_space<hbm>>) target_semaphore(%run_scoped3A : memref<!tpu.dma_semaphore, #tpu.memory_space<semaphore_mem>>)
        %dma_wait3A_241 = arith.constant 0 : i32
        %dma_wait3A_242 = tpu.memref_slice %arg4[%mul3A_10, %dma_wait3A_241] : memref<10752x128xf32, #tpu.memory_space<hbm>> -> memref<672x128xf32, #tpu.memory_space<hbm>>
        %dma_wait3A_243 = arith.constant 0 : i32
        %dma_wait3A_244 = tpu.memref_slice %arg10[%mul3A_10, %dma_wait3A_243] : memref<10752x128xf32, #tpu.memory_space<vmem_shared>> -> memref<672x128xf32, #tpu.memory_space<vmem_shared>>
        tpu.wait_dma2 semaphore(%run_scoped3A : memref<!tpu.dma_semaphore, #tpu.memory_space<semaphore_mem>>) src(%dma_wait3A_244 : memref<672x128xf32, #tpu.memory_space<vmem_shared>>) dst(%dma_wait3A_242 : memref<672x128xf32, #tpu.memory_space<hbm>>)
        tpu.yield
      }) : () -> ()
    } else {
    }
    %eq3A_232 = arith.constant 1 : i32
    %eq3A_233 = arith.cmpi eq, %arg0, %eq3A_232 : i32
    %convert_element_type3A_234 = arith.extui %eq3A_233 : i1 to i32
    %cond3A_235 = arith.constant 0 : i32
    %cond3A_236 = arith.cmpi ne, %convert_element_type3A_234, %cond3A_235 : i32
    scf.if %cond3A_236 {
      "tpu.region"() ({
        %run_scoped3A = tpu.sem_alloc : memref<!tpu.dma_semaphore, #tpu.memory_space<semaphore_mem>>
        %dma_start3A_237 = arith.constant 0 : i32
        %dma_start3A_238 = tpu.memref_slice %arg5[%mul3A_10, %dma_start3A_237] : memref<10752x128xf32, #tpu.memory_space<hbm>> -> memref<672x128xf32, #tpu.memory_space<hbm>>
        %dma_start3A_239 = arith.constant 0 : i32
        %dma_start3A_240 = tpu.memref_slice %arg10[%mul3A_10, %dma_start3A_239] : memref<10752x128xf32, #tpu.memory_space<vmem_shared>> -> memref<672x128xf32, #tpu.memory_space<vmem_shared>>
        tpu.enqueue_dma source(%dma_start3A_240 : memref<672x128xf32, #tpu.memory_space<vmem_shared>>) target(%dma_start3A_238 : memref<672x128xf32, #tpu.memory_space<hbm>>) target_semaphore(%run_scoped3A : memref<!tpu.dma_semaphore, #tpu.memory_space<semaphore_mem>>)
        %dma_wait3A_241 = arith.constant 0 : i32
        %dma_wait3A_242 = tpu.memref_slice %arg5[%mul3A_10, %dma_wait3A_241] : memref<10752x128xf32, #tpu.memory_space<hbm>> -> memref<672x128xf32, #tpu.memory_space<hbm>>
        %dma_wait3A_243 = arith.constant 0 : i32
        %dma_wait3A_244 = tpu.memref_slice %arg10[%mul3A_10, %dma_wait3A_243] : memref<10752x128xf32, #tpu.memory_space<vmem_shared>> -> memref<672x128xf32, #tpu.memory_space<vmem_shared>>
        tpu.wait_dma2 semaphore(%run_scoped3A : memref<!tpu.dma_semaphore, #tpu.memory_space<semaphore_mem>>) src(%dma_wait3A_244 : memref<672x128xf32, #tpu.memory_space<vmem_shared>>) dst(%dma_wait3A_242 : memref<672x128xf32, #tpu.memory_space<hbm>>)
        tpu.yield
      }) : () -> ()
    } else {
    }
    return
  }
}

module attributes {stable_mosaic.version = 14 : i64} {
  func.func @_mm_tanh_body(%arg0: i32, %arg1: memref<2000x128xf32, #tpu.memory_space<vmem>>, %arg2: memref<128x128xf32, #tpu.memory_space<vmem>>, %arg3: memref<2000x128xf32, #tpu.memory_space<vmem>>) attributes {dimension_semantics = [#tpu.dimension_semantics<arbitrary>], iteration_bounds = array<i64: 5>, scalar_prefetch = 0 : i64, scratch_operands = 0 : i64, tpu.core_type = #tpu.core_type<tc>, window_params = [{transform_indices = @transform_0, window_bounds = array<i64: 2000, 128>}, {pipeline_mode = #tpu.pipeline_mode<synchronous>, transform_indices = @transform_1, window_bounds = array<i64: 128, 128>}, {transform_indices = @transform_2, window_bounds = array<i64: 2000, 128>}]} {
    %get3A = arith.constant 0 : index
    %get3A_0 = arith.constant 0 : index
    %get3A_1 = vector.load %arg1[%get3A, %get3A_0] : memref<2000x128xf32, #tpu.memory_space<vmem>>, vector<2000x128xf32>
    %get3A_2 = arith.constant 0 : index
    %get3A_3 = arith.constant 0 : index
    %get3A_4 = vector.load %arg2[%get3A_2, %get3A_3] : memref<128x128xf32, #tpu.memory_space<vmem>>, vector<128x128xf32>
    %dot_general3A = arith.constant dense<0.000000e+00> : vector<2000x128xf32>
    %dot_general3A_5 = tpu.matmul %get3A_1, %get3A_4, %dot_general3A {dimension_numbers = #tpu.dot_dimension_numbers<[1], [0], [0], [1], [0, 0, 1, 1], [], []>, precision = #tpu.contract_precision<fp32>, transpose_lhs_hint = false} : vector<2000x128xf32>, vector<128x128xf32>, vector<2000x128xf32> -> vector<2000x128xf32>
    %tanh3A = math.tanh %dot_general3A_5 : vector<2000x128xf32>
    %swap3A = arith.constant 0 : index
    %swap3A_6 = arith.constant 0 : index
    %swap3A_7 = vector.load %arg3[%swap3A, %swap3A_6] : memref<2000x128xf32, #tpu.memory_space<vmem>>, vector<2000x128xf32>
    tpu.vector_store %arg3[%swap3A, %swap3A_6], %tanh3A {strides = array<i32>} : memref<2000x128xf32, #tpu.memory_space<vmem>>, vector<2000x128xf32>,
    return
  }
  func.func @transform_0(%arg0: i32) -> (i32, i32) {
    %c0_i32 = arith.constant 0 : i32
    %c0_i32_0 = arith.constant 0 : i32
    return %arg0, %c0_i32 : i32, i32
  }
  func.func @transform_1(%arg0: i32) -> (i32, i32) {
    %c0_i32 = arith.constant 0 : i32
    %c0_i32_0 = arith.constant 0 : i32
    %c0_i32_1 = arith.constant 0 : i32
    return %c0_i32, %c0_i32_0 : i32, i32
  }
  func.func @transform_2(%arg0: i32) -> (i32, i32) {
    %c0_i32 = arith.constant 0 : i32
    %c0_i32_0 = arith.constant 0 : i32
    return %arg0, %c0_i32 : i32, i32
  }
}

module attributes {stable_mosaic.version = 14 : i64} {
  func.func @_combine_body(%arg0: i32, %arg1: memref<2000x128xf32, #tpu.memory_space<vmem>>, %arg2: memref<2000x128xf32, #tpu.memory_space<vmem>>, %arg3: memref<2000x128xf32, #tpu.memory_space<vmem>>) attributes {dimension_semantics = [#tpu.dimension_semantics<arbitrary>], iteration_bounds = array<i64: 5>, scalar_prefetch = 0 : i64, scratch_operands = 0 : i64, tpu.core_type = #tpu.core_type<tc>, window_params = [{transform_indices = @transform_0, window_bounds = array<i64: 2000, 128>}, {transform_indices = @transform_1, window_bounds = array<i64: 2000, 128>}, {transform_indices = @transform_2, window_bounds = array<i64: 2000, 128>}]} {
    %get3A = arith.constant 0 : index
    %get3A_0 = arith.constant 0 : index
    %get3A_1 = vector.load %arg1[%get3A, %get3A_0] : memref<2000x128xf32, #tpu.memory_space<vmem>>, vector<2000x128xf32>
    %get3A_2 = arith.constant 0 : index
    %get3A_3 = arith.constant 0 : index
    %get3A_4 = vector.load %arg2[%get3A_2, %get3A_3] : memref<2000x128xf32, #tpu.memory_space<vmem>>, vector<2000x128xf32>
    %add3A = arith.addf %get3A_1, %get3A_4 : vector<2000x128xf32>
    %swap3A = arith.constant 0 : index
    %swap3A_5 = arith.constant 0 : index
    %swap3A_6 = vector.load %arg3[%swap3A, %swap3A_5] : memref<2000x128xf32, #tpu.memory_space<vmem>>, vector<2000x128xf32>
    tpu.vector_store %arg3[%swap3A, %swap3A_5], %add3A {strides = array<i32>} : memref<2000x128xf32, #tpu.memory_space<vmem>>, vector<2000x128xf32>,
    return
  }
  func.func @transform_0(%arg0: i32) -> (i32, i32) {
    %c0_i32 = arith.constant 0 : i32
    %c0_i32_0 = arith.constant 0 : i32
    return %arg0, %c0_i32 : i32, i32
  }
  func.func @transform_1(%arg0: i32) -> (i32, i32) {
    %c0_i32 = arith.constant 0 : i32
    %c0_i32_0 = arith.constant 0 : i32
    return %arg0, %c0_i32 : i32, i32
  }
  func.func @transform_2(%arg0: i32) -> (i32, i32) {
    %c0_i32 = arith.constant 0 : i32
    %c0_i32_0 = arith.constant 0 : i32
    return %arg0, %c0_i32 : i32, i32
  }
}

</mosaic_0001>

<sc_bundles>
// kernel: kernel.5.cloned.1.call-start
scs
__scs_entry_jumppad:
0x0: {  	(pc) =	sbr.rel $0x88, $3  }
0x1: {  	(tag) =	ssettag $0x0;
	lr =	simm.s32 $0x1  }
0x2: {  	[smem:$0x3F9D] =	sst lr;
	_ =	strace $0xD0000000  }
0x3: {  	_ = 	snop  }
0x4: {  	_ = 	snop  }
0x5: {  	_ = 	snop  }
0x6: {  	_ = 	snop  }
0x7: {  	_ = 	snop  }
__scs_overlays_trampoline_lowered:
0x8: {  	[smem:$0x3FAC] =	sst s0  }
0x9: {  	[smem:$0x3FAD] =	sst s1  }
0xa: {  	[smem:$0x3FAE] =	sst s2  }
0xb: {  	[smem:$0x3FAF] =	sst s3  }
0xc: {  	[smem:$0x3FB0] =	sst s4  }
0xd: {  	[smem:$0x3FB1] =	sst s5  }
0xe: {  	[smem:$0x3FB2] =	sst s6  }
0xf: {  	[smem:$0x3FB3] =	sst s7  }
0x10: {  	[smem:$0x3FB4] =	sst s8  }
0x11: {  	[smem:$0x3FB5] =	sst s9;
	s0 =	simm.s32 @!p0 $0x0  }
0x12: {  	s1 =	sld [smem:$0x3F9B];
	s0 =	simm.s32 @p0 $0x1  }
0x13: {  	[smem:$0x3FB6] =	sst s0;
	s0 =	simm.s32 @!p1 $0x0  }
0x14: {  	s2 =	sld [smem:$0x3F9A];
	s0 =	simm.s32 @p1 $0x1  }
0x15: {  	[smem:$0x3FB7] =	sst s0;
	s0 =	simm.s32 @!p2 $0x0  }
0x16: {  	s3 =	sld [smem:$0x3FDB];
	s0 =	simm.s32 @p2 $0x1  }
0x17: {  	s4 =	simm.s32 $0x1BF5;
	[smem:$0x3FB9] =	sst s0  }
0x18: {  	s0 =	sld [smem:$0x3F9C];
	_ =	swait.ge [sflag:s4], $0x0  }
0x19: {  	s7 =	sld [smem:$0x3F9D]  }
0x1a: {  	s8 =	sadd.s32 $0xFFFFE003, lr  }
0x1b: {  	s9 =	sadd.s32 $0xFFFFFEF7, lr;
	s5 =	simm.s32 $0xFFFFFFFF;
	p2 =	slt.u32 s8, $0xFFFFF086  }
0x1c: {  	p1 =	slt.u32 s9, $0xF7A;
	s5 =	simm.s32 @!p2 $0x0  }
0x1d: {  	s5 =	simm.s32 @p1 $0x1;
	p0 =	seq.s32 s7, s2  }
0x1e: {  	s7 =	smul.u32 @!p0 $0xF7A, s2;
	p2 =	seq.s32 @!p0 s5, $0x0  }
0x1f: {  	s9 =	smul.u32 $0xF7A, s1;
	s8 =	simm.s32 @!p0 $0x1BF5;
	p2 =	por !p2, p0  }
0x20: {  	[sflag:s8] =	ssyncset.s32 @!p0 $0xFFFFF086;
	s6 =	sadd.s32 @!p0 s3, s7;
	s7 =	simm.s32 @!p0 $0x108  }
0x21: {  	s3 =	sadd.s32 s3, s9;
	s6 =	sadd.s32 @!p0 $0x88, s6;
	s7 =	simm.s32 @p2 $0x1082  }
0x22: {  	[simem:s7], [sflag:s8] =	dma.local @!p0 [hbm:s6], $0xF7A  }
0x23: {  	s9 =	sor.u32 $0xD0000000, s2;
	s6 =	simm.s32 $0x108;
	_ =	swait.ge @!p0 [sflag:s8], $0x0  }
0x24: {  	s3 =	sadd.s32 $0x88, s3;
	s6 =	simm.s32 @!p1 $0x1082;
	[sflag:s4] =	ssyncset.s32 $0xFFFFF086  }
0x25: {  	[simem:s6], [sflag:s4] =	dma.local [hbm:s3], $0xF7A  }
0x26: {  	[smem:$0x3F9D] =	sst s1;
	(tag) =	ssettag s2;
	_ =	strace s9  }
0x27: {  	s1 =	sld [smem:$0x3FAD]  }
0x28: {  	s2 =	sld [smem:$0x3FAE]  }
0x29: {  	s4 =	sld [smem:$0x3FB0]  }
0x2a: {  	p0 =	seq.s32 s5, $0x0;
	s5 =	sld [smem:$0x3FB1]  }
0x2b: {  	s6 =	sld [smem:$0x3FB2]  }
0x2c: {  	s7 =	sld [smem:$0x3FB3]  }
0x2d: {  	s3 =	simm.s32 $0x108;
	s8 =	sld [smem:$0x3FB4]  }
0x2e: {  	s3 =	simm.s32 @!p0 $0x1082;
	s9 =	sld [smem:$0x3FB5]  }
0x2f: {  	lr =	sadd.s32 s0, s3;
	s0 =	sld [smem:$0x3FAC]  }
0x30: {  	s3 =	sld [smem:$0x3FAF]  }
0x31: {  	[smem:$0x3FB8] =	sst s10  }
0x32: {  	s10 =	sld [smem:$0x3FB6];
	_ =	sdelay $0x3  }
0x33: {  	p0 =	seq.s32 s10, $0x1;
	s10 =	sld [smem:$0x3FB8];
	_ =	sdelay $0x3  }
0x34: {  	[smem:$0x3FB8] =	sst s10  }
0x35: {  	s10 =	sld [smem:$0x3FB7];
	_ =	sdelay $0x3  }
0x36: {  	p1 =	seq.s32 s10, $0x1;
	s10 =	sld [smem:$0x3FB8];
	_ =	sdelay $0x3  }
0x37: {  	[smem:$0x3FB8] =	sst s10  }
0x38: {  	s10 =	sld [smem:$0x3FB9]  }
0x39: {  	_ = 	snop;
	(pc) =	sbr.ind lr, $3  }
0x3a: {  	_ = 	snop  }
0x3b: {  	_ = 	snop  }
0x3c: {  	p2 =	seq.s32 s10, $0x1;
	s10 =	sld [smem:$0x3FB8]  }
0x3d: {  	_ =	shalt  }
0x3e: {  	_ =	shalt  }
0x3f: {  	_ =	shalt  }
0x40: {  	_ =	shalt  }
0x41: {  	_ =	shalt  }
0x42: {  	_ =	shalt  }
0x43: {  	_ =	shalt  }
0x44: {  	_ =	shalt  }
0x45: {  	_ =	shalt  }
0x46: {  	_ =	shalt  }
0x47: {  	_ =	shalt  }
0x48: {  	_ =	shalt  }
0x49: {  	_ =	shalt  }
0x4a: {  	_ =	shalt  }
0x4b: {  	_ =	shalt  }
0x4c: {  	_ =	shalt  }
0x4d: {  	_ =	shalt  }
0x4e: {  	_ =	shalt  }
0x4f: {  	_ =	shalt  }
0x50: {  	_ =	shalt  }
0x51: {  	_ =	shalt  }
0x52: {  	_ =	shalt  }
0x53: {  	_ =	shalt  }
0x54: {  	_ =	shalt  }
0x55: {  	_ =	shalt  }
0x56: {  	_ =	shalt  }
0x57: {  	_ =	shalt  }
0x58: {  	_ =	shalt  }
0x59: {  	_ =	shalt  }
0x5a: {  	_ =	shalt  }
0x5b: {  	_ =	shalt  }
0x5c: {  	_ =	shalt  }
0x5d: {  	_ =	shalt  }
0x5e: {  	_ =	shalt  }
0x5f: {  	_ =	shalt  }
0x60: {  	_ =	shalt  }
0x61: {  	_ =	shalt  }
0x62: {  	_ =	shalt  }
0x63: {  	_ =	shalt  }
0x64: {  	_ =	shalt  }
0x65: {  	_ =	shalt  }
0x66: {  	_ =	shalt  }
0x67: {  	_ =	shalt  }
0x68: {  	_ =	shalt  }
0x69: {  	_ =	shalt  }
0x6a: {  	_ =	shalt  }
0x6b: {  	_ =	shalt  }
0x6c: {  	_ =	shalt  }
0x6d: {  	_ =	shalt  }
0x6e: {  	_ =	shalt  }
0x6f: {  	_ =	shalt  }
0x70: {  	_ =	shalt  }
0x71: {  	_ =	shalt  }
0x72: {  	_ =	shalt  }
0x73: {  	_ =	shalt  }
0x74: {  	_ =	shalt  }
0x75: {  	_ =	shalt  }
0x76: {  	_ =	shalt  }
0x77: {  	_ =	shalt  }
0x78: {  	_ =	shalt  }
0x79: {  	_ =	shalt  }
0x7a: {  	_ =	shalt  }
0x7b: {  	_ =	shalt  }
0x7c: {  	_ =	shalt  }
0x7d: {  	_ =	shalt  }
0x7e: {  	_ =	shalt  }
0x7f: {  	_ =	shalt  }
0x80: {  	_ =	shalt  }
0x81: {  	_ =	shalt  }
0x82: {  	_ =	shalt  }
0x83: {  	_ =	shalt  }
0x84: {  	_ =	shalt  }
0x85: {  	_ =	shalt  }
0x86: {  	_ =	shalt  }
0x87: {  	_ =	shalt  }
.Lfunc_end0:
.L_simem_size_0:
called_computation_lowered:
.L_overlay_start_0:
0x88: {  	s2 =	sld [smem:$0x3FD9]  }
0x89: {  	s3 =	sld [smem:$0x3FFE];
	_ =	sdelay $0x1  }
0x8a: {  	s1 =	srdreg.scid  }
0x8b: {  	s0 =	sand.u32 $0x1, s1  }
0x8c: {  	s17 =	sshll.u32 s0, $0xA;
	s2 =	sadd.s32 s3, s2  }
0x8d: {  	s2 =	sadd.s32 s2, s17  }
0x8e: {  	[smem:$0x3FC4] =	sst s2  }
0x8f: {  	_ = 	snop  }
0x90: {  	s2 =	sld [smem:$0x3FD0];
	(tm) =	ssettm $0x1  }
0x91: {  	s18 =	sld [smem:$0x3FFB];
	_ =	sdelay $0x3  }
0x92: {  	_ =	strace s18  }
0x93: {  	s3 =	sld [smem:$0x3FFC];
	_ =	sdelay $0x3  }
0x94: {  	_ =	strace s3  }
0x95: {  	s3 =	sld [smem:$0x3FFD];
	_ =	sdelay $0x3  }
0x96: {  	_ =	strace s3  }
0x97: {  	_ =	strace $0x8FFFFFFF  }
0x98: {  	s19 =	sld [smem:$0x3FDB];
	_ =	sdelay $0x1  }
0x99: {  	s4 =	simm.s32 $_scs_section_size  }
0x9a: {  	s5 =	simm.s32 $_size__tile_overlayer_lowered;
	s6 =	simm.s32 $_tile_overlayer_lowered  }
0x9b: {  	s22 =	simm.s32 $0x1BFF;
	s21 =	sshll.u32 s6, $0x1;
	s3 =	sadd.s32 s4, s19  }
0x9c: {  	s7 =	simm.s32 $0x0;
	s20 =	sshll.u32 s5, $0x1;
	s5 =	sadd.s32 s21, s3  }
0x9d: {  	[timem:s7], [sflag:s22] =	dma.local [hbm:s5], s20  }
0x9e: {  	_ =	swait.ge [sflag:s22], s20  }
0x9f: {  	s4 =	ssub.s32 $0x0, s20;
	[sflag:s22] =	ssyncset.done $0x0  }
0xa0: {  	[sflag:s22] =	ssyncadd.s32 s4;
	_ =	sdelay $0x1  }
0xa1: {  	s23 =	simm.s32 $0x1B8B  }
0xa2: {  	_ =	swait.ge [sflag:s23], $0x1  }
0xa3: {  	[sflag:s23] =	ssyncset.done $0x0  }
0xa4: {  	s25 =	simm.s32 $0x1B8E;
	s24 =	sld [smem:$0x3FFE];
	[sflag:s23] =	ssyncadd.s32 $0xFFFFFFFF  }
0xa5: {  	s26 =	simm.s32 $execute0_lowered;
	[smem:$0x3FD2] =	sst s25  }
0xa6: {  	s5 =	sshll.u32 s26, $0x1;
	_ =	strace $0x80000046;
	[dreg:$0x1] =	wrdreg $0xFFFFFFFF  }
0xa7: {  	s28 =	simm.s32 $_size_execute0_lowered;
	s3 =	sadd.s32 s3, s5;
	[dreg:$0x0] =	wrdreg $0x0  }
0xa8: {  	s5 =	sshll.u32 s28, $0x1;
	[dreg:$0x2] =	wrdreg s3  }
0xa9: {  	[dreg:$0x3] =	wrdreg s5  }
0xaa: {  	[dreg:$0x4] =	wrdreg $0xC0  }
0xab: {  	_ =	task [dreg:s7], $0x5FFFF  }
0xac: {  	[dreg:$0x1] =	wrdreg $0xFFFFFFFF  }
0xad: {  	[dreg:$0x0] =	wrdreg $0x60  }
0xae: {  	[dreg:$0x2] =	wrdreg s2  }
0xaf: {  	[dreg:$0x3] =	wrdreg s24  }
0xb0: {  	[dreg:$0x4] =	wrdreg $0x98000  }
0xb1: {  	[dreg:$0x5] =	wrdreg $0x9  }
0xb2: {  	_ =	task.clear_ibuf [dreg:s7], $0x6FFFF;
	_ =	strace $0x90000046  }
0xb3: {  	s29 =	simm.s32 $0x9;
	_ =	strace $0x80000048  }
0xb4: {  	_ =	swait.ge [sflag:s29], $0x1  }
0xb5: {  	[sflag:s29] =	ssyncadd.s32 $0xFFFFFFFF  }
0xb6: {  	_ =	strace $0x90000048  }
0xb7: {  	_ =	sfence  }
0xb8: {  	s30 =	sld [smem:$0x0];
	_ =	sdelay $0x2  }
0xb9: {  	s31 =	sshll.u32 s1, $0xD;
	s1 =	sshrl.u32 s1, $0x2  }
0xba: {  	s3 =	sand.u32 $0x4000, s31;
	s1 =	sadd.s32 s1, s30  }
0xbb: {  	s0 =	sor.u32 s3, s0;
	s1 =	sshll.u32 s1, $0x11  }
0xbc: {  	s0 =	sor.u32 s1, s0  }
0xbd: {  	s0 =	sadd.s32 $0x8F2B, s0  }
0xbe: {  	[sflag:s0] =	ssyncadd.remote.s32 $0x1  }
0xbf: {  	_ =	sfence.sel $0xFFFF  }
0xc0: {  	[dreg:$0x0] =	wrdreg $0xFFFFFFFF;
	(pc) =	sbr.abs _section_cstart, $3  }
0xc1: {  	[dreg:$0x1] =	wrdreg $0xFFFFFFFF  }
0xc2: {  	_ =	task.clear_ibuf [dreg:s7], $0x2FFFF;
	_ =	strace $0x9FFFFFFF  }
0xc3: {  	(tm) =	ssettm $0x7FFFFFFF  }
tec
execute0_lowered:
.L_overlay_start_1:
0x0: {  	(tag) =	ssettag $0x1  }
0x1: {  	s1 =	rddreg [dreg:$0x0]  }
0x2: {  	s0 =	rddreg [dreg:$0x1]  }
0x3: {  	s2 =	rddreg [dreg:$0x2]  }
0x4: {  	s3 =	simm.s32 $0x0;
	s4 =	srdreg.scid;
	s11 =	stileid.u32  }
0x5: {  	s10 =	simm.s32 $0x87;
	s28 =	simm.s32 $0x2;
	s29 =	simm.s32 $0x3800  }
0x6: {  	s30 =	simm.s32 $0x4;
	s31 =	simm.s32 $0x7800;
	[smem:$0x7FF] =	sst s3  }
0x7: {  	s4 =	sand.u32 $0x1, s4;
	s5 =	sadd.s32 $0xA00, s0;
	s7 =	sadd.s32 $0x44200, s0  }
0x8: {  	s0 =	sadd.s32 $0x6E200, s0;
	s26 =	smul.u32 $0x54000, s11;
	s12 =	sshll.u32 s11, $0x1  }
0x9: {  	s25 =	smul.u32 $0x2A00, s11;
	s11 =	simm.s32 $0x3;
	_ =	strace $0x80000047  }
0xa: {  	s6 =	ssub.s32 $0x2, s4;
	p0 =	seq.s32 s4, $0x0;
	s4 =	sor.u32 s4, s12  }
0xb: {  	s8 =	sshrl.u32 s6, $0x1;
	s10 =	simm.s32 @!p0 $0x4B;
	s13 =	sshrl.u32 s26, $0x2  }
0xc: {  	s0 =	smov.u32 @p0 s7;
	s7 =	simm.s32 $0x6;
	s9 =	ssub.s32 s6, s8  }
0xd: {  	s6 =	sadd.s32 $0xFFFFFFFF, s10;
	s8 =	smul.u32 $0x10E00, s4;
	s0 =	sadd.s32 s0, s25  }
0xe: {  	s16 =	sadd.s32 s13, s2;
	s22 =	smul.u32 $0xAB, s10;
	[dreg:$0xf] =	wrdreg s0  }
0xf: {  	s25 =	simm.s32 $0x1;
	s14 =	sadd.s32 $0x3000, s16;
	[dreg:$0x4] =	wrdreg s16  }
0x10: {  	s13 =	simm.s32 $0x5;
	s15 =	sadd.s32 $0x6000, s16;
	[dreg:$0x5] =	wrdreg s14  }
0x11: {  	s4 =	simm.s32 $0x8800;
	s17 =	sadd.s32 $0x9000, s16;
	[dreg:$0x6] =	wrdreg s15  }
0x12: {  	s18 =	sadd.s32 $0xC000, s16;
	s19 =	sadd.s32 $0xF000, s16;
	[dreg:$0x7] =	wrdreg s17  }
0x13: {  	s12 =	sadd.s32 $0x12000, s16;
	s26 =	smax.u32 s9, $0x1;
	[dreg:$0x8] =	wrdreg s18  }
0x14: {  	s0 =	simm.s32 $0x8000;
	s9 =	simm.s32 $0x9000;
	[dreg:$0x9] =	wrdreg s19  }
0x15: {  	s20 =	sshrl.u32 s8, $0x3;
	[dreg:$0xa] =	wrdreg s12;
	s18 =	sshrl.u32 s22, $0x9  }
0x16: {  	[dreg:$0xe] =	wrdreg s26;
	s17 =	simm.s32 $0xA;
	s26 =	simm.s32 $0x60  }
0x17: {  	s12 =	simm.s32 $0x6800;
	s15 =	simm.s32 $0x7;
	s21 =	sadd.s32 s5, s20  }
0x18: {  	s14 =	simm.s32 $0x0;
	s23 =	sadd.s32 $0x40, s21;
	[dreg:$0xb] =	wrdreg s21  }
0x19: {  	s24 =	sadd.s32 $0x80, s21;
	s21 =	simm.s32 $0x800;
	[dreg:$0xc] =	wrdreg s23  }
0x1a: {  	v0 =	vimm.f32 $0.0e+00;
	vm0 =	vmmov $0xffff;
	[dreg:$0xd] =	wrdreg s24;
	s23 =	simm.s32 $0x180;
	s24 =	simm.s32 $0x300  }
.LBB2_1:
0x1b: {  	[dreg:$0x10] =	wrdreg s14;
	s10 =	simm.s32 $0x0;
	s14 =	simm.s32 $0x200  }
.LBB2_2:
0x1c: {  	p0 =	sne.s32 s14, $0xBE00;
	[tilespmem:s10+$0x870] =	vst v0  }
0x1d: {  	[tilespmem:s10+$0x800] =	vst v0  }
0x1e: {  	[tilespmem:s10+$0x810] =	vst v0  }
.Ltmp0:
0x1f: {  	[tilespmem:s10+$0x820] =	vst v0;
	(pc) =	sbr.rel @p0 .LBB2_2-.Ltmp0, $4  }
0x20: {  	[tilespmem:s10+$0x830] =	vst v0  }
0x21: {  	[tilespmem:s10+$0x840] =	vst v0  }
0x22: {  	[tilespmem:s10+$0x850] =	vst v0  }
0x23: {  	[tilespmem:s10+$0x860] =	vst v0;
	s10 =	sshra.s32 s14, $0x2;
	s14 =	sadd.s32 $0x200, s14  }
0x24: {  	[tilespmem:s10+$0x870] =	vst v0  }
0x25: {  	[tilespmem:s10+$0x800] =	vst v0  }
0x26: {  	[tilespmem:s10+$0x810] =	vst v0  }
0x27: {  	[tilespmem:s10+$0x820] =	vst v0  }
0x28: {  	[tilespmem:s10+$0x830] =	vst v0  }
0x29: {  	[tilespmem:s10+$0x840] =	vst v0  }
0x2a: {  	[tilespmem:s10+$0x850] =	vst v0  }
0x2b: {  	[tilespmem:s10+$0x860] =	vst v0  }
0x2c: {  	[spmem:s16] =	stream.linear.scatter [tilespmem:s21], [sflag:$0xA], $0x3000, $0x38;
	[tilespmem:$0x1E800] =	vst v63  }
0x2d: {  	_ =	swait.ge [sflag:s17], $0x3000  }
0x2e: {  	[sflag:s17] =	ssyncset.done $0x0  }
0x2f: {  	s19 =	rddreg [dreg:$0x5];
	[sflag:s17] =	ssyncadd.s32 $0xFFFFD000  }
0x30: {  	[spmem:s19] =	stream.linear.scatter [tilespmem:s21], [sflag:$0xA], $0x3000, $0x38;
	[tilespmem:$0x1E800] =	vst v63  }
0x31: {  	_ =	swait.ge [sflag:s17], $0x3000  }
0x32: {  	[sflag:s17] =	ssyncset.done $0x0  }
0x33: {  	s20 =	rddreg [dreg:$0x6];
	[sflag:s17] =	ssyncadd.s32 $0xFFFFD000  }
0x34: {  	[spmem:s20] =	stream.linear.scatter [tilespmem:s21], [sflag:$0xA], $0x3000, $0x38;
	[tilespmem:$0x1E800] =	vst v63  }
0x35: {  	_ =	swait.ge [sflag:s17], $0x3000  }
0x36: {  	[sflag:s17] =	ssyncset.done $0x0  }
0x37: {  	s22 =	rddreg [dreg:$0x7];
	[sflag:s17] =	ssyncadd.s32 $0xFFFFD000  }
0x38: {  	[spmem:s22] =	stream.linear.scatter [tilespmem:s21], [sflag:$0xA], $0x3000, $0x38;
	[tilespmem:$0x1E800] =	vst v63  }
0x39: {  	_ =	swait.ge [sflag:s17], $0x3000  }
0x3a: {  	[sflag:s17] =	ssyncset.done $0x0  }
0x3b: {  	s14 =	rddreg [dreg:$0x8];
	[sflag:s17] =	ssyncadd.s32 $0xFFFFD000  }
0x3c: {  	[spmem:s14] =	stream.linear.scatter [tilespmem:s21], [sflag:$0xA], $0x3000, $0x38;
	[tilespmem:$0x1E800] =	vst v63  }
0x3d: {  	_ =	swait.ge [sflag:s17], $0x3000  }
0x3e: {  	[sflag:s17] =	ssyncset.done $0x0  }
0x3f: {  	s16 =	rddreg [dreg:$0x9];
	[sflag:s17] =	ssyncadd.s32 $0xFFFFD000  }
0x40: {  	[spmem:s16] =	stream.linear.scatter [tilespmem:s21], [sflag:$0xA], $0x3000, $0x38;
	[tilespmem:$0x1E800] =	vst v63  }
0x41: {  	_ =	swait.ge [sflag:s17], $0x3000  }
0x42: {  	[sflag:s17] =	ssyncset.done $0x0  }
0x43: {  	s19 =	rddreg [dreg:$0xa];
	[sflag:s17] =	ssyncadd.s32 $0xFFFFD000  }
0x44: {  	[spmem:s19] =	stream.linear.scatter [tilespmem:s21], [sflag:$0xA], $0x3000, $0x38;
	[tilespmem:$0x1E800] =	vst v63  }
0x45: {  	_ =	swait.ge [sflag:s17], $0x3000  }
0x46: {  	[sflag:s17] =	ssyncset.done $0x0  }
0x47: {  	[sflag:s17] =	ssyncadd.s32 $0xFFFFD000  }
0x48: {  	[bflag:$0x0] =	sbarrier.arrive $0xFFFF  }
0x49: {  	s10 =	simm.s32 $0x0;
	s14 =	rddreg [dreg:$0xb]  }
0x4a: {  	[tilespmem:s10], [sflag:$0x1] =	stream.linear.gather [hbm4b:s14+s10], $0x180, $0x38;
	[tilespmem:$0x1E800] =	vst v63  }
0x4b: {  	s20 =	rddreg [dreg:$0xc]  }
0x4c: {  	[tilespmem:s23], [sflag:$0x2] =	stream.linear.gather [hbm4b:s20+s10], $0x180, $0x38;
	[tilespmem:$0x1E800] =	vst v63  }
0x4d: {  	s22 =	rddreg [dreg:$0xd]  }
0x4e: {  	[tilespmem:s24], [sflag:$0x3] =	stream.linear.gather [hbm4b:s22+s10], $0x180, $0x38;
	[tilespmem:$0x1E800] =	vst v63  }
0x4f: {  	_ =	swait.ge [sflag:s25], $0x180  }
0x50: {  	[sflag:s25] =	ssyncset.done $0x0  }
0x51: {  	s14 =	simm.s32 $0x0;
	[sflag:s25] =	ssyncadd.s32 $0xFFFFFE80  }
0x52: {  	[tilespmem:s21], [sflag:$0x4] =	stream.indirect.gather [hbm4b:s1+s26], $0x80, s10, s26, $0xb8;
	[tilespmem:$0x1E800] =	vst v63  }
.LBB2_4:
0x53: {  	p0 =	seq.s32 s14, $0x0  }
0x54: {  	s16 =	simm.s32 @!p0 $0x8  }
0x55: {  	_ =	swait.ge @!p0 [sflag:s16], $0x800  }
0x56: {  	[sflag:s16] =	ssyncset.done @!p0 $0x0  }
0x57: {  	[sflag:s16] =	ssyncadd.s32 @!p0 $0xFFFFF800  }
0x58: {  	_ =	swait.ge @!p0 [sflag:s16], $0x800  }
0x59: {  	[sflag:s16] =	ssyncset.done @!p0 $0x0  }
0x5a: {  	[sflag:s16] =	ssyncadd.s32 @!p0 $0xFFFFF800  }
0x5b: {  	_ =	swait.ge @!p0 [sflag:s16], $0x800  }
0x5c: {  	[sflag:s16] =	ssyncset.done @!p0 $0x0  }
0x5d: {  	[sflag:s16] =	ssyncadd.s32 @!p0 $0xFFFFF800  }
0x5e: {  	_ =	swait.ge @!p0 [sflag:s16], $0x800  }
0x5f: {  	[sflag:s16] =	ssyncset.done @!p0 $0x0  }
0x60: {  	[sflag:s16] =	ssyncadd.s32 @!p0 $0xFFFFF800  }
0x61: {  	_ =	swait.ge @!p0 [sflag:s16], $0x800  }
0x62: {  	[sflag:s16] =	ssyncset.done @!p0 $0x0  }
0x63: {  	[sflag:s16] =	ssyncadd.s32 @!p0 $0xFFFFF800  }
0x64: {  	_ =	swait.ge @!p0 [sflag:s16], $0x800  }
0x65: {  	v1 =	vmov s10;
	s17 =	simm.s32 $0x3;
	[sflag:s16] =	ssyncset.done @!p0 $0x0  }
0x66: {  	v1 =	vand.u32 $0x7C, v1;
	v2 =	vmov s17;
	[sflag:s16] =	ssyncadd.s32 @!p0 $0xFFFFF800  }
0x67: {  	v1 =	vor.u32 $0x100, v1;
	v2 =	vand.u32 $0x7F, v2;
	_ =	swait.ge [sflag:s28], $0x180  }
0x68: {  	v1 =	vbroadcast v1, $0x0;
	v2 =	vor.u32 $0x100, v2;
	[sflag:s28] =	ssyncset.done $0x0  }
0x69: {  	v2 =	vbroadcast v2, $0x0;
	[sflag:s28] =	ssyncadd.s32 $0xFFFFFE80  }
0x6a: {  	[tilespmem:s29], [sflag:$0x5] =	stream.indirect.gather [hbm4b:s1+s26], $0x80, s23, s26, $0xb8;
	[tilespmem:$0x1E800] =	vst v63  }
0x6b: {  	_ =	swait.ge [sflag:s30], $0x3000  }
0x6c: {  	[sflag:s30] =	ssyncset.done $0x0  }
0x6d: {  	[sflag:s30] =	ssyncadd.s32 $0xFFFFD000  }
0x6e: {  	s20 =	simm.s32 $0x1;
	v3 =	vld.idx.msk [tilespmem:v1+s3+$0x0], $0xffff  }
0x6f: {  	s17 =	simm.s32 $0x900;
	v4 =	vmov s20;
	v1 =	vld.idx.msk [tilespmem:v2+s3+$0x0], $0xffff  }
0x70: {  	v2 =	vand.u32 $0x7D, v4;
	v4 =	vld [tilespmem:s17+$0xF0]  }
0x71: {  	v5 =	vld [tilespmem:s17+$0xFFFFFF00]  }
0x72: {  	v6 =	vld [tilespmem:s17+$0xFFFFFF10];
	v2 =	vor.u32 $0x100, v2  }
0x73: {  	v7 =	vld [tilespmem:s17+$0xFFFFFF20];
	v2 =	vbroadcast v2, $0x0  }
0x74: {  	v8 =	vld [tilespmem:s17+$0xFFFFFF30]  }
0x75: {  	v9 =	vld [tilespmem:s17+$0xFFFFFF40]  }
0x76: {  	v10 =	vld [tilespmem:s17+$0xFFFFFF50];
	v5 =	vmul.f32 v3, v5  }
0x77: {  	v11 =	vld [tilespmem:s17+$0xFFFFFF60]  }
0x78: {  	s22 =	simm.s32 $0x2;
	v4 =	vmul.f32 v1, v4;
	[tilespmem:s17+$0xFFFFFF00] =	vst v5;
	v5 =	vld [tilespmem:s17+$0xFFFFFF70]  }
0x79: {  	v12 =	vmov s22;
	v6 =	vmul.f32 v3, v6;
	v13 =	vld.idx.msk [tilespmem:v2+s3+$0x0], $0xffff  }
0x7a: {  	[tilespmem:s17+$0xF0] =	vst v4;
	v4 =	vmul.f32 v3, v7;
	v2 =	vand.u32 $0x7E, v12;
	v12 =	vld [tilespmem:s17+$0xFFFFFF80]  }
0x7b: {  	v7 =	vld [tilespmem:s17+$0xFFFFFF90];
	[tilespmem:s17+$0xFFFFFF10] =	vst v6;
	v6 =	vmul.f32 v3, v8;
	v2 =	vor.u32 $0x100, v2  }
0x7c: {  	v8 =	vld [tilespmem:s17+$0xFFFFFFA0];
	[tilespmem:s17+$0xFFFFFF20] =	vst v4;
	v4 =	vmul.f32 v3, v9;
	v2 =	vbroadcast v2, $0x0  }
0x7d: {  	v9 =	vld [tilespmem:s17+$0xFFFFFFB0];
	[tilespmem:s17+$0xFFFFFF30] =	vst v6;
	v6 =	vmul.f32 v3, v10  }
0x7e: {  	v11 =	vmul.f32 v3, v11;
	v10 =	vld [tilespmem:s17+$0xFFFFFFC0];
	[tilespmem:s17+$0xFFFFFF40] =	vst v4;
	v3 =	vmul.f32 v3, v5  }
0x7f: {  	[tilespmem:s17+$0xFFFFFF50] =	vst v6;
	v6 =	vld [tilespmem:s17+$0xFFFFFFE0];
	v4 =	vmul.f32 v13, v12  }
0x80: {  	v12 =	vld [tilespmem:s17+$0xFFFFFFD0];
	[tilespmem:s17+$0xFFFFFF70] =	vst v3  }
0x81: {  	v3 =	vmul.f32 v13, v8;
	[tilespmem:s17+$0xFFFFFF80] =	vst v4;
	v4 =	vmul.f32 v13, v7;
	v7 =	vld [tilespmem:s17+$0x0]  }
0x82: {  	[tilespmem:s17+$0xFFFFFF60] =	vst v11;
	v2 =	vld.idx.msk [tilespmem:v2+s3+$0x0], $0xffff  }
0x83: {  	v5 =	vld [tilespmem:s17+$0xFFFFFFF0];
	[tilespmem:s17+$0xFFFFFFA0] =	vst v3;
	v3 =	vmul.f32 v13, v10  }
0x84: {  	v8 =	vld [tilespmem:s17+$0x10];
	[tilespmem:s17+$0xFFFFFF90] =	vst v4;
	v4 =	vmul.f32 v13, v9  }
0x85: {  	s19 =	simm.s32 $0x4;
	v6 =	vmul.f32 v13, v6;
	v9 =	vld [tilespmem:s17+$0x20];
	[tilespmem:s17+$0xFFFFFFC0] =	vst v3  }
0x86: {  	v11 =	vmov s19;
	v10 =	vld [tilespmem:s17+$0x30];
	[tilespmem:s17+$0xFFFFFFB0] =	vst v4;
	v4 =	vmul.f32 v13, v12  }
0x87: {  	v11 =	vand.u32 $0x7C, v11;
	v3 =	vld [tilespmem:s17+$0x40];
	[tilespmem:s17+$0xFFFFFFE0] =	vst v6;
	v7 =	vmul.f32 v2, v7  }
0x88: {  	s20 =	simm.s32 $0x5;
	s22 =	simm.s32 $0x6;
	v6 =	vor.u32 $0x100, v11;
	v12 =	vmul.f32 v13, v5;
	[tilespmem:s17+$0xFFFFFFD0] =	vst v4;
	v4 =	vld [tilespmem:s17+$0x50]  }
0x89: {  	v13 =	vmov s20;
	v5 =	vld [tilespmem:s17+$0x60];
	v8 =	vmul.f32 v2, v8;
	[tilespmem:s17+$0x0] =	vst v7;
	v7 =	vmov s22  }
0x8a: {  	s16 =	smul.u32 $0x3, s14;
	[tilespmem:s17+$0xFFFFFFF0] =	vst v12;
	v12 =	vand.u32 $0x7D, v13;
	v9 =	vmul.f32 v2, v9;
	v11 =	vand.u32 $0x7E, v7;
	v7 =	vld [tilespmem:s17+$0x70]  }
0x8b: {  	s19 =	simm.s32 $0x900;
	v6 =	vbroadcast v6, $0x0;
	s20 =	simm.s32 $0x8;
	v10 =	vmul.f32 v2, v10;
	v12 =	vor.u32 $0x100, v12;
	s22 =	simm.s32 $0x7;
	[tilespmem:s17+$0x10] =	vst v8;
	v8 =	vld [tilespmem:s17+$0x80]  }
.LBB2_5:
0x8c: {  	p1 =	slt.u32 s20, $0x5C;
	v11 =	vor.u32 $0x100, v11;
	v13 =	vmov s22;
	[tilespmem:s17+$0x20] =	vst v9;
	v3 =	vmul.f32 v2, v3;
	v9 =	vld [tilespmem:s17+$0x90]  }
0x8d: {  	v12 =	vbroadcast v12, $0x0;
	v13 =	vand.u32 $0x7F, v13;
	[tilespmem:s17+$0x30] =	vst v10;
	v4 =	vmul.f32 v2, v4;
	v10 =	vld [tilespmem:s17+$0xA0]  }
0x8e: {  	v11 =	vbroadcast v11, $0x0;
	v13 =	vor.u32 $0x100, v13;
	[tilespmem:s17+$0x40] =	vst v3;
	v3 =	vmul.f32 v2, v5;
	v5 =	vld [tilespmem:s17+$0xB0]  }
0x8f: {  	v13 =	vbroadcast v13, $0x0;
	[tilespmem:s17+$0x50] =	vst v4;
	v2 =	vmul.f32 v2, v7;
	v4 =	vld [tilespmem:s17+$0xC0]  }
0x90: {  	[tilespmem:s17+$0x60] =	vst v3;
	v3 =	vmul.f32 v1, v8;
	v7 =	vld [tilespmem:s17+$0xD0]  }
0x91: {  	[tilespmem:s17+$0x70] =	vst v2;
	v2 =	vmul.f32 v1, v9;
	v8 =	vld [tilespmem:s17+$0xE0]  }
0x92: {  	v6 =	vld.idx.msk [tilespmem:v6+s3+$0x0], $0xffff;
	[tilespmem:s17+$0x80] =	vst v3;
	v3 =	vmul.f32 v1, v10  }
0x93: {  	v9 =	vld.idx.msk [tilespmem:v12+s3+$0x0], $0xffff;
	[tilespmem:s17+$0x90] =	vst v2;
	v5 =	vmul.f32 v1, v5  }
0x94: {  	v2 =	vld.idx.msk [tilespmem:v11+s3+$0x0], $0xffff;
	[tilespmem:s17+$0xA0] =	vst v3;
	v3 =	vmul.f32 v1, v4  }
0x95: {  	s17 =	sadd.s32 $0x200, s17;
	v4 =	vld.idx.msk [tilespmem:v13+s3+$0x0], $0xffff;
	[tilespmem:s19+$0xB0] =	vst v5;
	v5 =	vmul.f32 v1, v7  }
0x96: {  	v7 =	vld [tilespmem:s17+$0xF0];
	[tilespmem:s19+$0xC0] =	vst v3;
	v1 =	vmul.f32 v1, v8  }
0x97: {  	v3 =	vld [tilespmem:s17+$0xFFFFFF00];
	[tilespmem:s19+$0xD0] =	vst v5  }
0x98: {  	v5 =	vld [tilespmem:s17+$0xFFFFFF10];
	[tilespmem:s19+$0xE0] =	vst v1;
	s19 =	smov.u32 s17  }
0x99: {  	v8 =	vld [tilespmem:s17+$0xFFFFFF20]  }
0x9a: {  	v10 =	vld [tilespmem:s17+$0xFFFFFF30]  }
0x9b: {  	v1 =	vmov v4;
	v11 =	vld [tilespmem:s17+$0xFFFFFF40];
	v7 =	vmul.f32 v4, v7  }
0x9c: {  	v3 =	vmul.f32 v6, v3;
	v4 =	vld [tilespmem:s17+$0xFFFFFF50]  }
0x9d: {  	v5 =	vmul.f32 v6, v5;
	v12 =	vld [tilespmem:s17+$0xFFFFFF60];
	[tilespmem:s17+$0xF0] =	vst v7  }
0x9e: {  	[tilespmem:s17+$0xFFFFFF00] =	vst v3;
	v3 =	vmul.f32 v6, v8;
	v7 =	vld [tilespmem:s17+$0xFFFFFF70]  }
0x9f: {  	[tilespmem:s17+$0xFFFFFF10] =	vst v5;
	v5 =	vmul.f32 v6, v10;
	v8 =	vld [tilespmem:s17+$0xFFFFFF80]  }
0xa0: {  	[tilespmem:s17+$0xFFFFFF20] =	vst v3;
	v3 =	vmul.f32 v6, v11;
	v10 =	vld [tilespmem:s17+$0xFFFFFF90]  }
0xa1: {  	[tilespmem:s17+$0xFFFFFF30] =	vst v5;
	v4 =	vmul.f32 v6, v4;
	v5 =	vld [tilespmem:s17+$0xFFFFFFA0]  }
0xa2: {  	[tilespmem:s17+$0xFFFFFF40] =	vst v3;
	v3 =	vmul.f32 v6, v12;
	v11 =	vld [tilespmem:s17+$0xFFFFFFB0]  }
0xa3: {  	[tilespmem:s17+$0xFFFFFF50] =	vst v4;
	v4 =	vmul.f32 v6, v7;
	v6 =	vld [tilespmem:s17+$0xFFFFFFC0]  }
0xa4: {  	[tilespmem:s17+$0xFFFFFF60] =	vst v3;
	v3 =	vmul.f32 v9, v8;
	v7 =	vld [tilespmem:s17+$0xFFFFFFD0]  }
0xa5: {  	[tilespmem:s17+$0xFFFFFF70] =	vst v4;
	v4 =	vmul.f32 v9, v10;
	v8 =	vld [tilespmem:s17+$0xFFFFFFE0]  }
0xa6: {  	[tilespmem:s17+$0xFFFFFF80] =	vst v3;
	v3 =	vmul.f32 v9, v5;
	v5 =	vld [tilespmem:s17+$0xFFFFFFF0]  }
0xa7: {  	[tilespmem:s17+$0xFFFFFF90] =	vst v4;
	v4 =	vmul.f32 v9, v11;
	v10 =	vld [tilespmem:s17+$0x0]  }
0xa8: {  	[tilespmem:s17+$0xFFFFFFA0] =	vst v3;
	v3 =	vmul.f32 v9, v6;
	v6 =	vld [tilespmem:s17+$0x10]  }
0xa9: {  	[tilespmem:s17+$0xFFFFFFB0] =	vst v4;
	v4 =	vmul.f32 v9, v7;
	v7 =	vld [tilespmem:s17+$0x20]  }
0xaa: {  	[tilespmem:s17+$0xFFFFFFC0] =	vst v3;
	v8 =	vmul.f32 v9, v8;
	v13 =	vld [tilespmem:s17+$0x30]  }
.Ltmp1:
0xab: {  	s22 =	sadd.s32 $0x1, s20;
	v11 =	vmov s20;
	[tilespmem:s17+$0xFFFFFFD0] =	vst v4;
	v5 =	vmul.f32 v9, v5;
	v3 =	vld [tilespmem:s17+$0x40];
	(pc) =	sbr.rel @p1 .LBB2_5-.Ltmp1, $4  }
0xac: {  	v9 =	vand.u32 $0x7C, v11;
	v11 =	vmov s22;
	s22 =	sadd.s32 $0x2, s20;
	[tilespmem:s17+$0xFFFFFFE0] =	vst v8;
	v8 =	vmul.f32 v2, v10;
	v4 =	vld [tilespmem:s17+$0x50]  }
0xad: {  	v10 =	vor.u32 $0x100, v9;
	v9 =	vmov s22;
	[tilespmem:s17+$0xFFFFFFF0] =	vst v5;
	v14 =	vmul.f32 v2, v6;
	v5 =	vld [tilespmem:s17+$0x60]  }
0xae: {  	v12 =	vand.u32 $0x7D, v11;
	v11 =	vand.u32 $0x7E, v9;
	[tilespmem:s17+$0x0] =	vst v8;
	v9 =	vmul.f32 v2, v7;
	v7 =	vld [tilespmem:s17+$0x70]  }
0xaf: {  	s22 =	sadd.s32 $0x3, s20;
	s20 =	sadd.s32 $0x4, s20;
	v6 =	vbroadcast v10, $0x0;
	v12 =	vor.u32 $0x100, v12;
	[tilespmem:s17+$0x10] =	vst v14;
	v10 =	vmul.f32 v2, v13;
	v8 =	vld [tilespmem:s17+$0x80]  }
0xb0: {  	v14 =	vld [tilespmem:s17+$0x90]  }
0xb1: {  	v15 =	vld [tilespmem:s17+$0xA0]  }
0xb2: {  	v13 =	vmov s22;
	v11 =	vor.u32 $0x100, v11;
	v12 =	vbroadcast v12, $0x0;
	v16 =	vld [tilespmem:s17+$0xB0]  }
0xb3: {  	v17 =	vld [tilespmem:s17+$0xC0];
	[tilespmem:s17+$0x20] =	vst v9;
	v3 =	vmul.f32 v2, v3;
	v13 =	vand.u32 $0x7F, v13;
	v11 =	vbroadcast v11, $0x0  }
0xb4: {  	v9 =	vld [tilespmem:s17+$0xD0];
	[tilespmem:s17+$0x30] =	vst v10;
	v4 =	vmul.f32 v2, v4;
	v13 =	vor.u32 $0x100, v13  }
0xb5: {  	v10 =	vld [tilespmem:s17+$0xE0];
	[tilespmem:s17+$0x40] =	vst v3;
	v3 =	vmul.f32 v2, v5;
	v13 =	vbroadcast v13, $0x0  }
0xb6: {  	s20 =	sadd.s32 $0x200, s17;
	v5 =	vld.idx.msk [tilespmem:v6+s3+$0x0], $0xffff;
	[tilespmem:s17+$0x50] =	vst v4;
	v2 =	vmul.f32 v2, v7  }
0xb7: {  	[tilespmem:s17+$0x60] =	vst v3;
	v3 =	vmul.f32 v1, v8;
	v8 =	vld [tilespmem:s20+$0xF0]  }
0xb8: {  	[tilespmem:s17+$0x70] =	vst v2;
	v2 =	vmul.f32 v1, v14;
	v4 =	vld.idx.msk [tilespmem:v12+s3+$0x0], $0xffff  }
0xb9: {  	[tilespmem:s17+$0x80] =	vst v3;
	v3 =	vmul.f32 v1, v15;
	v6 =	vld.idx.msk [tilespmem:v11+s3+$0x0], $0xffff  }
0xba: {  	[tilespmem:s17+$0x90] =	vst v2;
	v2 =	vmul.f32 v1, v16;
	v11 =	vld [tilespmem:s20+$0xFFFFFF00]  }
0xbb: {  	[tilespmem:s17+$0xA0] =	vst v3;
	v3 =	vmul.f32 v1, v17;
	v7 =	vld.idx.msk [tilespmem:v13+s3+$0x0], $0xffff  }
0xbc: {  	v12 =	vld [tilespmem:s20+$0xFFFFFF10];
	[tilespmem:s19+$0xB0] =	vst v2;
	v2 =	vmul.f32 v1, v9  }
0xbd: {  	v9 =	vld [tilespmem:s20+$0xFFFFFF20];
	v1 =	vmul.f32 v1, v10;
	[tilespmem:s19+$0xC0] =	vst v3  }
0xbe: {  	v3 =	vld [tilespmem:s20+$0xFFFFFF30];
	[tilespmem:s19+$0xD0] =	vst v2  }
0xbf: {  	v2 =	vld [tilespmem:s20+$0xFFFFFF40];
	[tilespmem:s19+$0xE0] =	vst v1;
	v1 =	vmul.f32 v5, v11  }
0xc0: {  	v10 =	vld [tilespmem:s20+$0xFFFFFF50];
	v8 =	vmul.f32 v7, v8  }
0xc1: {  	v11 =	vmul.f32 v5, v12;
	v12 =	vld [tilespmem:s20+$0xFFFFFF60];
	[tilespmem:s20+$0xFFFFFF00] =	vst v1  }
0xc2: {  	v1 =	vmul.f32 v5, v9;
	[tilespmem:s20+$0xF0] =	vst v8;
	v8 =	vld [tilespmem:s20+$0xFFFFFF70]  }
0xc3: {  	[tilespmem:s20+$0xFFFFFF10] =	vst v11;
	v9 =	vld [tilespmem:s20+$0xFFFFFF80];
	v3 =	vmul.f32 v5, v3  }
0xc4: {  	[tilespmem:s20+$0xFFFFFF20] =	vst v1;
	v1 =	vmul.f32 v5, v2;
	v2 =	vld [tilespmem:s20+$0xFFFFFF90]  }
0xc5: {  	[tilespmem:s20+$0xFFFFFF30] =	vst v3;
	v3 =	vmul.f32 v5, v10;
	v10 =	vld [tilespmem:s20+$0xFFFFFFA0]  }
0xc6: {  	v11 =	vld [tilespmem:s20+$0xFFFFFFB0];
	[tilespmem:s20+$0xFFFFFF40] =	vst v1;
	v1 =	vmul.f32 v5, v12  }
0xc7: {  	[tilespmem:s20+$0xFFFFFF50] =	vst v3;
	v3 =	vmul.f32 v5, v8;
	v5 =	vld [tilespmem:s20+$0xFFFFFFC0]  }
0xc8: {  	[tilespmem:s20+$0xFFFFFF60] =	vst v1;
	v1 =	vmul.f32 v4, v9;
	v8 =	vld [tilespmem:s20+$0xFFFFFFD0]  }
0xc9: {  	v2 =	vmul.f32 v4, v2;
	[tilespmem:s20+$0xFFFFFF70] =	vst v3;
	v3 =	vld [tilespmem:s20+$0xFFFFFFE0]  }
0xca: {  	v9 =	vld [tilespmem:s20+$0xFFFFFFF0];
	[tilespmem:s20+$0xFFFFFF80] =	vst v1;
	v1 =	vmul.f32 v4, v10  }
0xcb: {  	v10 =	vld [tilespmem:s20+$0x0];
	[tilespmem:s20+$0xFFFFFF90] =	vst v2;
	v2 =	vmul.f32 v4, v11  }
0xcc: {  	[tilespmem:s20+$0xFFFFFFA0] =	vst v1;
	v1 =	vmul.f32 v4, v5;
	v5 =	vld [tilespmem:s20+$0x10]  }
0xcd: {  	[tilespmem:s20+$0xFFFFFFB0] =	vst v2;
	v2 =	vmul.f32 v4, v8;
	v8 =	vld [tilespmem:s20+$0x20]  }
0xce: {  	[tilespmem:s20+$0xFFFFFFC0] =	vst v1;
	v1 =	vmul.f32 v4, v3;
	v3 =	vld [tilespmem:s20+$0x30]  }
0xcf: {  	[tilespmem:s20+$0xFFFFFFD0] =	vst v2;
	v2 =	vmul.f32 v4, v9;
	v4 =	vld [tilespmem:s20+$0x40]  }
0xd0: {  	v9 =	vld [tilespmem:s20+$0x50];
	[tilespmem:s20+$0xFFFFFFE0] =	vst v1;
	v1 =	vmul.f32 v6, v10  }
0xd1: {  	[tilespmem:s20+$0xFFFFFFF0] =	vst v2;
	v2 =	vmul.f32 v6, v5;
	v5 =	vld [tilespmem:s20+$0x60]  }
0xd2: {  	[tilespmem:s20+$0x0] =	vst v1;
	v1 =	vmul.f32 v6, v8;
	v8 =	vld [tilespmem:s20+$0x70]  }
0xd3: {  	[tilespmem:s20+$0x10] =	vst v2;
	v2 =	vmul.f32 v6, v3;
	v3 =	vld [tilespmem:s20+$0x80]  }
0xd4: {  	[tilespmem:s20+$0x20] =	vst v1;
	v1 =	vmul.f32 v6, v4;
	v4 =	vld [tilespmem:s20+$0x90]  }
0xd5: {  	[tilespmem:s20+$0x30] =	vst v2;
	v2 =	vmul.f32 v6, v9;
	v9 =	vld [tilespmem:s20+$0xA0]  }
0xd6: {  	[tilespmem:s20+$0x40] =	vst v1;
	v1 =	vmul.f32 v6, v5;
	v5 =	vld [tilespmem:s20+$0xB0]  }
0xd7: {  	[tilespmem:s20+$0x50] =	vst v2;
	v2 =	vmul.f32 v6, v8;
	v6 =	vld [tilespmem:s20+$0xC0]  }
0xd8: {  	[tilespmem:s20+$0x60] =	vst v1;
	v1 =	vmul.f32 v7, v3;
	v3 =	vld [tilespmem:s20+$0xD0]  }
0xd9: {  	[tilespmem:s20+$0x70] =	vst v2;
	v2 =	vmul.f32 v7, v4;
	v4 =	vld [tilespmem:s20+$0xE0]  }
0xda: {  	[tilespmem:s20+$0x80] =	vst v1;
	v1 =	vmul.f32 v7, v9  }
0xdb: {  	[tilespmem:s20+$0x90] =	vst v2;
	v2 =	vmul.f32 v7, v5  }
0xdc: {  	[tilespmem:s20+$0xA0] =	vst v1;
	v1 =	vmul.f32 v7, v6  }
0xdd: {  	[tilespmem:s20+$0xB0] =	vst v2;
	v2 =	vmul.f32 v7, v3  }
0xde: {  	[tilespmem:s20+$0xC0] =	vst v1;
	v1 =	vmul.f32 v7, v4  }
0xdf: {  	[tilespmem:s20+$0xD0] =	vst v2  }
0xe0: {  	[tilespmem:s20+$0xE0] =	vst v1  }
0xe1: {  	v1 =	vld [tilespmem:$0x80];
	_ =	sdelay $0x7  }
0xe2: {  	[spmem:s2] =	stream.indirect_vreg.scatter.add.f32 [tilespmem:s21], [sflag:$0x7], $0x80, v1, vm0, $0xb8;
	[tilespmem:$0x1E800] =	vst v63  }
0xe3: {  	v1 =	vld [tilespmem:$0x90];
	_ =	sdelay $0x6  }
0xe4: {  	s19 =	simm.s32 $0x1000  }
0xe5: {  	[spmem:s2] =	stream.indirect_vreg.scatter.add.f32 [tilespmem:s19], [sflag:$0x7], $0x80, v1, vm0, $0xb8;
	[tilespmem:$0x1E800] =	vst v63  }
0xe6: {  	v1 =	vld [tilespmem:$0xA0];
	_ =	sdelay $0x6  }
0xe7: {  	s20 =	simm.s32 $0x1800  }
0xe8: {  	[spmem:s2] =	stream.indirect_vreg.scatter.add.f32 [tilespmem:s20], [sflag:$0x7], $0x80, v1, vm0, $0xb8;
	[tilespmem:$0x1E800] =	vst v63  }
0xe9: {  	v1 =	vld [tilespmem:$0xB0];
	_ =	sdelay $0x6  }
0xea: {  	s22 =	simm.s32 $0x2000  }
0xeb: {  	[spmem:s2] =	stream.indirect_vreg.scatter.add.f32 [tilespmem:s22], [sflag:$0x7], $0x80, v1, vm0, $0xb8;
	[tilespmem:$0x1E800] =	vst v63  }
0xec: {  	v1 =	vld [tilespmem:$0xC0];
	_ =	sdelay $0x6  }
0xed: {  	s19 =	simm.s32 $0x2800  }
0xee: {  	[spmem:s2] =	stream.indirect_vreg.scatter.add.f32 [tilespmem:s19], [sflag:$0x7], $0x80, v1, vm0, $0xb8;
	[tilespmem:$0x1E800] =	vst v63  }
0xef: {  	v1 =	vld [tilespmem:$0xD0];
	_ =	sdelay $0x1  }
0xf0: {  	s17 =	sadd.s32 $0x3, s16  }
0xf1: {  	p1 =	slt.s32 s17, s6;
	s19 =	smov.u32 s6  }
0xf2: {  	s19 =	smov.u32 @p1 s17  }
0xf3: {  	s17 =	sshll.u32 s19, $0x9  }
0xf4: {  	s17 =	sadd.s32 s8, s17  }
0xf5: {  	s20 =	simm.s32 $0x3000;
	s17 =	sshrl.u32 s17, $0x3  }
0xf6: {  	[spmem:s2] =	stream.indirect_vreg.scatter.add.f32 [tilespmem:s20], [sflag:$0x7], $0x80, v1, vm0, $0xb8;
	[tilespmem:$0x1E800] =	vst v63  }
0xf7: {  	s17 =	sadd.s32 s5, s17  }
0xf8: {  	[tilespmem:s3], [sflag:$0x1] =	stream.linear.gather [hbm4b:s17+s3], $0x180, $0x38;
	[tilespmem:$0x1E800] =	vst v63  }
0xf9: {  	s17 =	simm.s32 @!p0 $0x9  }
0xfa: {  	_ =	swait.ge @!p0 [sflag:s17], $0x800  }
0xfb: {  	[sflag:s17] =	ssyncset.done @!p0 $0x0  }
0xfc: {  	[sflag:s17] =	ssyncadd.s32 @!p0 $0xFFFFF800  }
0xfd: {  	_ =	swait.ge @!p0 [sflag:s17], $0x800  }
0xfe: {  	[sflag:s17] =	ssyncset.done @!p0 $0x0  }
0xff: {  	[sflag:s17] =	ssyncadd.s32 @!p0 $0xFFFFF800  }
0x100: {  	_ =	swait.ge @!p0 [sflag:s17], $0x800  }
0x101: {  	[sflag:s17] =	ssyncset.done @!p0 $0x0  }
0x102: {  	[sflag:s17] =	ssyncadd.s32 @!p0 $0xFFFFF800  }
0x103: {  	_ =	swait.ge @!p0 [sflag:s17], $0x800  }
0x104: {  	[sflag:s17] =	ssyncset.done @!p0 $0x0  }
0x105: {  	[sflag:s17] =	ssyncadd.s32 @!p0 $0xFFFFF800  }
0x106: {  	_ =	swait.ge @!p0 [sflag:s17], $0x800  }
0x107: {  	[sflag:s17] =	ssyncset.done @!p0 $0x0  }
0x108: {  	[sflag:s17] =	ssyncadd.s32 @!p0 $0xFFFFF800  }
0x109: {  	s22 =	simm.s32 $0x0;
	_ =	swait.ge @!p0 [sflag:s17], $0x800  }
0x10a: {  	v1 =	vmov s22;
	s20 =	simm.s32 $0x3;
	[sflag:s17] =	ssyncset.done @!p0 $0x0  }
0x10b: {  	v1 =	vand.u32 $0x7C, v1;
	v2 =	vmov s20;
	[sflag:s17] =	ssyncadd.s32 @!p0 $0xFFFFF800  }
0x10c: {  	v1 =	vor.u32 $0x280, v1;
	v2 =	vand.u32 $0x7F, v2;
	_ =	swait.ge [sflag:s11], $0x180  }
0x10d: {  	v1 =	vbroadcast v1, $0x0;
	v2 =	vor.u32 $0x280, v2;
	[sflag:s11] =	ssyncset.done $0x0  }
0x10e: {  	v2 =	vbroadcast v2, $0x0;
	[sflag:s11] =	ssyncadd.s32 $0xFFFFFE80  }
0x10f: {  	[tilespmem:s12], [sflag:$0x6] =	stream.indirect.gather [hbm4b:s1+s26], $0x80, s24, s26, $0xb8;
	[tilespmem:$0x1E800] =	vst v63  }
0x110: {  	_ =	swait.ge [sflag:s13], $0x3000  }
0x111: {  	[sflag:s13] =	ssyncset.done $0x0  }
0x112: {  	[sflag:s13] =	ssyncadd.s32 $0xFFFFD000  }
0x113: {  	s22 =	simm.s32 $0x1;
	v3 =	vld.idx.msk [tilespmem:v1+s3+$0x0], $0xffff  }
0x114: {  	v4 =	vmov s22;
	s17 =	simm.s32 $0x3900;
	v1 =	vld.idx.msk [tilespmem:v2+s3+$0x0], $0xffff  }
0x115: {  	v2 =	vand.u32 $0x7D, v4;
	v4 =	vld [tilespmem:s17+$0xF0]  }
0x116: {  	v5 =	vld [tilespmem:s17+$0xFFFFFF00]  }
0x117: {  	v6 =	vld [tilespmem:s17+$0xFFFFFF10]  }
0x118: {  	v7 =	vld [tilespmem:s17+$0xFFFFFF20];
	v2 =	vor.u32 $0x280, v2  }
0x119: {  	v8 =	vld [tilespmem:s17+$0xFFFFFF30];
	v2 =	vbroadcast v2, $0x0  }
0x11a: {  	v9 =	vld [tilespmem:s17+$0xFFFFFF40]  }
0x11b: {  	v10 =	vld [tilespmem:s17+$0xFFFFFF50];
	v5 =	vmul.f32 v3, v5  }
0x11c: {  	v11 =	vld [tilespmem:s17+$0xFFFFFF60];
	v4 =	vmul.f32 v1, v4  }
0x11d: {  	[tilespmem:s17+$0xFFFFFF00] =	vst v5;
	v5 =	vld [tilespmem:s17+$0xFFFFFF70]  }
0x11e: {  	s20 =	simm.s32 $0x2;
	v6 =	vmul.f32 v3, v6;
	[tilespmem:s17+$0xF0] =	vst v4;
	v4 =	vmul.f32 v3, v7;
	v7 =	vld [tilespmem:s17+$0xFFFFFF90]  }
0x11f: {  	v12 =	vmov s20;
	v13 =	vld.idx.msk [tilespmem:v2+s3+$0x0], $0xffff  }
0x120: {  	[tilespmem:s17+$0xFFFFFF10] =	vst v6;
	v6 =	vmul.f32 v3, v8;
	v2 =	vand.u32 $0x7E, v12;
	v12 =	vld [tilespmem:s17+$0xFFFFFF80]  }
0x121: {  	v11 =	vmul.f32 v3, v11;
	v8 =	vld [tilespmem:s17+$0xFFFFFFA0];
	v2 =	vor.u32 $0x280, v2;
	[tilespmem:s17+$0xFFFFFF20] =	vst v4;
	v4 =	vmul.f32 v3, v9  }
0x122: {  	v9 =	vld [tilespmem:s17+$0xFFFFFFB0];
	[tilespmem:s17+$0xFFFFFF30] =	vst v6;
	v6 =	vmul.f32 v3, v10;
	v2 =	vbroadcast v2, $0x0  }
0x123: {  	[tilespmem:s17+$0xFFFFFF60] =	vst v11;
	v10 =	vld [tilespmem:s17+$0xFFFFFFC0]  }
0x124: {  	[tilespmem:s17+$0xFFFFFF50] =	vst v6;
	v6 =	vld [tilespmem:s17+$0xFFFFFFE0];
	v3 =	vmul.f32 v3, v5  }
0x125: {  	[tilespmem:s17+$0xFFFFFF40] =	vst v4;
	v5 =	vld [tilespmem:s17+$0xFFFFFFF0];
	v4 =	vmul.f32 v13, v12  }
0x126: {  	v12 =	vld [tilespmem:s17+$0xFFFFFFD0];
	[tilespmem:s17+$0xFFFFFF70] =	vst v3;
	v3 =	vmul.f32 v13, v8  }
0x127: {  	[tilespmem:s17+$0xFFFFFF80] =	vst v4;
	v4 =	vmul.f32 v13, v7;
	v7 =	vld [tilespmem:s17+$0x0]  }
0x128: {  	v2 =	vld.idx.msk [tilespmem:v2+s3+$0x0], $0xffff;
	[tilespmem:s17+$0xFFFFFFA0] =	vst v3;
	v3 =	vmul.f32 v13, v10  }
0x129: {  	v8 =	vld [tilespmem:s17+$0x10];
	[tilespmem:s17+$0xFFFFFF90] =	vst v4;
	v4 =	vmul.f32 v13, v9  }
0x12a: {  	s22 =	simm.s32 $0x4;
	v6 =	vmul.f32 v13, v6;
	v9 =	vld [tilespmem:s17+$0x20];
	[tilespmem:s17+$0xFFFFFFC0] =	vst v3  }
0x12b: {  	v11 =	vmov s22;
	v10 =	vld [tilespmem:s17+$0x30];
	[tilespmem:s17+$0xFFFFFFB0] =	vst v4;
	v4 =	vmul.f32 v13, v12  }
0x12c: {  	v11 =	vand.u32 $0x7C, v11;
	v3 =	vld [tilespmem:s17+$0x40];
	[tilespmem:s17+$0xFFFFFFE0] =	vst v6;
	v12 =	vmul.f32 v13, v5  }
0x12d: {  	s20 =	simm.s32 $0x5;
	s22 =	simm.s32 $0x6;
	v6 =	vor.u32 $0x280, v11;
	[tilespmem:s17+$0xFFFFFFD0] =	vst v4;
	v7 =	vmul.f32 v2, v7;
	v4 =	vld [tilespmem:s17+$0x50]  }
0x12e: {  	v11 =	vmov s22;
	v13 =	vmov s20;
	v5 =	vld [tilespmem:s17+$0x60];
	v8 =	vmul.f32 v2, v8;
	[tilespmem:s17+$0xFFFFFFF0] =	vst v12  }
0x12f: {  	v11 =	vand.u32 $0x7E, v11;
	v12 =	vand.u32 $0x7D, v13;
	v9 =	vmul.f32 v2, v9;
	[tilespmem:s17+$0x0] =	vst v7;
	v7 =	vld [tilespmem:s17+$0x70]  }
0x130: {  	s19 =	simm.s32 $0x3900;
	s22 =	simm.s32 $0x7;
	v6 =	vbroadcast v6, $0x0;
	s20 =	simm.s32 $0x8;
	v10 =	vmul.f32 v2, v10;
	v12 =	vor.u32 $0x280, v12;
	[tilespmem:s17+$0x10] =	vst v8;
	v8 =	vld [tilespmem:s17+$0x80]  }
.LBB2_7:
0x131: {  	p0 =	slt.u32 s20, $0x5C;
	v11 =	vor.u32 $0x280, v11;
	v13 =	vmov s22;
	[tilespmem:s17+$0x20] =	vst v9;
	v3 =	vmul.f32 v2, v3;
	v9 =	vld [tilespmem:s17+$0x90]  }
0x132: {  	v12 =	vbroadcast v12, $0x0;
	v13 =	vand.u32 $0x7F, v13;
	[tilespmem:s17+$0x30] =	vst v10;
	v4 =	vmul.f32 v2, v4;
	v10 =	vld [tilespmem:s17+$0xA0]  }
0x133: {  	v11 =	vbroadcast v11, $0x0;
	v13 =	vor.u32 $0x280, v13;
	[tilespmem:s17+$0x40] =	vst v3;
	v3 =	vmul.f32 v2, v5;
	v5 =	vld [tilespmem:s17+$0xB0]  }
0x134: {  	v13 =	vbroadcast v13, $0x0;
	[tilespmem:s17+$0x50] =	vst v4;
	v2 =	vmul.f32 v2, v7;
	v4 =	vld [tilespmem:s17+$0xC0]  }
0x135: {  	[tilespmem:s17+$0x60] =	vst v3;
	v3 =	vmul.f32 v1, v8;
	v7 =	vld [tilespmem:s17+$0xD0]  }
0x136: {  	[tilespmem:s17+$0x70] =	vst v2;
	v2 =	vmul.f32 v1, v9;
	v8 =	vld [tilespmem:s17+$0xE0]  }
0x137: {  	v6 =	vld.idx.msk [tilespmem:v6+s3+$0x0], $0xffff;
	[tilespmem:s17+$0x80] =	vst v3;
	v3 =	vmul.f32 v1, v10  }
0x138: {  	v9 =	vld.idx.msk [tilespmem:v12+s3+$0x0], $0xffff;
	[tilespmem:s17+$0x90] =	vst v2;
	v5 =	vmul.f32 v1, v5  }
0x139: {  	v2 =	vld.idx.msk [tilespmem:v11+s3+$0x0], $0xffff;
	[tilespmem:s17+$0xA0] =	vst v3;
	v3 =	vmul.f32 v1, v4  }
0x13a: {  	s17 =	sadd.s32 $0x200, s17;
	v4 =	vld.idx.msk [tilespmem:v13+s3+$0x0], $0xffff;
	[tilespmem:s19+$0xB0] =	vst v5;
	v5 =	vmul.f32 v1, v7  }
0x13b: {  	v7 =	vld [tilespmem:s17+$0xF0];
	[tilespmem:s19+$0xC0] =	vst v3;
	v1 =	vmul.f32 v1, v8  }
0x13c: {  	v3 =	vld [tilespmem:s17+$0xFFFFFF00];
	[tilespmem:s19+$0xD0] =	vst v5  }
0x13d: {  	v5 =	vld [tilespmem:s17+$0xFFFFFF10];
	[tilespmem:s19+$0xE0] =	vst v1;
	s19 =	smov.u32 s17  }
0x13e: {  	v8 =	vld [tilespmem:s17+$0xFFFFFF20]  }
0x13f: {  	v10 =	vld [tilespmem:s17+$0xFFFFFF30]  }
0x140: {  	v1 =	vmov v4;
	v11 =	vld [tilespmem:s17+$0xFFFFFF40];
	v7 =	vmul.f32 v4, v7  }
0x141: {  	v3 =	vmul.f32 v6, v3;
	v4 =	vld [tilespmem:s17+$0xFFFFFF50]  }
0x142: {  	v5 =	vmul.f32 v6, v5;
	v12 =	vld [tilespmem:s17+$0xFFFFFF60];
	[tilespmem:s17+$0xF0] =	vst v7  }
0x143: {  	[tilespmem:s17+$0xFFFFFF00] =	vst v3;
	v3 =	vmul.f32 v6, v8;
	v7 =	vld [tilespmem:s17+$0xFFFFFF70]  }
0x144: {  	[tilespmem:s17+$0xFFFFFF10] =	vst v5;
	v5 =	vmul.f32 v6, v10;
	v8 =	vld [tilespmem:s17+$0xFFFFFF80]  }
0x145: {  	[tilespmem:s17+$0xFFFFFF20] =	vst v3;
	v3 =	vmul.f32 v6, v11;
	v10 =	vld [tilespmem:s17+$0xFFFFFF90]  }
0x146: {  	[tilespmem:s17+$0xFFFFFF30] =	vst v5;
	v4 =	vmul.f32 v6, v4;
	v5 =	vld [tilespmem:s17+$0xFFFFFFA0]  }
0x147: {  	[tilespmem:s17+$0xFFFFFF40] =	vst v3;
	v3 =	vmul.f32 v6, v12;
	v11 =	vld [tilespmem:s17+$0xFFFFFFB0]  }
0x148: {  	[tilespmem:s17+$0xFFFFFF50] =	vst v4;
	v4 =	vmul.f32 v6, v7;
	v6 =	vld [tilespmem:s17+$0xFFFFFFC0]  }
0x149: {  	[tilespmem:s17+$0xFFFFFF60] =	vst v3;
	v3 =	vmul.f32 v9, v8;
	v7 =	vld [tilespmem:s17+$0xFFFFFFD0]  }
0x14a: {  	[tilespmem:s17+$0xFFFFFF70] =	vst v4;
	v4 =	vmul.f32 v9, v10;
	v8 =	vld [tilespmem:s17+$0xFFFFFFE0]  }
0x14b: {  	[tilespmem:s17+$0xFFFFFF80] =	vst v3;
	v3 =	vmul.f32 v9, v5;
	v5 =	vld [tilespmem:s17+$0xFFFFFFF0]  }
0x14c: {  	[tilespmem:s17+$0xFFFFFF90] =	vst v4;
	v4 =	vmul.f32 v9, v11;
	v10 =	vld [tilespmem:s17+$0x0]  }
0x14d: {  	[tilespmem:s17+$0xFFFFFFA0] =	vst v3;
	v3 =	vmul.f32 v9, v6;
	v6 =	vld [tilespmem:s17+$0x10]  }
0x14e: {  	[tilespmem:s17+$0xFFFFFFB0] =	vst v4;
	v4 =	vmul.f32 v9, v7;
	v7 =	vld [tilespmem:s17+$0x20]  }
0x14f: {  	[tilespmem:s17+$0xFFFFFFC0] =	vst v3;
	v8 =	vmul.f32 v9, v8;
	v13 =	vld [tilespmem:s17+$0x30]  }
.Ltmp2:
0x150: {  	s22 =	sadd.s32 $0x1, s20;
	v11 =	vmov s20;
	[tilespmem:s17+$0xFFFFFFD0] =	vst v4;
	v5 =	vmul.f32 v9, v5;
	v3 =	vld [tilespmem:s17+$0x40];
	(pc) =	sbr.rel @p0 .LBB2_7-.Ltmp2, $4  }
0x151: {  	v9 =	vand.u32 $0x7C, v11;
	v11 =	vmov s22;
	s22 =	sadd.s32 $0x2, s20;
	[tilespmem:s17+$0xFFFFFFE0] =	vst v8;
	v8 =	vmul.f32 v2, v10;
	v4 =	vld [tilespmem:s17+$0x50]  }
0x152: {  	v10 =	vor.u32 $0x280, v9;
	v9 =	vmov s22;
	[tilespmem:s17+$0xFFFFFFF0] =	vst v5;
	v14 =	vmul.f32 v2, v6;
	v5 =	vld [tilespmem:s17+$0x60]  }
0x153: {  	v12 =	vand.u32 $0x7D, v11;
	v11 =	vand.u32 $0x7E, v9;
	[tilespmem:s17+$0x0] =	vst v8;
	v9 =	vmul.f32 v2, v7;
	v7 =	vld [tilespmem:s17+$0x70]  }
0x154: {  	s22 =	sadd.s32 $0x3, s20;
	s20 =	sadd.s32 $0x4, s20;
	v6 =	vbroadcast v10, $0x0;
	v12 =	vor.u32 $0x280, v12;
	[tilespmem:s17+$0x10] =	vst v14;
	v10 =	vmul.f32 v2, v13;
	v8 =	vld [tilespmem:s17+$0x80]  }
0x155: {  	v14 =	vld [tilespmem:s17+$0x90]  }
0x156: {  	v15 =	vld [tilespmem:s17+$0xA0]  }
0x157: {  	v13 =	vmov s22;
	v11 =	vor.u32 $0x280, v11;
	v12 =	vbroadcast v12, $0x0;
	v16 =	vld [tilespmem:s17+$0xB0]  }
0x158: {  	v17 =	vld [tilespmem:s17+$0xC0];
	[tilespmem:s17+$0x20] =	vst v9;
	v3 =	vmul.f32 v2, v3;
	v13 =	vand.u32 $0x7F, v13;
	v11 =	vbroadcast v11, $0x0  }
0x159: {  	v9 =	vld [tilespmem:s17+$0xD0];
	[tilespmem:s17+$0x30] =	vst v10;
	v4 =	vmul.f32 v2, v4;
	v13 =	vor.u32 $0x280, v13  }
0x15a: {  	v10 =	vld [tilespmem:s17+$0xE0];
	[tilespmem:s17+$0x40] =	vst v3;
	v3 =	vmul.f32 v2, v5;
	v13 =	vbroadcast v13, $0x0  }
0x15b: {  	s20 =	sadd.s32 $0x200, s17;
	v5 =	vld.idx.msk [tilespmem:v6+s3+$0x0], $0xffff;
	[tilespmem:s17+$0x50] =	vst v4;
	v2 =	vmul.f32 v2, v7  }
0x15c: {  	[tilespmem:s17+$0x60] =	vst v3;
	v3 =	vmul.f32 v1, v8;
	v8 =	vld [tilespmem:s20+$0xF0]  }
0x15d: {  	[tilespmem:s17+$0x70] =	vst v2;
	v2 =	vmul.f32 v1, v14;
	v4 =	vld.idx.msk [tilespmem:v12+s3+$0x0], $0xffff  }
0x15e: {  	[tilespmem:s17+$0x80] =	vst v3;
	v3 =	vmul.f32 v1, v15;
	v6 =	vld.idx.msk [tilespmem:v11+s3+$0x0], $0xffff  }
0x15f: {  	[tilespmem:s17+$0x90] =	vst v2;
	v2 =	vmul.f32 v1, v16;
	v11 =	vld [tilespmem:s20+$0xFFFFFF00]  }
0x160: {  	[tilespmem:s17+$0xA0] =	vst v3;
	v3 =	vmul.f32 v1, v17;
	v7 =	vld.idx.msk [tilespmem:v13+s3+$0x0], $0xffff  }
0x161: {  	v12 =	vld [tilespmem:s20+$0xFFFFFF10];
	[tilespmem:s19+$0xB0] =	vst v2;
	v2 =	vmul.f32 v1, v9  }
0x162: {  	v9 =	vld [tilespmem:s20+$0xFFFFFF20];
	v1 =	vmul.f32 v1, v10;
	[tilespmem:s19+$0xC0] =	vst v3  }
0x163: {  	v3 =	vld [tilespmem:s20+$0xFFFFFF30];
	[tilespmem:s19+$0xD0] =	vst v2  }
0x164: {  	v2 =	vld [tilespmem:s20+$0xFFFFFF40];
	[tilespmem:s19+$0xE0] =	vst v1;
	v1 =	vmul.f32 v5, v11  }
0x165: {  	v10 =	vld [tilespmem:s20+$0xFFFFFF50];
	v8 =	vmul.f32 v7, v8  }
0x166: {  	v11 =	vmul.f32 v5, v12;
	v12 =	vld [tilespmem:s20+$0xFFFFFF60];
	[tilespmem:s20+$0xFFFFFF00] =	vst v1  }
0x167: {  	v1 =	vmul.f32 v5, v9;
	[tilespmem:s20+$0xF0] =	vst v8;
	v8 =	vld [tilespmem:s20+$0xFFFFFF70]  }
0x168: {  	[tilespmem:s20+$0xFFFFFF10] =	vst v11;
	v9 =	vld [tilespmem:s20+$0xFFFFFF80];
	v3 =	vmul.f32 v5, v3  }
0x169: {  	[tilespmem:s20+$0xFFFFFF20] =	vst v1;
	v1 =	vmul.f32 v5, v2;
	v2 =	vld [tilespmem:s20+$0xFFFFFF90]  }
0x16a: {  	[tilespmem:s20+$0xFFFFFF30] =	vst v3;
	v3 =	vmul.f32 v5, v10;
	v10 =	vld [tilespmem:s20+$0xFFFFFFA0]  }
0x16b: {  	v11 =	vld [tilespmem:s20+$0xFFFFFFB0];
	[tilespmem:s20+$0xFFFFFF40] =	vst v1;
	v1 =	vmul.f32 v5, v12  }
0x16c: {  	[tilespmem:s20+$0xFFFFFF50] =	vst v3;
	v3 =	vmul.f32 v5, v8;
	v5 =	vld [tilespmem:s20+$0xFFFFFFC0]  }
0x16d: {  	[tilespmem:s20+$0xFFFFFF60] =	vst v1;
	v1 =	vmul.f32 v4, v9;
	v8 =	vld [tilespmem:s20+$0xFFFFFFD0]  }
0x16e: {  	v2 =	vmul.f32 v4, v2;
	[tilespmem:s20+$0xFFFFFF70] =	vst v3;
	v3 =	vld [tilespmem:s20+$0xFFFFFFE0]  }
0x16f: {  	v9 =	vld [tilespmem:s20+$0xFFFFFFF0];
	[tilespmem:s20+$0xFFFFFF80] =	vst v1;
	v1 =	vmul.f32 v4, v10  }
0x170: {  	v10 =	vld [tilespmem:s20+$0x0];
	[tilespmem:s20+$0xFFFFFF90] =	vst v2;
	v2 =	vmul.f32 v4, v11  }
0x171: {  	[tilespmem:s20+$0xFFFFFFA0] =	vst v1;
	v1 =	vmul.f32 v4, v5;
	v5 =	vld [tilespmem:s20+$0x10]  }
0x172: {  	[tilespmem:s20+$0xFFFFFFB0] =	vst v2;
	v2 =	vmul.f32 v4, v8;
	v8 =	vld [tilespmem:s20+$0x20]  }
0x173: {  	[tilespmem:s20+$0xFFFFFFC0] =	vst v1;
	v1 =	vmul.f32 v4, v3;
	v3 =	vld [tilespmem:s20+$0x30]  }
0x174: {  	[tilespmem:s20+$0xFFFFFFD0] =	vst v2;
	v2 =	vmul.f32 v4, v9;
	v4 =	vld [tilespmem:s20+$0x40]  }
0x175: {  	v9 =	vld [tilespmem:s20+$0x50];
	[tilespmem:s20+$0xFFFFFFE0] =	vst v1;
	v1 =	vmul.f32 v6, v10  }
0x176: {  	[tilespmem:s20+$0xFFFFFFF0] =	vst v2;
	v2 =	vmul.f32 v6, v5;
	v5 =	vld [tilespmem:s20+$0x60]  }
0x177: {  	[tilespmem:s20+$0x0] =	vst v1;
	v1 =	vmul.f32 v6, v8;
	v8 =	vld [tilespmem:s20+$0x70]  }
0x178: {  	[tilespmem:s20+$0x10] =	vst v2;
	v2 =	vmul.f32 v6, v3;
	v3 =	vld [tilespmem:s20+$0x80]  }
0x179: {  	[tilespmem:s20+$0x20] =	vst v1;
	v1 =	vmul.f32 v6, v4;
	v4 =	vld [tilespmem:s20+$0x90]  }
0x17a: {  	[tilespmem:s20+$0x30] =	vst v2;
	v2 =	vmul.f32 v6, v9;
	v9 =	vld [tilespmem:s20+$0xA0]  }
0x17b: {  	[tilespmem:s20+$0x40] =	vst v1;
	v1 =	vmul.f32 v6, v5;
	v5 =	vld [tilespmem:s20+$0xB0]  }
0x17c: {  	[tilespmem:s20+$0x50] =	vst v2;
	v2 =	vmul.f32 v6, v8;
	v6 =	vld [tilespmem:s20+$0xC0]  }
0x17d: {  	[tilespmem:s20+$0x60] =	vst v1;
	v1 =	vmul.f32 v7, v3;
	v3 =	vld [tilespmem:s20+$0xD0]  }
0x17e: {  	[tilespmem:s20+$0x70] =	vst v2;
	v2 =	vmul.f32 v7, v4;
	v4 =	vld [tilespmem:s20+$0xE0]  }
0x17f: {  	[tilespmem:s20+$0x80] =	vst v1;
	v1 =	vmul.f32 v7, v9  }
0x180: {  	[tilespmem:s20+$0x90] =	vst v2;
	v2 =	vmul.f32 v7, v5  }
0x181: {  	[tilespmem:s20+$0xA0] =	vst v1;
	v1 =	vmul.f32 v7, v6  }
0x182: {  	[tilespmem:s20+$0xB0] =	vst v2;
	v2 =	vmul.f32 v7, v3  }
0x183: {  	[tilespmem:s20+$0xC0] =	vst v1;
	v1 =	vmul.f32 v7, v4  }
0x184: {  	[tilespmem:s20+$0xD0] =	vst v2  }
0x185: {  	[tilespmem:s20+$0xE0] =	vst v1  }
0x186: {  	v1 =	vld [tilespmem:$0x200];
	_ =	sdelay $0x7  }
0x187: {  	[spmem:s2] =	stream.indirect_vreg.scatter.add.f32 [tilespmem:s29], [sflag:$0x8], $0x80, v1, vm0, $0xb8;
	[tilespmem:$0x1E800] =	vst v63  }
0x188: {  	v1 =	vld [tilespmem:$0x210];
	_ =	sdelay $0x6  }
0x189: {  	s19 =	simm.s32 $0x4000  }
0x18a: {  	[spmem:s2] =	stream.indirect_vreg.scatter.add.f32 [tilespmem:s19], [sflag:$0x8], $0x80, v1, vm0, $0xb8;
	[tilespmem:$0x1E800] =	vst v63  }
0x18b: {  	v1 =	vld [tilespmem:$0x220];
	_ =	sdelay $0x6  }
0x18c: {  	s20 =	simm.s32 $0x4800  }
0x18d: {  	[spmem:s2] =	stream.indirect_vreg.scatter.add.f32 [tilespmem:s20], [sflag:$0x8], $0x80, v1, vm0, $0xb8;
	[tilespmem:$0x1E800] =	vst v63  }
0x18e: {  	v1 =	vld [tilespmem:$0x230];
	_ =	sdelay $0x6  }
0x18f: {  	s22 =	simm.s32 $0x5000  }
0x190: {  	[spmem:s2] =	stream.indirect_vreg.scatter.add.f32 [tilespmem:s22], [sflag:$0x8], $0x80, v1, vm0, $0xb8;
	[tilespmem:$0x1E800] =	vst v63  }
0x191: {  	v1 =	vld [tilespmem:$0x240];
	_ =	sdelay $0x6  }
0x192: {  	s19 =	simm.s32 $0x5800  }
0x193: {  	[spmem:s2] =	stream.indirect_vreg.scatter.add.f32 [tilespmem:s19], [sflag:$0x8], $0x80, v1, vm0, $0xb8;
	[tilespmem:$0x1E800] =	vst v63  }
0x194: {  	v1 =	vld [tilespmem:$0x250];
	_ =	sdelay $0x1  }
0x195: {  	s17 =	sadd.s32 $0x4, s16  }
0x196: {  	p0 =	slt.s32 s17, s6;
	s19 =	smov.u32 s6  }
0x197: {  	s19 =	smov.u32 @p0 s17  }
0x198: {  	s17 =	sshll.u32 s19, $0x9  }
0x199: {  	s17 =	sadd.s32 s8, s17  }
0x19a: {  	s20 =	simm.s32 $0x6000;
	s17 =	sshrl.u32 s17, $0x3  }
0x19b: {  	[spmem:s2] =	stream.indirect_vreg.scatter.add.f32 [tilespmem:s20], [sflag:$0x8], $0x80, v1, vm0, $0xb8;
	[tilespmem:$0x1E800] =	vst v63  }
0x19c: {  	s22 =	simm.s32 $0x0;
	s17 =	sadd.s32 s5, s17  }
0x19d: {  	[tilespmem:s23], [sflag:$0x2] =	stream.linear.gather [hbm4b:s17+s22], $0x180, $0x38;
	[tilespmem:$0x1E800] =	vst v63  }
0x19e: {  	_ =	swait.ge [sflag:s15], $0x800  }
0x19f: {  	[sflag:s15] =	ssyncset.done $0x0  }
0x1a0: {  	[sflag:s15] =	ssyncadd.s32 $0xFFFFF800  }
0x1a1: {  	_ =	swait.ge [sflag:s15], $0x800  }
0x1a2: {  	[sflag:s15] =	ssyncset.done $0x0  }
0x1a3: {  	[sflag:s15] =	ssyncadd.s32 $0xFFFFF800  }
0x1a4: {  	_ =	swait.ge [sflag:s15], $0x800  }
0x1a5: {  	[sflag:s15] =	ssyncset.done $0x0  }
0x1a6: {  	[sflag:s15] =	ssyncadd.s32 $0xFFFFF800  }
0x1a7: {  	_ =	swait.ge [sflag:s15], $0x800  }
0x1a8: {  	[sflag:s15] =	ssyncset.done $0x0  }
0x1a9: {  	[sflag:s15] =	ssyncadd.s32 $0xFFFFF800  }
0x1aa: {  	_ =	swait.ge [sflag:s15], $0x800  }
0x1ab: {  	[sflag:s15] =	ssyncset.done $0x0  }
0x1ac: {  	[sflag:s15] =	ssyncadd.s32 $0xFFFFF800  }
0x1ad: {  	_ =	swait.ge [sflag:s15], $0x800  }
0x1ae: {  	v1 =	vmov s22;
	s20 =	simm.s32 $0x3;
	[sflag:s15] =	ssyncset.done $0x0  }
0x1af: {  	v1 =	vand.u32 $0x7C, v1;
	v2 =	vmov s20;
	[sflag:s15] =	ssyncadd.s32 $0xFFFFF800  }
0x1b0: {  	v1 =	vor.u32 $0x400, v1;
	v2 =	vand.u32 $0x7F, v2;
	_ =	swait.ge [sflag:s25], $0x180  }
0x1b1: {  	v1 =	vbroadcast v1, $0x0;
	v2 =	vor.u32 $0x400, v2;
	[sflag:s25] =	ssyncset.done $0x0  }
0x1b2: {  	v2 =	vbroadcast v2, $0x0;
	[sflag:s25] =	ssyncadd.s32 $0xFFFFFE80  }
0x1b3: {  	[tilespmem:s21], [sflag:$0x4] =	stream.indirect.gather [hbm4b:s1+s26], $0x80, s22, s26, $0xb8;
	[tilespmem:$0x1E800] =	vst v63  }
0x1b4: {  	_ =	swait.ge [sflag:s7], $0x3000  }
0x1b5: {  	[sflag:s7] =	ssyncset.done $0x0  }
0x1b6: {  	[sflag:s7] =	ssyncadd.s32 $0xFFFFD000  }
0x1b7: {  	s22 =	simm.s32 $0x1;
	v3 =	vld.idx.msk [tilespmem:v1+s3+$0x0], $0xffff  }
0x1b8: {  	s17 =	simm.s32 $0x6900;
	v4 =	vmov s22;
	v1 =	vld.idx.msk [tilespmem:v2+s3+$0x0], $0xffff  }
0x1b9: {  	v2 =	vand.u32 $0x7D, v4;
	v4 =	vld [tilespmem:s17+$0xF0]  }
0x1ba: {  	v5 =	vld [tilespmem:s17+$0xFFFFFF00]  }
0x1bb: {  	v6 =	vld [tilespmem:s17+$0xFFFFFF10]  }
0x1bc: {  	v7 =	vld [tilespmem:s17+$0xFFFFFF20];
	v2 =	vor.u32 $0x400, v2  }
0x1bd: {  	v8 =	vld [tilespmem:s17+$0xFFFFFF30];
	v2 =	vbroadcast v2, $0x0  }
0x1be: {  	v9 =	vld [tilespmem:s17+$0xFFFFFF40]  }
0x1bf: {  	v10 =	vld [tilespmem:s17+$0xFFFFFF50];
	v5 =	vmul.f32 v3, v5  }
0x1c0: {  	v11 =	vld [tilespmem:s17+$0xFFFFFF60];
	v4 =	vmul.f32 v1, v4  }
0x1c1: {  	[tilespmem:s17+$0xFFFFFF00] =	vst v5;
	v5 =	vld [tilespmem:s17+$0xFFFFFF70]  }
0x1c2: {  	s20 =	simm.s32 $0x2;
	v6 =	vmul.f32 v3, v6;
	[tilespmem:s17+$0xF0] =	vst v4;
	v4 =	vmul.f32 v3, v7;
	v7 =	vld [tilespmem:s17+$0xFFFFFF90]  }
0x1c3: {  	v12 =	vmov s20;
	v13 =	vld.idx.msk [tilespmem:v2+s3+$0x0], $0xffff  }
0x1c4: {  	[tilespmem:s17+$0xFFFFFF10] =	vst v6;
	v6 =	vmul.f32 v3, v8;
	v2 =	vand.u32 $0x7E, v12;
	v12 =	vld [tilespmem:s17+$0xFFFFFF80]  }
0x1c5: {  	v11 =	vmul.f32 v3, v11;
	v8 =	vld [tilespmem:s17+$0xFFFFFFA0];
	v2 =	vor.u32 $0x400, v2;
	[tilespmem:s17+$0xFFFFFF20] =	vst v4;
	v4 =	vmul.f32 v3, v9  }
0x1c6: {  	v9 =	vld [tilespmem:s17+$0xFFFFFFB0];
	[tilespmem:s17+$0xFFFFFF30] =	vst v6;
	v6 =	vmul.f32 v3, v10;
	v2 =	vbroadcast v2, $0x0  }
0x1c7: {  	[tilespmem:s17+$0xFFFFFF60] =	vst v11;
	v10 =	vld [tilespmem:s17+$0xFFFFFFC0]  }
0x1c8: {  	[tilespmem:s17+$0xFFFFFF50] =	vst v6;
	v6 =	vld [tilespmem:s17+$0xFFFFFFE0];
	v3 =	vmul.f32 v3, v5  }
0x1c9: {  	[tilespmem:s17+$0xFFFFFF40] =	vst v4;
	v5 =	vld [tilespmem:s17+$0xFFFFFFF0];
	v4 =	vmul.f32 v13, v12  }
0x1ca: {  	v12 =	vld [tilespmem:s17+$0xFFFFFFD0];
	[tilespmem:s17+$0xFFFFFF70] =	vst v3;
	v3 =	vmul.f32 v13, v8  }
0x1cb: {  	[tilespmem:s17+$0xFFFFFF80] =	vst v4;
	v4 =	vmul.f32 v13, v7;
	v7 =	vld [tilespmem:s17+$0x0]  }
0x1cc: {  	v2 =	vld.idx.msk [tilespmem:v2+s3+$0x0], $0xffff;
	[tilespmem:s17+$0xFFFFFFA0] =	vst v3;
	v3 =	vmul.f32 v13, v10  }
0x1cd: {  	v8 =	vld [tilespmem:s17+$0x10];
	[tilespmem:s17+$0xFFFFFF90] =	vst v4;
	v4 =	vmul.f32 v13, v9  }
0x1ce: {  	s22 =	simm.s32 $0x4;
	v6 =	vmul.f32 v13, v6;
	v9 =	vld [tilespmem:s17+$0x20];
	[tilespmem:s17+$0xFFFFFFC0] =	vst v3  }
0x1cf: {  	v11 =	vmov s22;
	v10 =	vld [tilespmem:s17+$0x30];
	[tilespmem:s17+$0xFFFFFFB0] =	vst v4;
	v4 =	vmul.f32 v13, v12  }
0x1d0: {  	v11 =	vand.u32 $0x7C, v11;
	v3 =	vld [tilespmem:s17+$0x40];
	[tilespmem:s17+$0xFFFFFFE0] =	vst v6;
	v12 =	vmul.f32 v13, v5  }
0x1d1: {  	s20 =	simm.s32 $0x5;
	s22 =	simm.s32 $0x6;
	v6 =	vor.u32 $0x400, v11;
	[tilespmem:s17+$0xFFFFFFD0] =	vst v4;
	v7 =	vmul.f32 v2, v7;
	v4 =	vld [tilespmem:s17+$0x50]  }
0x1d2: {  	v11 =	vmov s22;
	v13 =	vmov s20;
	v5 =	vld [tilespmem:s17+$0x60];
	v8 =	vmul.f32 v2, v8;
	[tilespmem:s17+$0xFFFFFFF0] =	vst v12  }
0x1d3: {  	v11 =	vand.u32 $0x7E, v11;
	v12 =	vand.u32 $0x7D, v13;
	v9 =	vmul.f32 v2, v9;
	[tilespmem:s17+$0x0] =	vst v7;
	v7 =	vld [tilespmem:s17+$0x70]  }
0x1d4: {  	s19 =	simm.s32 $0x6900;
	s22 =	simm.s32 $0x7;
	v6 =	vbroadcast v6, $0x0;
	s20 =	simm.s32 $0x8;
	v10 =	vmul.f32 v2, v10;
	v12 =	vor.u32 $0x400, v12;
	[tilespmem:s17+$0x10] =	vst v8;
	v8 =	vld [tilespmem:s17+$0x80]  }
.LBB2_9:
0x1d5: {  	p0 =	slt.u32 s20, $0x5C;
	v11 =	vor.u32 $0x400, v11;
	v13 =	vmov s22;
	[tilespmem:s17+$0x20] =	vst v9;
	v3 =	vmul.f32 v2, v3;
	v9 =	vld [tilespmem:s17+$0x90]  }
0x1d6: {  	v12 =	vbroadcast v12, $0x0;
	v13 =	vand.u32 $0x7F, v13;
	[tilespmem:s17+$0x30] =	vst v10;
	v4 =	vmul.f32 v2, v4;
	v10 =	vld [tilespmem:s17+$0xA0]  }
0x1d7: {  	v11 =	vbroadcast v11, $0x0;
	v13 =	vor.u32 $0x400, v13;
	[tilespmem:s17+$0x40] =	vst v3;
	v3 =	vmul.f32 v2, v5;
	v5 =	vld [tilespmem:s17+$0xB0]  }
0x1d8: {  	v13 =	vbroadcast v13, $0x0;
	[tilespmem:s17+$0x50] =	vst v4;
	v2 =	vmul.f32 v2, v7;
	v4 =	vld [tilespmem:s17+$0xC0]  }
0x1d9: {  	[tilespmem:s17+$0x60] =	vst v3;
	v3 =	vmul.f32 v1, v8;
	v7 =	vld [tilespmem:s17+$0xD0]  }
0x1da: {  	[tilespmem:s17+$0x70] =	vst v2;
	v2 =	vmul.f32 v1, v9;
	v8 =	vld [tilespmem:s17+$0xE0]  }
0x1db: {  	v6 =	vld.idx.msk [tilespmem:v6+s3+$0x0], $0xffff;
	[tilespmem:s17+$0x80] =	vst v3;
	v3 =	vmul.f32 v1, v10  }
0x1dc: {  	v9 =	vld.idx.msk [tilespmem:v12+s3+$0x0], $0xffff;
	[tilespmem:s17+$0x90] =	vst v2;
	v5 =	vmul.f32 v1, v5  }
0x1dd: {  	v2 =	vld.idx.msk [tilespmem:v11+s3+$0x0], $0xffff;
	[tilespmem:s17+$0xA0] =	vst v3;
	v3 =	vmul.f32 v1, v4  }
0x1de: {  	s17 =	sadd.s32 $0x200, s17;
	v4 =	vld.idx.msk [tilespmem:v13+s3+$0x0], $0xffff;
	[tilespmem:s19+$0xB0] =	vst v5;
	v5 =	vmul.f32 v1, v7  }
0x1df: {  	v7 =	vld [tilespmem:s17+$0xF0];
	[tilespmem:s19+$0xC0] =	vst v3;
	v1 =	vmul.f32 v1, v8  }
0x1e0: {  	v3 =	vld [tilespmem:s17+$0xFFFFFF00];
	[tilespmem:s19+$0xD0] =	vst v5  }
0x1e1: {  	v5 =	vld [tilespmem:s17+$0xFFFFFF10];
	[tilespmem:s19+$0xE0] =	vst v1;
	s19 =	smov.u32 s17  }
0x1e2: {  	v8 =	vld [tilespmem:s17+$0xFFFFFF20]  }
0x1e3: {  	v10 =	vld [tilespmem:s17+$0xFFFFFF30]  }
0x1e4: {  	v1 =	vmov v4;
	v11 =	vld [tilespmem:s17+$0xFFFFFF40];
	v7 =	vmul.f32 v4, v7  }
0x1e5: {  	v3 =	vmul.f32 v6, v3;
	v4 =	vld [tilespmem:s17+$0xFFFFFF50]  }
0x1e6: {  	v5 =	vmul.f32 v6, v5;
	v12 =	vld [tilespmem:s17+$0xFFFFFF60];
	[tilespmem:s17+$0xF0] =	vst v7  }
0x1e7: {  	[tilespmem:s17+$0xFFFFFF00] =	vst v3;
	v3 =	vmul.f32 v6, v8;
	v7 =	vld [tilespmem:s17+$0xFFFFFF70]  }
0x1e8: {  	[tilespmem:s17+$0xFFFFFF10] =	vst v5;
	v5 =	vmul.f32 v6, v10;
	v8 =	vld [tilespmem:s17+$0xFFFFFF80]  }
0x1e9: {  	[tilespmem:s17+$0xFFFFFF20] =	vst v3;
	v3 =	vmul.f32 v6, v11;
	v10 =	vld [tilespmem:s17+$0xFFFFFF90]  }
0x1ea: {  	[tilespmem:s17+$0xFFFFFF30] =	vst v5;
	v4 =	vmul.f32 v6, v4;
	v5 =	vld [tilespmem:s17+$0xFFFFFFA0]  }
0x1eb: {  	[tilespmem:s17+$0xFFFFFF40] =	vst v3;
	v3 =	vmul.f32 v6, v12;
	v11 =	vld [tilespmem:s17+$0xFFFFFFB0]  }
0x1ec: {  	[tilespmem:s17+$0xFFFFFF50] =	vst v4;
	v4 =	vmul.f32 v6, v7;
	v6 =	vld [tilespmem:s17+$0xFFFFFFC0]  }
0x1ed: {  	[tilespmem:s17+$0xFFFFFF60] =	vst v3;
	v3 =	vmul.f32 v9, v8;
	v7 =	vld [tilespmem:s17+$0xFFFFFFD0]  }
0x1ee: {  	[tilespmem:s17+$0xFFFFFF70] =	vst v4;
	v4 =	vmul.f32 v9, v10;
	v8 =	vld [tilespmem:s17+$0xFFFFFFE0]  }
0x1ef: {  	[tilespmem:s17+$0xFFFFFF80] =	vst v3;
	v3 =	vmul.f32 v9, v5;
	v5 =	vld [tilespmem:s17+$0xFFFFFFF0]  }
0x1f0: {  	[tilespmem:s17+$0xFFFFFF90] =	vst v4;
	v4 =	vmul.f32 v9, v11;
	v10 =	vld [tilespmem:s17+$0x0]  }
0x1f1: {  	[tilespmem:s17+$0xFFFFFFA0] =	vst v3;
	v3 =	vmul.f32 v9, v6;
	v6 =	vld [tilespmem:s17+$0x10]  }
0x1f2: {  	[tilespmem:s17+$0xFFFFFFB0] =	vst v4;
	v4 =	vmul.f32 v9, v7;
	v7 =	vld [tilespmem:s17+$0x20]  }
0x1f3: {  	[tilespmem:s17+$0xFFFFFFC0] =	vst v3;
	v8 =	vmul.f32 v9, v8;
	v13 =	vld [tilespmem:s17+$0x30]  }
.Ltmp3:
0x1f4: {  	s22 =	sadd.s32 $0x1, s20;
	v11 =	vmov s20;
	[tilespmem:s17+$0xFFFFFFD0] =	vst v4;
	v5 =	vmul.f32 v9, v5;
	v3 =	vld [tilespmem:s17+$0x40];
	(pc) =	sbr.rel @p0 .LBB2_9-.Ltmp3, $4  }
0x1f5: {  	v9 =	vand.u32 $0x7C, v11;
	v11 =	vmov s22;
	s22 =	sadd.s32 $0x2, s20;
	[tilespmem:s17+$0xFFFFFFE0] =	vst v8;
	v8 =	vmul.f32 v2, v10;
	v4 =	vld [tilespmem:s17+$0x50]  }
0x1f6: {  	v10 =	vor.u32 $0x400, v9;
	v9 =	vmov s22;
	[tilespmem:s17+$0xFFFFFFF0] =	vst v5;
	v14 =	vmul.f32 v2, v6;
	v5 =	vld [tilespmem:s17+$0x60]  }
0x1f7: {  	v12 =	vand.u32 $0x7D, v11;
	v11 =	vand.u32 $0x7E, v9;
	[tilespmem:s17+$0x0] =	vst v8;
	v9 =	vmul.f32 v2, v7;
	v7 =	vld [tilespmem:s17+$0x70]  }
0x1f8: {  	s22 =	sadd.s32 $0x3, s20;
	s20 =	sadd.s32 $0x4, s20;
	v6 =	vbroadcast v10, $0x0;
	v12 =	vor.u32 $0x400, v12;
	[tilespmem:s17+$0x10] =	vst v14;
	v10 =	vmul.f32 v2, v13;
	v8 =	vld [tilespmem:s17+$0x80]  }
0x1f9: {  	v14 =	vld [tilespmem:s17+$0x90]  }
0x1fa: {  	v15 =	vld [tilespmem:s17+$0xA0]  }
0x1fb: {  	v16 =	vld [tilespmem:s17+$0xB0]  }
0x1fc: {  	v17 =	vld [tilespmem:s17+$0xC0];
	v3 =	vmul.f32 v2, v3  }
0x1fd: {  	v13 =	vmov s22;
	[tilespmem:s17+$0x20] =	vst v9;
	v32 =	vld [tilespmem:s17+$0xD0]  }
0x1fe: {  	v33 =	vld [tilespmem:s17+$0xE0];
	v13 =	vand.u32 $0x7F, v13;
	[tilespmem:s17+$0x40] =	vst v3;
	v3 =	vmul.f32 v2, v5  }
0x1ff: {  	s20 =	sadd.s32 $0x200, s17;
	[tilespmem:s17+$0x30] =	vst v10;
	v4 =	vmul.f32 v2, v4;
	v34 =	vld.idx.msk [tilespmem:v6+s3+$0x0], $0xffff;
	v13 =	vor.u32 $0x400, v13;
	v2 =	vmul.f32 v2, v7  }
0x200: {  	v38 =	vld [tilespmem:s20+$0xF0];
	v13 =	vbroadcast v13, $0x0;
	[tilespmem:s17+$0x60] =	vst v3;
	v3 =	vmul.f32 v1, v8  }
0x201: {  	v39 =	vld [tilespmem:s20+$0xFFFFFF00];
	[tilespmem:s17+$0x70] =	vst v2;
	v2 =	vmul.f32 v1, v14  }
0x202: {  	v40 =	vld [tilespmem:s20+$0xFFFFFF10];
	[tilespmem:s17+$0x80] =	vst v3;
	v3 =	vmul.f32 v1, v15  }
0x203: {  	v41 =	vld [tilespmem:s20+$0xFFFFFF20];
	[tilespmem:s17+$0x90] =	vst v2;
	v2 =	vmul.f32 v1, v16  }
0x204: {  	v42 =	vld [tilespmem:s20+$0xFFFFFF50];
	[tilespmem:s17+$0xA0] =	vst v3;
	v3 =	vmul.f32 v1, v17  }
0x205: {  	v44 =	vld [tilespmem:s20+$0xFFFFFF60];
	[tilespmem:s19+$0xB0] =	vst v2;
	v2 =	vmul.f32 v1, v32  }
0x206: {  	v12 =	vbroadcast v12, $0x0;
	v37 =	vld.idx.msk [tilespmem:v13+s3+$0x0], $0xffff;
	v1 =	vmul.f32 v1, v33;
	[tilespmem:s19+$0xC0] =	vst v3  }
0x207: {  	v3 =	vld [tilespmem:s20+$0xFFFFFF30];
	[tilespmem:s19+$0xD0] =	vst v2  }
0x208: {  	v2 =	vld [tilespmem:s20+$0xFFFFFF40];
	[tilespmem:s19+$0xE0] =	vst v1;
	v1 =	vmul.f32 v34, v39  }
0x209: {  	v45 =	vld [tilespmem:s20+$0xFFFFFF70];
	[tilespmem:s17+$0x50] =	vst v4;
	v43 =	vmul.f32 v34, v40  }
0x20a: {  	v46 =	vld [tilespmem:s20+$0xFFFFFF80];
	[tilespmem:s20+$0xFFFFFF00] =	vst v1;
	v1 =	vmul.f32 v34, v41  }
0x20b: {  	v47 =	vld [tilespmem:s20+$0xFFFFFFA0];
	[tilespmem:s20+$0xFFFFFF10] =	vst v43;
	v8 =	vmul.f32 v37, v38  }
0x20c: {  	v35 =	vld.idx.msk [tilespmem:v12+s3+$0x0], $0xffff;
	v3 =	vmul.f32 v34, v3;
	[tilespmem:s20+$0xFFFFFF20] =	vst v1  }
0x20d: {  	v11 =	vor.u32 $0x400, v11;
	[tilespmem:s20+$0xF0] =	vst v8;
	v1 =	vmul.f32 v34, v2;
	v2 =	vld [tilespmem:s20+$0xFFFFFF90]  }
0x20e: {  	v11 =	vbroadcast v11, $0x0;
	v48 =	vld [tilespmem:s20+$0xFFFFFFB0];
	[tilespmem:s20+$0xFFFFFF30] =	vst v3;
	v3 =	vmul.f32 v34, v42  }
0x20f: {  	v49 =	vld [tilespmem:s20+$0xFFFFFFC0];
	[tilespmem:s20+$0xFFFFFF40] =	vst v1;
	v1 =	vmul.f32 v34, v44  }
0x210: {  	v50 =	vld [tilespmem:s20+$0xFFFFFFD0];
	[tilespmem:s20+$0xFFFFFF50] =	vst v3;
	v3 =	vmul.f32 v34, v45  }
0x211: {  	v51 =	vld [tilespmem:s20+$0xFFFFFFF0];
	[tilespmem:s20+$0xFFFFFF60] =	vst v1;
	v1 =	vmul.f32 v35, v46  }
0x212: {  	[tilespmem:s20+$0xFFFFFF70] =	vst v3;
	v2 =	vmul.f32 v35, v2;
	v3 =	vld [tilespmem:s20+$0xFFFFFFE0]  }
0x213: {  	v52 =	vld [tilespmem:s20+$0x0];
	[tilespmem:s20+$0xFFFFFF80] =	vst v1;
	v1 =	vmul.f32 v35, v47  }
0x214: {  	v36 =	vld.idx.msk [tilespmem:v11+s3+$0x0], $0xffff;
	[tilespmem:s20+$0xFFFFFF90] =	vst v2;
	v2 =	vmul.f32 v35, v48  }
0x215: {  	v53 =	vld [tilespmem:s20+$0x10];
	[tilespmem:s20+$0xFFFFFFA0] =	vst v1;
	v1 =	vmul.f32 v35, v49  }
0x216: {  	v54 =	vld [tilespmem:s20+$0x20];
	[tilespmem:s20+$0xFFFFFFB0] =	vst v2;
	v2 =	vmul.f32 v35, v50  }
0x217: {  	[tilespmem:s20+$0xFFFFFFC0] =	vst v1;
	v1 =	vmul.f32 v35, v3;
	v3 =	vld [tilespmem:s20+$0x30]  }
0x218: {  	v55 =	vld [tilespmem:s20+$0x40];
	[tilespmem:s20+$0xFFFFFFD0] =	vst v2;
	v2 =	vmul.f32 v35, v51  }
0x219: {  	v56 =	vld [tilespmem:s20+$0x50];
	[tilespmem:s20+$0xFFFFFFE0] =	vst v1;
	v1 =	vmul.f32 v36, v52  }
0x21a: {  	v57 =	vld [tilespmem:s20+$0x60];
	[tilespmem:s20+$0xFFFFFFF0] =	vst v2;
	v2 =	vmul.f32 v36, v53  }
0x21b: {  	v58 =	vld [tilespmem:s20+$0x70];
	[tilespmem:s20+$0x0] =	vst v1;
	v1 =	vmul.f32 v36, v54  }
0x21c: {  	[tilespmem:s20+$0x10] =	vst v2;
	v2 =	vmul.f32 v36, v3;
	v3 =	vld [tilespmem:s20+$0x80]  }
0x21d: {  	v59 =	vld [tilespmem:s20+$0x90];
	[tilespmem:s20+$0x20] =	vst v1;
	v1 =	vmul.f32 v36, v55  }
0x21e: {  	v60 =	vld [tilespmem:s20+$0xA0];
	[tilespmem:s20+$0x30] =	vst v2;
	v2 =	vmul.f32 v36, v56  }
0x21f: {  	v61 =	vld [tilespmem:s20+$0xB0];
	[tilespmem:s20+$0x40] =	vst v1;
	v1 =	vmul.f32 v36, v57  }
0x220: {  	v62 =	vld [tilespmem:s20+$0xC0];
	[tilespmem:s20+$0x50] =	vst v2;
	v2 =	vmul.f32 v36, v58  }
0x221: {  	[tilespmem:s20+$0x60] =	vst v1;
	v1 =	vmul.f32 v37, v3;
	v3 =	vld [tilespmem:s20+$0xD0]  }
0x222: {  	v63 =	vld [tilespmem:s20+$0xE0];
	[tilespmem:s20+$0x70] =	vst v2;
	v2 =	vmul.f32 v37, v59  }
0x223: {  	[tilespmem:s20+$0x80] =	vst v1;
	v1 =	vmul.f32 v37, v60  }
0x224: {  	[tilespmem:s20+$0x90] =	vst v2;
	v2 =	vmul.f32 v37, v61  }
0x225: {  	[tilespmem:s20+$0xA0] =	vst v1;
	v1 =	vmul.f32 v37, v62  }
0x226: {  	[tilespmem:s20+$0xB0] =	vst v2;
	v2 =	vmul.f32 v37, v3  }
0x227: {  	[tilespmem:s20+$0xC0] =	vst v1;
	v1 =	vmul.f32 v37, v63  }
0x228: {  	[tilespmem:s20+$0xD0] =	vst v2  }
0x229: {  	[tilespmem:s20+$0xE0] =	vst v1  }
0x22a: {  	v1 =	vld [tilespmem:$0x380];
	_ =	sdelay $0x7  }
0x22b: {  	[spmem:s2] =	stream.indirect_vreg.scatter.add.f32 [tilespmem:s12], [sflag:$0x9], $0x80, v1, vm0, $0xb8;
	[tilespmem:$0x1E800] =	vst v63  }
0x22c: {  	v1 =	vld [tilespmem:$0x390];
	_ =	sdelay $0x6  }
0x22d: {  	s22 =	simm.s32 $0x7000  }
0x22e: {  	[spmem:s2] =	stream.indirect_vreg.scatter.add.f32 [tilespmem:s22], [sflag:$0x9], $0x80, v1, vm0, $0xb8;
	[tilespmem:$0x1E800] =	vst v63  }
0x22f: {  	v1 =	vld [tilespmem:$0x3A0];
	_ =	sdelay $0x7  }
0x230: {  	[spmem:s2] =	stream.indirect_vreg.scatter.add.f32 [tilespmem:s31], [sflag:$0x9], $0x80, v1, vm0, $0xb8;
	[tilespmem:$0x1E800] =	vst v63  }
0x231: {  	v1 =	vld [tilespmem:$0x3B0];
	_ =	sdelay $0x7  }
0x232: {  	[spmem:s2] =	stream.indirect_vreg.scatter.add.f32 [tilespmem:s0], [sflag:$0x9], $0x80, v1, vm0, $0xb8;
	[tilespmem:$0x1E800] =	vst v63  }
0x233: {  	v1 =	vld [tilespmem:$0x3C0];
	_ =	sdelay $0x7  }
0x234: {  	[spmem:s2] =	stream.indirect_vreg.scatter.add.f32 [tilespmem:s4], [sflag:$0x9], $0x80, v1, vm0, $0xb8;
	[tilespmem:$0x1E800] =	vst v63  }
0x235: {  	v1 =	vld [tilespmem:$0x3D0];
	_ =	sdelay $0x1  }
0x236: {  	s16 =	sadd.s32 $0x5, s16  }
0x237: {  	p0 =	slt.s32 s16, s6;
	s17 =	smov.u32 s6  }
0x238: {  	s14 =	sadd.s32 $0x1, s14;
	s17 =	smov.u32 @p0 s16  }
0x239: {  	p0 =	sne.s32 s14, s18;
	s16 =	sshll.u32 s17, $0x9  }
.Ltmp4:
0x23a: {  	s16 =	sadd.s32 s8, s16;
	(pc) =	sbr.rel @p0 .LBB2_4-.Ltmp4, $4  }
0x23b: {  	s16 =	sshrl.u32 s16, $0x3  }
0x23c: {  	[spmem:s2] =	stream.indirect_vreg.scatter.add.f32 [tilespmem:s9], [sflag:$0x9], $0x80, v1, vm0, $0xb8;
	[tilespmem:$0x1E800] =	vst v63  }
0x23d: {  	s16 =	sadd.s32 s5, s16  }
0x23e: {  	[tilespmem:s24], [sflag:$0x3] =	stream.linear.gather [hbm4b:s16+s3], $0x180, $0x38;
	[tilespmem:$0x1E800] =	vst v63  }
0x23f: {  	s10 =	simm.s32 $0x8  }
0x240: {  	_ =	swait.ge [sflag:s10], $0x800  }
0x241: {  	[sflag:s10] =	ssyncset.done $0x0  }
0x242: {  	[sflag:s10] =	ssyncadd.s32 $0xFFFFF800  }
0x243: {  	_ =	swait.ge [sflag:s10], $0x800  }
0x244: {  	[sflag:s10] =	ssyncset.done $0x0  }
0x245: {  	[sflag:s10] =	ssyncadd.s32 $0xFFFFF800  }
0x246: {  	_ =	swait.ge [sflag:s10], $0x800  }
0x247: {  	[sflag:s10] =	ssyncset.done $0x0  }
0x248: {  	[sflag:s10] =	ssyncadd.s32 $0xFFFFF800  }
0x249: {  	_ =	swait.ge [sflag:s10], $0x800  }
0x24a: {  	[sflag:s10] =	ssyncset.done $0x0  }
0x24b: {  	[sflag:s10] =	ssyncadd.s32 $0xFFFFF800  }
0x24c: {  	_ =	swait.ge [sflag:s10], $0x800  }
0x24d: {  	[sflag:s10] =	ssyncset.done $0x0  }
0x24e: {  	[sflag:s10] =	ssyncadd.s32 $0xFFFFF800  }
0x24f: {  	_ =	swait.ge [sflag:s10], $0x800  }
0x250: {  	[sflag:s10] =	ssyncset.done $0x0  }
0x251: {  	s17 =	simm.s32 $0x9;
	[sflag:s10] =	ssyncadd.s32 $0xFFFFF800  }
0x252: {  	_ =	swait.ge [sflag:s17], $0x800  }
0x253: {  	[sflag:s17] =	ssyncset.done $0x0  }
0x254: {  	[sflag:s17] =	ssyncadd.s32 $0xFFFFF800  }
0x255: {  	_ =	swait.ge [sflag:s17], $0x800  }
0x256: {  	[sflag:s17] =	ssyncset.done $0x0  }
0x257: {  	[sflag:s17] =	ssyncadd.s32 $0xFFFFF800  }
0x258: {  	_ =	swait.ge [sflag:s17], $0x800  }
0x259: {  	[sflag:s17] =	ssyncset.done $0x0  }
0x25a: {  	[sflag:s17] =	ssyncadd.s32 $0xFFFFF800  }
0x25b: {  	_ =	swait.ge [sflag:s17], $0x800  }
0x25c: {  	[sflag:s17] =	ssyncset.done $0x0  }
0x25d: {  	[sflag:s17] =	ssyncadd.s32 $0xFFFFF800  }
0x25e: {  	_ =	swait.ge [sflag:s17], $0x800  }
0x25f: {  	[sflag:s17] =	ssyncset.done $0x0  }
0x260: {  	[sflag:s17] =	ssyncadd.s32 $0xFFFFF800  }
0x261: {  	_ =	swait.ge [sflag:s17], $0x800  }
0x262: {  	[sflag:s17] =	ssyncset.done $0x0  }
0x263: {  	[sflag:s17] =	ssyncadd.s32 $0xFFFFF800  }
0x264: {  	_ =	swait.ge [sflag:s30], $0x3000  }
0x265: {  	[sflag:s30] =	ssyncset.done $0x0  }
0x266: {  	[sflag:s30] =	ssyncadd.s32 $0xFFFFD000  }
0x267: {  	_ =	swait.ge [sflag:s28], $0x180  }
0x268: {  	[sflag:s28] =	ssyncset.done $0x0  }
0x269: {  	[sflag:s28] =	ssyncadd.s32 $0xFFFFFE80  }
0x26a: {  	_ =	swait.ge [sflag:s11], $0x180  }
0x26b: {  	[sflag:s11] =	ssyncset.done $0x0  }
0x26c: {  	[sflag:s11] =	ssyncadd.s32 $0xFFFFFE80  }
0x26d: {  	s19 =	stileid.u32;
	[bflag:$0x0] =	sbarrier.arrive $0xFFFF  }
0x26e: {  	s10 =	sshll.u32 s19, $0x6;
	s16 =	rddreg [dreg:$0x4]  }
0x26f: {  	s10 =	sor.u32 $0x1C0A, s10;
	s17 =	rddreg [dreg:$0xf];
	s14 =	sshrl.u32 s16, $0x3  }
0x270: {  	[hbm:s17], [sflag:s10] =	dma.local [spmem:s14], $0x2A00  }
0x271: {  	s17 =	simm.s32 $0xA  }
0x272: {  	_ =	swait.ge [sflag:s17], $0x2A00  }
0x273: {  	s20 =	rddreg [dreg:$0x10]  }
0x274: {  	s22 =	rddreg [dreg:$0xe];
	s14 =	sadd.s32 $0x1, s20  }
0x275: {  	p0 =	sne.s32 s14, s22  }
.Ltmp5:
0x276: {  	_ = 	snop;
	(pc) =	sbr.rel @p0 .LBB2_1-.Ltmp5, $3  }
0x277: {  	_ =	sdelay $0x1  }
0x278: {  	[sflag:s17] =	ssyncset.done $0x0  }
0x279: {  	[sflag:s17] =	ssyncadd.s32 $0xFFFFD600  }
0x27a: {  	_ =	sfence.sel $0x180000  }
0x27b: {  	[bflag:$0x0] =	sbarrier.arrive $0xFFFF  }
0x27c: {  	_ =	strace $0x90000047  }
0x27d: {  	s0 =	stileid.u32;
	[bflag:$0x2] =	sbarrier.arrive $0xFFFF  }
0x27e: {  	p0 =	sne.s32 s0, $0x0;
	s0 =	rddreg [dreg:$0x3]  }
0x27f: {  	s0 =	sadd.s32 @!p0 $0x100000, s0  }
0x280: {  	[sflag:s0] =	ssyncadd.tile.s32 @!p0 $0x1;
	_ =	shalt  }
.Lfunc_end2:
_tile_overlayer_lowered:
.L_overlay_start_2:
0x281: {  	(tag) =	ssettag $0x2  }
0x282: {  	s0 =	rddreg [dreg:$0x0];
	s2 =	stileid.u32  }
0x283: {  	s1 =	rddreg [dreg:$0x1];
	p0 =	sne.s32 s2, $0x0  }
0x284: {  	s3 =	rddreg [dreg:$0x2];
	[bflag:$0x3] =	sbarrier.arrive $0xFFFF;
	s2 =	simm.s32 @!p0 $0x1C0A  }
0x285: {  	[timem:s3], [sflag:s2] =	dma.local @!p0 [hbm:s0], s1  }
0x286: {  	s0 =	simm.s32 @!p0 $0xA  }
0x287: {  	_ =	swait.ge @!p0 [sflag:s0], s1  }
0x288: {  	s1 =	ssub.s32 @!p0 $0x0, s1;
	[sflag:s0] =	ssyncset.done @!p0 $0x0  }
0x289: {  	[sflag:s0] =	ssyncadd.s32 @!p0 s1  }
0x28a: {  	[bflag:$0x3] =	sbarrier.arrive $0xFFFF  }
0x28b: {  	_ =	shalt  }

</sc_bundles>
